<compile_context>
chip_gen: v7x
topology: tpu7x:2x2x1
jax: 0.10.2.dev20260603
libtpu: 0.0.44.dev20260713+nightly
codegen_flags: <defaults>
</compile_context>

<pallas_src>
import jax
import jax.numpy as jnp
from jax import lax
from jax.experimental import pallas as pl
from jax.experimental.pallas import tpu as pltpu
from jax.experimental.pallas import tpu_sc as plsc

VOCAB = 1_000_000
D = 64
BATCH = 4096
SEQ = 50

_info = plsc.get_sparse_core_info()
NC = _info.num_cores
NS = _info.num_subcores
NW = NC * NS
CH = BATCH // NW
NB = 2


def _make_lookup():
  mesh = plsc.VectorSubcoreMesh(core_axis_name="c", subcore_axis_name="s")

  @pl.kernel(
      out_type=jax.ShapeDtypeStruct((NW, CH, SEQ, D), jnp.float32),
      mesh=mesh,
      scratch_types=(
          [pltpu.VMEM((SEQ, CH), jnp.int32)]
          + [pltpu.VMEM((CH, D), jnp.float32) for _ in range(NB)]
          + [pltpu.SemaphoreType.DMA for _ in range(2 * NB)]
      ),
  )
  def lookup(t_hbm, xt_hbm, out_hbm, idx_v, *bufs_sems):
    gbufs = bufs_sems[:NB]
    sg = bufs_sems[NB:2 * NB]
    sw = bufs_sems[2 * NB:3 * NB]
    wid = lax.axis_index("s") * NC + lax.axis_index("c")
    b0 = wid * CH
    pltpu.sync_copy(xt_hbm.at[:, pl.ds(b0, CH)], idx_v)

    def rowdma(s, b):
      @pl.loop(0, CH // 16)
      def _rows(g):
        vv = idx_v[s, pl.ds(g * 16, 16)]
        hh = lax.div(vv, VOCAB // 4)
        ll = lax.rem(vv, VOCAB // 4)
        for l in range(16):
          pltpu.async_copy(
              t_hbm.at[hh[l], ll[l]], gbufs[b].at[g * 16 + l], sg[b])

    def out_slice(s):
      return out_hbm.at[wid, :, s, :]

    rowdma(0, 0)

    @pl.loop(0, SEQ, step=NB)
    def _chunks(s0):
      for b in range(NB):
        s = s0 + b
        b2 = (b + 1) % NB

        @pl.when(s + 1 < SEQ)
        def _():
          @pl.when(s >= 1)
          def _():
            pltpu.make_async_copy(gbufs[b2], out_slice(s - 1), sw[b2]).wait()
          rowdma(s + 1, b2)

        pltpu.make_async_copy(
            t_hbm.at[0, pl.ds(0, CH), :], gbufs[b], sg[b]).wait()
        pltpu.async_copy(gbufs[b], out_slice(s), sw[b])

    for b in range(NB):
      s = SEQ - NB + b
      pltpu.make_async_copy(gbufs[b], out_slice(s), sw[b]).wait()

  return lookup


_lookup = _make_lookup()


@jax.jit
def kernel(x, table):
  t4 = table.reshape(4, VOCAB // 4, D)
  o4 = _lookup(t4, x.T.astype(jnp.int32))
  return o4.reshape(BATCH, SEQ, D)

# --- scband reference (transcript-rebuilt; emitter-appended) ---
"""Pipeline reference for scband-embeddings-layer-1262720385187 (READ-ONLY COPY).

The authoritative reference and input builder live on the scoring server;
editing this copy changes nothing except your own understanding.
"""

import jax, jax.numpy as jnp
import numpy as np

VOCAB = 1000000
D_MODEL = 64

def setup_inputs(seed: int = 0) -> dict:
    key = jax.random.key(seed)
    k1, k2 = jax.random.split(key)
    x = jax.random.randint(k1, (4096, 50), 0, VOCAB, dtype=jnp.int64 if jax.config.jax_enable_x64 else jnp.int32)
    table = jax.random.normal(k2, (VOCAB, D_MODEL), dtype=jnp.float32) * 0.05
    return {"x": x, "table": table}

def reference(x, table):
    # Faithful translation of keras Embedding lookup: out = table[x]
    return jnp.take(table, x, axis=0)

if __name__ == "__main__":
    import jax
    _d = setup_inputs()
    print(jax.jit(kernel)(*tuple(_d.values())))

</pallas_src>

<mosaic_0001>
#map = affine_map<(d0, d1) -> (0, 0, 0)>
#map1 = affine_map<(d0, d1) -> (0, 0)>
#map2 = affine_map<(d0, d1) -> (0, 0, 0, 0)>
module attributes {stable_mosaic.version = 14 : i64} {
  func.func @lookup(%arg0: i32, %arg1: i32, %arg2: memref<4x250000x64xf32, #tpu.memory_space<hbm>>, %arg3: memref<50x4096xi32, #tpu.memory_space<hbm>>, %arg4: memref<32x128x50x64xf32, #tpu.memory_space<hbm>>, %arg5: memref<50x128xi32, #tpu.memory_space<vmem>>, %arg6: memref<128x64xf32, #tpu.memory_space<vmem>>, %arg7: memref<128x64xf32, #tpu.memory_space<vmem>>, %arg8: memref<!tpu.dma_semaphore, #tpu.memory_space<semaphore_mem>>, %arg9: memref<!tpu.dma_semaphore, #tpu.memory_space<semaphore_mem>>, %arg10: memref<!tpu.dma_semaphore, #tpu.memory_space<semaphore_mem>>, %arg11: memref<!tpu.dma_semaphore, #tpu.memory_space<semaphore_mem>>) attributes {dimension_semantics = [#tpu.dimension_semantics<core_parallel>, #tpu.dimension_semantics<subcore_parallel>], iteration_bounds = array<i64: 2, 16>, scalar_prefetch = 0 : i64, scratch_operands = 7 : i64, tpu.core_type = #tpu.core_type<sc_vector_subcore>, window_params = [{transform_indices = #map}, {transform_indices = #map1}, {transform_indices = #map2}]} {
    %mul3A = arith.constant 2 : i32
    %mul3A_0 = arith.muli %arg1, %mul3A : i32
    %add3A = arith.addi %mul3A_0, %arg0 : i32
    %mul3A_1 = arith.constant 128 : i32
    %mul3A_2 = arith.muli %add3A, %mul3A_1 : i32
    "tpu.region"() ({
      %run_scoped3A = tpu.sem_alloc : memref<!tpu.dma_semaphore, #tpu.memory_space<semaphore_mem>>
      %dma_start3A = arith.constant 0 : i32
      %dma_start3A_29 = tpu.memref_slice %arg3[%dma_start3A, %mul3A_2] : memref<50x4096xi32, #tpu.memory_space<hbm>> -> memref<50x128xi32, #tpu.memory_space<hbm>>
      %dma_start3A_30 = arith.constant 0 : i32
      %dma_start3A_31 = tpu.memref_slice %arg3[%dma_start3A_30, %mul3A_2] : memref<50x4096xi32, #tpu.memory_space<hbm>> -> memref<50x128xi32, #tpu.memory_space<hbm>>
      tpu.enqueue_dma source(%dma_start3A_31 : memref<50x128xi32, #tpu.memory_space<hbm>>) target(%arg5 : memref<50x128xi32, #tpu.memory_space<vmem>>) target_semaphore(%run_scoped3A : memref<!tpu.dma_semaphore, #tpu.memory_space<semaphore_mem>>)
      %dma_wait3A_32 = arith.constant 0 : i32
      %dma_wait3A_33 = tpu.memref_slice %arg3[%dma_wait3A_32, %mul3A_2] : memref<50x4096xi32, #tpu.memory_space<hbm>> -> memref<50x128xi32, #tpu.memory_space<hbm>>
      %dma_wait3A_34 = arith.constant 0 : i32
      %dma_wait3A_35 = tpu.memref_slice %arg3[%dma_wait3A_34, %mul3A_2] : memref<50x4096xi32, #tpu.memory_space<hbm>> -> memref<50x128xi32, #tpu.memory_space<hbm>>
      tpu.wait_dma2 semaphore(%run_scoped3A : memref<!tpu.dma_semaphore, #tpu.memory_space<semaphore_mem>>) src(%dma_wait3A_35 : memref<50x128xi32, #tpu.memory_space<hbm>>) dst(%arg5 : memref<50x128xi32, #tpu.memory_space<vmem>>)
      tpu.yield
    }) : () -> ()
    %scan3A = arith.constant 0 : i32
    %scan3A_3 = arith.constant 8 : i32
    %scan3A_4 = arith.addi %scan3A, %scan3A_3 : i32
    %scan3A_5 = arith.constant 1 : i32
    scf.for %scan3A_29 = %scan3A to %scan3A_4 step %scan3A_5  : i32 {
      %mul3A_30 = arith.constant 1 : i32
      %mul3A_31 = arith.muli %scan3A_29, %mul3A_30 : i32
      %add3A_32 = arith.constant 0 : i32
      %add3A_33 = arith.addi %add3A_32, %mul3A_31 : i32
      %mul3A_34 = arith.constant 16 : i32
      %mul3A_35 = arith.muli %add3A_33, %mul3A_34 : i32
      %get3A = arith.constant 0 : i32
      %get3A_36 = arith.index_cast %get3A : i32 to index
      %get3A_37 = arith.index_cast %mul3A_35 : i32 to index
      %get3A_38 = tpu.vector_load %arg5[%get3A_36, %get3A_37] {strides = array<i32>} : memref<50x128xi32, #tpu.memory_space<vmem>>, vector<1x16xi32>,
      %get3A_39 = vector.shape_cast %get3A_38 : vector<1x16xi32> to vector<16xi32>
      %div3A = arith.constant 250000 : i32
      %div3A_40 = vector.broadcast %div3A : i32 to vector<16xi32>
      %div3A_41 = arith.divsi %get3A_39, %div3A_40 : vector<16xi32>
      %rem3A = arith.constant 250000 : i32
      %rem3A_42 = vector.broadcast %rem3A : i32 to vector<16xi32>
      %rem3A_43 = arith.remsi %get3A_39, %rem3A_42 : vector<16xi32>
      %slice3A = vector.extract_strided_slice %div3A_41 {offsets = [0], sizes = [1], strides = [1]} : vector<16xi32> to vector<1xi32>
      %squeeze3A = vector.extract %slice3A[0] : i32 from vector<1xi32>
      %slice3A_44 = vector.extract_strided_slice %rem3A_43 {offsets = [0], sizes = [1], strides = [1]} : vector<16xi32> to vector<1xi32>
      %squeeze3A_45 = vector.extract %slice3A_44[0] : i32 from vector<1xi32>
      %mul3A_46 = arith.constant 16 : i32
      %mul3A_47 = arith.muli %add3A_33, %mul3A_46 : i32
      %add3A_48 = arith.constant 0 : i32
      %add3A_49 = arith.addi %mul3A_47, %add3A_48 : i32
      %dma_start3A = arith.constant 0 : i32
      %dma_start3A_50 = tpu.memref_slice %arg6[%add3A_49, %dma_start3A] : memref<128x64xf32, #tpu.memory_space<vmem>> -> memref<1x64xf32, #tpu.memory_space<vmem>>
      %dma_start3A_51 = tpu.memref_squeeze %dma_start3A_50 : memref<1x64xf32, #tpu.memory_space<vmem>> -> memref<64xf32, #tpu.memory_space<vmem>>
      %dma_start3A_52 = arith.constant 0 : i32
      %dma_start3A_53 = tpu.memref_slice %arg2[%squeeze3A, %squeeze3A_45, %dma_start3A_52] : memref<4x250000x64xf32, #tpu.memory_space<hbm>> -> memref<1x1x64xf32, #tpu.memory_space<hbm>>
      %dma_start3A_54 = tpu.memref_squeeze %dma_start3A_53 : memref<1x1x64xf32, #tpu.memory_space<hbm>> -> memref<64xf32, #tpu.memory_space<hbm>>
      %dma_start3A_55 = arith.constant 0 : i32
      %dma_start3A_56 = tpu.memref_slice %arg6[%add3A_49, %dma_start3A_55] : memref<128x64xf32, #tpu.memory_space<vmem>> -> memref<1x64xf32, #tpu.memory_space<vmem>>
      %dma_start3A_57 = tpu.memref_squeeze %dma_start3A_56 : memref<1x64xf32, #tpu.memory_space<vmem>> -> memref<64xf32, #tpu.memory_space<vmem>>
      %dma_start3A_58 = arith.constant 0 : i32
      %dma_start3A_59 = tpu.memref_slice %arg2[%squeeze3A, %squeeze3A_45, %dma_start3A_58] : memref<4x250000x64xf32, #tpu.memory_space<hbm>> -> memref<1x1x64xf32, #tpu.memory_space<hbm>>
      %dma_start3A_60 = tpu.memref_squeeze %dma_start3A_59 : memref<1x1x64xf32, #tpu.memory_space<hbm>> -> memref<64xf32, #tpu.memory_space<hbm>>
      tpu.enqueue_dma source(%dma_start3A_60 : memref<64xf32, #tpu.memory_space<hbm>>) target(%dma_start3A_57 : memref<64xf32, #tpu.memory_space<vmem>>) target_semaphore(%arg8 : memref<!tpu.dma_semaphore, #tpu.memory_space<semaphore_mem>>)
      %slice3A_61 = vector.extract_strided_slice %div3A_41 {offsets = [1], sizes = [1], strides = [1]} : vector<16xi32> to vector<1xi32>
      %squeeze3A_62 = vector.extract %slice3A_61[0] : i32 from vector<1xi32>
      %slice3A_63 = vector.extract_strided_slice %rem3A_43 {offsets = [1], sizes = [1], strides = [1]} : vector<16xi32> to vector<1xi32>
      %squeeze3A_64 = vector.extract %slice3A_63[0] : i32 from vector<1xi32>
      %mul3A_65 = arith.constant 16 : i32
      %mul3A_66 = arith.muli %add3A_33, %mul3A_65 : i32
      %add3A_67 = arith.constant 1 : i32
      %add3A_68 = arith.addi %mul3A_66, %add3A_67 : i32
      %dma_start3A_69 = arith.constant 0 : i32
      %dma_start3A_70 = tpu.memref_slice %arg6[%add3A_68, %dma_start3A_69] : memref<128x64xf32, #tpu.memory_space<vmem>> -> memref<1x64xf32, #tpu.memory_space<vmem>>
      %dma_start3A_71 = tpu.memref_squeeze %dma_start3A_70 : memref<1x64xf32, #tpu.memory_space<vmem>> -> memref<64xf32, #tpu.memory_space<vmem>>
      %dma_start3A_72 = arith.constant 0 : i32
      %dma_start3A_73 = tpu.memref_slice %arg2[%squeeze3A_62, %squeeze3A_64, %dma_start3A_72] : memref<4x250000x64xf32, #tpu.memory_space<hbm>> -> memref<1x1x64xf32, #tpu.memory_space<hbm>>
      %dma_start3A_74 = tpu.memref_squeeze %dma_start3A_73 : memref<1x1x64xf32, #tpu.memory_space<hbm>> -> memref<64xf32, #tpu.memory_space<hbm>>
      %dma_start3A_75 = arith.constant 0 : i32
      %dma_start3A_76 = tpu.memref_slice %arg6[%add3A_68, %dma_start3A_75] : memref<128x64xf32, #tpu.memory_space<vmem>> -> memref<1x64xf32, #tpu.memory_space<vmem>>
      %dma_start3A_77 = tpu.memref_squeeze %dma_start3A_76 : memref<1x64xf32, #tpu.memory_space<vmem>> -> memref<64xf32, #tpu.memory_space<vmem>>
      %dma_start3A_78 = arith.constant 0 : i32
      %dma_start3A_79 = tpu.memref_slice %arg2[%squeeze3A_62, %squeeze3A_64, %dma_start3A_78] : memref<4x250000x64xf32, #tpu.memory_space<hbm>> -> memref<1x1x64xf32, #tpu.memory_space<hbm>>
      %dma_start3A_80 = tpu.memref_squeeze %dma_start3A_79 : memref<1x1x64xf32, #tpu.memory_space<hbm>> -> memref<64xf32, #tpu.memory_space<hbm>>
      tpu.enqueue_dma source(%dma_start3A_80 : memref<64xf32, #tpu.memory_space<hbm>>) target(%dma_start3A_77 : memref<64xf32, #tpu.memory_space<vmem>>) target_semaphore(%arg8 : memref<!tpu.dma_semaphore, #tpu.memory_space<semaphore_mem>>)
      %slice3A_81 = vector.extract_strided_slice %div3A_41 {offsets = [2], sizes = [1], strides = [1]} : vector<16xi32> to vector<1xi32>
      %squeeze3A_82 = vector.extract %slice3A_81[0] : i32 from vector<1xi32>
      %slice3A_83 = vector.extract_strided_slice %rem3A_43 {offsets = [2], sizes = [1], strides = [1]} : vector<16xi32> to vector<1xi32>
      %squeeze3A_84 = vector.extract %slice3A_83[0] : i32 from vector<1xi32>
      %mul3A_85 = arith.constant 16 : i32
      %mul3A_86 = arith.muli %add3A_33, %mul3A_85 : i32
      %add3A_87 = arith.constant 2 : i32
      %add3A_88 = arith.addi %mul3A_86, %add3A_87 : i32
      %dma_start3A_89 = arith.constant 0 : i32
      %dma_start3A_90 = tpu.memref_slice %arg6[%add3A_88, %dma_start3A_89] : memref<128x64xf32, #tpu.memory_space<vmem>> -> memref<1x64xf32, #tpu.memory_space<vmem>>
      %dma_start3A_91 = tpu.memref_squeeze %dma_start3A_90 : memref<1x64xf32, #tpu.memory_space<vmem>> -> memref<64xf32, #tpu.memory_space<vmem>>
      %dma_start3A_92 = arith.constant 0 : i32
      %dma_start3A_93 = tpu.memref_slice %arg2[%squeeze3A_82, %squeeze3A_84, %dma_start3A_92] : memref<4x250000x64xf32, #tpu.memory_space<hbm>> -> memref<1x1x64xf32, #tpu.memory_space<hbm>>
      %dma_start3A_94 = tpu.memref_squeeze %dma_start3A_93 : memref<1x1x64xf32, #tpu.memory_space<hbm>> -> memref<64xf32, #tpu.memory_space<hbm>>
      %dma_start3A_95 = arith.constant 0 : i32
      %dma_start3A_96 = tpu.memref_slice %arg6[%add3A_88, %dma_start3A_95] : memref<128x64xf32, #tpu.memory_space<vmem>> -> memref<1x64xf32, #tpu.memory_space<vmem>>
      %dma_start3A_97 = tpu.memref_squeeze %dma_start3A_96 : memref<1x64xf32, #tpu.memory_space<vmem>> -> memref<64xf32, #tpu.memory_space<vmem>>
      %dma_start3A_98 = arith.constant 0 : i32
      %dma_start3A_99 = tpu.memref_slice %arg2[%squeeze3A_82, %squeeze3A_84, %dma_start3A_98] : memref<4x250000x64xf32, #tpu.memory_space<hbm>> -> memref<1x1x64xf32, #tpu.memory_space<hbm>>
      %dma_start3A_100 = tpu.memref_squeeze %dma_start3A_99 : memref<1x1x64xf32, #tpu.memory_space<hbm>> -> memref<64xf32, #tpu.memory_space<hbm>>
      tpu.enqueue_dma source(%dma_start3A_100 : memref<64xf32, #tpu.memory_space<hbm>>) target(%dma_start3A_97 : memref<64xf32, #tpu.memory_space<vmem>>) target_semaphore(%arg8 : memref<!tpu.dma_semaphore, #tpu.memory_space<semaphore_mem>>)
      %slice3A_101 = vector.extract_strided_slice %div3A_41 {offsets = [3], sizes = [1], strides = [1]} : vector<16xi32> to vector<1xi32>
      %squeeze3A_102 = vector.extract %slice3A_101[0] : i32 from vector<1xi32>
      %slice3A_103 = vector.extract_strided_slice %rem3A_43 {offsets = [3], sizes = [1], strides = [1]} : vector<16xi32> to vector<1xi32>
      %squeeze3A_104 = vector.extract %slice3A_103[0] : i32 from vector<1xi32>
      %mul3A_105 = arith.constant 16 : i32
      %mul3A_106 = arith.muli %add3A_33, %mul3A_105 : i32
      %add3A_107 = arith.constant 3 : i32
      %add3A_108 = arith.addi %mul3A_106, %add3A_107 : i32
      %dma_start3A_109 = arith.constant 0 : i32
      %dma_start3A_110 = tpu.memref_slice %arg6[%add3A_108, %dma_start3A_109] : memref<128x64xf32, #tpu.memory_space<vmem>> -> memref<1x64xf32, #tpu.memory_space<vmem>>
      %dma_start3A_111 = tpu.memref_squeeze %dma_start3A_110 : memref<1x64xf32, #tpu.memory_space<vmem>> -> memref<64xf32, #tpu.memory_space<vmem>>
      %dma_start3A_112 = arith.constant 0 : i32
      %dma_start3A_113 = tpu.memref_slice %arg2[%squeeze3A_102, %squeeze3A_104, %dma_start3A_112] : memref<4x250000x64xf32, #tpu.memory_space<hbm>> -> memref<1x1x64xf32, #tpu.memory_space<hbm>>
      %dma_start3A_114 = tpu.memref_squeeze %dma_start3A_113 : memref<1x1x64xf32, #tpu.memory_space<hbm>> -> memref<64xf32, #tpu.memory_space<hbm>>
      %dma_start3A_115 = arith.constant 0 : i32
      %dma_start3A_116 = tpu.memref_slice %arg6[%add3A_108, %dma_start3A_115] : memref<128x64xf32, #tpu.memory_space<vmem>> -> memref<1x64xf32, #tpu.memory_space<vmem>>
      %dma_start3A_117 = tpu.memref_squeeze %dma_start3A_116 : memref<1x64xf32, #tpu.memory_space<vmem>> -> memref<64xf32, #tpu.memory_space<vmem>>
      %dma_start3A_118 = arith.constant 0 : i32
      %dma_start3A_119 = tpu.memref_slice %arg2[%squeeze3A_102, %squeeze3A_104, %dma_start3A_118] : memref<4x250000x64xf32, #tpu.memory_space<hbm>> -> memref<1x1x64xf32, #tpu.memory_space<hbm>>
      %dma_start3A_120 = tpu.memref_squeeze %dma_start3A_119 : memref<1x1x64xf32, #tpu.memory_space<hbm>> -> memref<64xf32, #tpu.memory_space<hbm>>
      tpu.enqueue_dma source(%dma_start3A_120 : memref<64xf32, #tpu.memory_space<hbm>>) target(%dma_start3A_117 : memref<64xf32, #tpu.memory_space<vmem>>) target_semaphore(%arg8 : memref<!tpu.dma_semaphore, #tpu.memory_space<semaphore_mem>>)
      %slice3A_121 = vector.extract_strided_slice %div3A_41 {offsets = [4], sizes = [1], strides = [1]} : vector<16xi32> to vector<1xi32>
      %squeeze3A_122 = vector.extract %slice3A_121[0] : i32 from vector<1xi32>
      %slice3A_123 = vector.extract_strided_slice %rem3A_43 {offsets = [4], sizes = [1], strides = [1]} : vector<16xi32> to vector<1xi32>
      %squeeze3A_124 = vector.extract %slice3A_123[0] : i32 from vector<1xi32>
      %mul3A_125 = arith.constant 16 : i32
      %mul3A_126 = arith.muli %add3A_33, %mul3A_125 : i32
      %add3A_127 = arith.constant 4 : i32
      %add3A_128 = arith.addi %mul3A_126, %add3A_127 : i32
      %dma_start3A_129 = arith.constant 0 : i32
      %dma_start3A_130 = tpu.memref_slice %arg6[%add3A_128, %dma_start3A_129] : memref<128x64xf32, #tpu.memory_space<vmem>> -> memref<1x64xf32, #tpu.memory_space<vmem>>
      %dma_start3A_131 = tpu.memref_squeeze %dma_start3A_130 : memref<1x64xf32, #tpu.memory_space<vmem>> -> memref<64xf32, #tpu.memory_space<vmem>>
      %dma_start3A_132 = arith.constant 0 : i32
      %dma_start3A_133 = tpu.memref_slice %arg2[%squeeze3A_122, %squeeze3A_124, %dma_start3A_132] : memref<4x250000x64xf32, #tpu.memory_space<hbm>> -> memref<1x1x64xf32, #tpu.memory_space<hbm>>
      %dma_start3A_134 = tpu.memref_squeeze %dma_start3A_133 : memref<1x1x64xf32, #tpu.memory_space<hbm>> -> memref<64xf32, #tpu.memory_space<hbm>>
      %dma_start3A_135 = arith.constant 0 : i32
      %dma_start3A_136 = tpu.memref_slice %arg6[%add3A_128, %dma_start3A_135] : memref<128x64xf32, #tpu.memory_space<vmem>> -> memref<1x64xf32, #tpu.memory_space<vmem>>
      %dma_start3A_137 = tpu.memref_squeeze %dma_start3A_136 : memref<1x64xf32, #tpu.memory_space<vmem>> -> memref<64xf32, #tpu.memory_space<vmem>>
      %dma_start3A_138 = arith.constant 0 : i32
      %dma_start3A_139 = tpu.memref_slice %arg2[%squeeze3A_122, %squeeze3A_124, %dma_start3A_138] : memref<4x250000x64xf32, #tpu.memory_space<hbm>> -> memref<1x1x64xf32, #tpu.memory_space<hbm>>
      %dma_start3A_140 = tpu.memref_squeeze %dma_start3A_139 : memref<1x1x64xf32, #tpu.memory_space<hbm>> -> memref<64xf32, #tpu.memory_space<hbm>>
      tpu.enqueue_dma source(%dma_start3A_140 : memref<64xf32, #tpu.memory_space<hbm>>) target(%dma_start3A_137 : memref<64xf32, #tpu.memory_space<vmem>>) target_semaphore(%arg8 : memref<!tpu.dma_semaphore, #tpu.memory_space<semaphore_mem>>)
      %slice3A_141 = vector.extract_strided_slice %div3A_41 {offsets = [5], sizes = [1], strides = [1]} : vector<16xi32> to vector<1xi32>
      %squeeze3A_142 = vector.extract %slice3A_141[0] : i32 from vector<1xi32>
      %slice3A_143 = vector.extract_strided_slice %rem3A_43 {offsets = [5], sizes = [1], strides = [1]} : vector<16xi32> to vector<1xi32>
      %squeeze3A_144 = vector.extract %slice3A_143[0] : i32 from vector<1xi32>
      %mul3A_145 = arith.constant 16 : i32
      %mul3A_146 = arith.muli %add3A_33, %mul3A_145 : i32
      %add3A_147 = arith.constant 5 : i32
      %add3A_148 = arith.addi %mul3A_146, %add3A_147 : i32
      %dma_start3A_149 = arith.constant 0 : i32
      %dma_start3A_150 = tpu.memref_slice %arg6[%add3A_148, %dma_start3A_149] : memref<128x64xf32, #tpu.memory_space<vmem>> -> memref<1x64xf32, #tpu.memory_space<vmem>>
      %dma_start3A_151 = tpu.memref_squeeze %dma_start3A_150 : memref<1x64xf32, #tpu.memory_space<vmem>> -> memref<64xf32, #tpu.memory_space<vmem>>
      %dma_start3A_152 = arith.constant 0 : i32
      %dma_start3A_153 = tpu.memref_slice %arg2[%squeeze3A_142, %squeeze3A_144, %dma_start3A_152] : memref<4x250000x64xf32, #tpu.memory_space<hbm>> -> memref<1x1x64xf32, #tpu.memory_space<hbm>>
      %dma_start3A_154 = tpu.memref_squeeze %dma_start3A_153 : memref<1x1x64xf32, #tpu.memory_space<hbm>> -> memref<64xf32, #tpu.memory_space<hbm>>
      %dma_start3A_155 = arith.constant 0 : i32
      %dma_start3A_156 = tpu.memref_slice %arg6[%add3A_148, %dma_start3A_155] : memref<128x64xf32, #tpu.memory_space<vmem>> -> memref<1x64xf32, #tpu.memory_space<vmem>>
      %dma_start3A_157 = tpu.memref_squeeze %dma_start3A_156 : memref<1x64xf32, #tpu.memory_space<vmem>> -> memref<64xf32, #tpu.memory_space<vmem>>
      %dma_start3A_158 = arith.constant 0 : i32
      %dma_start3A_159 = tpu.memref_slice %arg2[%squeeze3A_142, %squeeze3A_144, %dma_start3A_158] : memref<4x250000x64xf32, #tpu.memory_space<hbm>> -> memref<1x1x64xf32, #tpu.memory_space<hbm>>
      %dma_start3A_160 = tpu.memref_squeeze %dma_start3A_159 : memref<1x1x64xf32, #tpu.memory_space<hbm>> -> memref<64xf32, #tpu.memory_space<hbm>>
      tpu.enqueue_dma source(%dma_start3A_160 : memref<64xf32, #tpu.memory_space<hbm>>) target(%dma_start3A_157 : memref<64xf32, #tpu.memory_space<vmem>>) target_semaphore(%arg8 : memref<!tpu.dma_semaphore, #tpu.memory_space<semaphore_mem>>)
      %slice3A_161 = vector.extract_strided_slice %div3A_41 {offsets = [6], sizes = [1], strides = [1]} : vector<16xi32> to vector<1xi32>
      %squeeze3A_162 = vector.extract %slice3A_161[0] : i32 from vector<1xi32>
      %slice3A_163 = vector.extract_strided_slice %rem3A_43 {offsets = [6], sizes = [1], strides = [1]} : vector<16xi32> to vector<1xi32>
      %squeeze3A_164 = vector.extract %slice3A_163[0] : i32 from vector<1xi32>
      %mul3A_165 = arith.constant 16 : i32
      %mul3A_166 = arith.muli %add3A_33, %mul3A_165 : i32
      %add3A_167 = arith.constant 6 : i32
      %add3A_168 = arith.addi %mul3A_166, %add3A_167 : i32
      %dma_start3A_169 = arith.constant 0 : i32
      %dma_start3A_170 = tpu.memref_slice %arg6[%add3A_168, %dma_start3A_169] : memref<128x64xf32, #tpu.memory_space<vmem>> -> memref<1x64xf32, #tpu.memory_space<vmem>>
      %dma_start3A_171 = tpu.memref_squeeze %dma_start3A_170 : memref<1x64xf32, #tpu.memory_space<vmem>> -> memref<64xf32, #tpu.memory_space<vmem>>
      %dma_start3A_172 = arith.constant 0 : i32
      %dma_start3A_173 = tpu.memref_slice %arg2[%squeeze3A_162, %squeeze3A_164, %dma_start3A_172] : memref<4x250000x64xf32, #tpu.memory_space<hbm>> -> memref<1x1x64xf32, #tpu.memory_space<hbm>>
      %dma_start3A_174 = tpu.memref_squeeze %dma_start3A_173 : memref<1x1x64xf32, #tpu.memory_space<hbm>> -> memref<64xf32, #tpu.memory_space<hbm>>
      %dma_start3A_175 = arith.constant 0 : i32
      %dma_start3A_176 = tpu.memref_slice %arg6[%add3A_168, %dma_start3A_175] : memref<128x64xf32, #tpu.memory_space<vmem>> -> memref<1x64xf32, #tpu.memory_space<vmem>>
      %dma_start3A_177 = tpu.memref_squeeze %dma_start3A_176 : memref<1x64xf32, #tpu.memory_space<vmem>> -> memref<64xf32, #tpu.memory_space<vmem>>
      %dma_start3A_178 = arith.constant 0 : i32
      %dma_start3A_179 = tpu.memref_slice %arg2[%squeeze3A_162, %squeeze3A_164, %dma_start3A_178] : memref<4x250000x64xf32, #tpu.memory_space<hbm>> -> memref<1x1x64xf32, #tpu.memory_space<hbm>>
      %dma_start3A_180 = tpu.memref_squeeze %dma_start3A_179 : memref<1x1x64xf32, #tpu.memory_space<hbm>> -> memref<64xf32, #tpu.memory_space<hbm>>
      tpu.enqueue_dma source(%dma_start3A_180 : memref<64xf32, #tpu.memory_space<hbm>>) target(%dma_start3A_177 : memref<64xf32, #tpu.memory_space<vmem>>) target_semaphore(%arg8 : memref<!tpu.dma_semaphore, #tpu.memory_space<semaphore_mem>>)
      %slice3A_181 = vector.extract_strided_slice %div3A_41 {offsets = [7], sizes = [1], strides = [1]} : vector<16xi32> to vector<1xi32>
      %squeeze3A_182 = vector.extract %slice3A_181[0] : i32 from vector<1xi32>
      %slice3A_183 = vector.extract_strided_slice %rem3A_43 {offsets = [7], sizes = [1], strides = [1]} : vector<16xi32> to vector<1xi32>
      %squeeze3A_184 = vector.extract %slice3A_183[0] : i32 from vector<1xi32>
      %mul3A_185 = arith.constant 16 : i32
      %mul3A_186 = arith.muli %add3A_33, %mul3A_185 : i32
      %add3A_187 = arith.constant 7 : i32
      %add3A_188 = arith.addi %mul3A_186, %add3A_187 : i32
      %dma_start3A_189 = arith.constant 0 : i32
      %dma_start3A_190 = tpu.memref_slice %arg6[%add3A_188, %dma_start3A_189] : memref<128x64xf32, #tpu.memory_space<vmem>> -> memref<1x64xf32, #tpu.memory_space<vmem>>
      %dma_start3A_191 = tpu.memref_squeeze %dma_start3A_190 : memref<1x64xf32, #tpu.memory_space<vmem>> -> memref<64xf32, #tpu.memory_space<vmem>>
      %dma_start3A_192 = arith.constant 0 : i32
      %dma_start3A_193 = tpu.memref_slice %arg2[%squeeze3A_182, %squeeze3A_184, %dma_start3A_192] : memref<4x250000x64xf32, #tpu.memory_space<hbm>> -> memref<1x1x64xf32, #tpu.memory_space<hbm>>
      %dma_start3A_194 = tpu.memref_squeeze %dma_start3A_193 : memref<1x1x64xf32, #tpu.memory_space<hbm>> -> memref<64xf32, #tpu.memory_space<hbm>>
      %dma_start3A_195 = arith.constant 0 : i32
      %dma_start3A_196 = tpu.memref_slice %arg6[%add3A_188, %dma_start3A_195] : memref<128x64xf32, #tpu.memory_space<vmem>> -> memref<1x64xf32, #tpu.memory_space<vmem>>
      %dma_start3A_197 = tpu.memref_squeeze %dma_start3A_196 : memref<1x64xf32, #tpu.memory_space<vmem>> -> memref<64xf32, #tpu.memory_space<vmem>>
      %dma_start3A_198 = arith.constant 0 : i32
      %dma_start3A_199 = tpu.memref_slice %arg2[%squeeze3A_182, %squeeze3A_184, %dma_start3A_198] : memref<4x250000x64xf32, #tpu.memory_space<hbm>> -> memref<1x1x64xf32, #tpu.memory_space<hbm>>
      %dma_start3A_200 = tpu.memref_squeeze %dma_start3A_199 : memref<1x1x64xf32, #tpu.memory_space<hbm>> -> memref<64xf32, #tpu.memory_space<hbm>>
      tpu.enqueue_dma source(%dma_start3A_200 : memref<64xf32, #tpu.memory_space<hbm>>) target(%dma_start3A_197 : memref<64xf32, #tpu.memory_space<vmem>>) target_semaphore(%arg8 : memref<!tpu.dma_semaphore, #tpu.memory_space<semaphore_mem>>)
      %slice3A_201 = vector.extract_strided_slice %div3A_41 {offsets = [8], sizes = [1], strides = [1]} : vector<16xi32> to vector<1xi32>
      %squeeze3A_202 = vector.extract %slice3A_201[0] : i32 from vector<1xi32>
      %slice3A_203 = vector.extract_strided_slice %rem3A_43 {offsets = [8], sizes = [1], strides = [1]} : vector<16xi32> to vector<1xi32>
      %squeeze3A_204 = vector.extract %slice3A_203[0] : i32 from vector<1xi32>
      %mul3A_205 = arith.constant 16 : i32
      %mul3A_206 = arith.muli %add3A_33, %mul3A_205 : i32
      %add3A_207 = arith.constant 8 : i32
      %add3A_208 = arith.addi %mul3A_206, %add3A_207 : i32
      %dma_start3A_209 = arith.constant 0 : i32
      %dma_start3A_210 = tpu.memref_slice %arg6[%add3A_208, %dma_start3A_209] : memref<128x64xf32, #tpu.memory_space<vmem>> -> memref<1x64xf32, #tpu.memory_space<vmem>>
      %dma_start3A_211 = tpu.memref_squeeze %dma_start3A_210 : memref<1x64xf32, #tpu.memory_space<vmem>> -> memref<64xf32, #tpu.memory_space<vmem>>
      %dma_start3A_212 = arith.constant 0 : i32
      %dma_start3A_213 = tpu.memref_slice %arg2[%squeeze3A_202, %squeeze3A_204, %dma_start3A_212] : memref<4x250000x64xf32, #tpu.memory_space<hbm>> -> memref<1x1x64xf32, #tpu.memory_space<hbm>>
      %dma_start3A_214 = tpu.memref_squeeze %dma_start3A_213 : memref<1x1x64xf32, #tpu.memory_space<hbm>> -> memref<64xf32, #tpu.memory_space<hbm>>
      %dma_start3A_215 = arith.constant 0 : i32
      %dma_start3A_216 = tpu.memref_slice %arg6[%add3A_208, %dma_start3A_215] : memref<128x64xf32, #tpu.memory_space<vmem>> -> memref<1x64xf32, #tpu.memory_space<vmem>>
      %dma_start3A_217 = tpu.memref_squeeze %dma_start3A_216 : memref<1x64xf32, #tpu.memory_space<vmem>> -> memref<64xf32, #tpu.memory_space<vmem>>
      %dma_start3A_218 = arith.constant 0 : i32
      %dma_start3A_219 = tpu.memref_slice %arg2[%squeeze3A_202, %squeeze3A_204, %dma_start3A_218] : memref<4x250000x64xf32, #tpu.memory_space<hbm>> -> memref<1x1x64xf32, #tpu.memory_space<hbm>>
      %dma_start3A_220 = tpu.memref_squeeze %dma_start3A_219 : memref<1x1x64xf32, #tpu.memory_space<hbm>> -> memref<64xf32, #tpu.memory_space<hbm>>
      tpu.enqueue_dma source(%dma_start3A_220 : memref<64xf32, #tpu.memory_space<hbm>>) target(%dma_start3A_217 : memref<64xf32, #tpu.memory_space<vmem>>) target_semaphore(%arg8 : memref<!tpu.dma_semaphore, #tpu.memory_space<semaphore_mem>>)
      %slice3A_221 = vector.extract_strided_slice %div3A_41 {offsets = [9], sizes = [1], strides = [1]} : vector<16xi32> to vector<1xi32>
      %squeeze3A_222 = vector.extract %slice3A_221[0] : i32 from vector<1xi32>
      %slice3A_223 = vector.extract_strided_slice %rem3A_43 {offsets = [9], sizes = [1], strides = [1]} : vector<16xi32> to vector<1xi32>
      %squeeze3A_224 = vector.extract %slice3A_223[0] : i32 from vector<1xi32>
      %mul3A_225 = arith.constant 16 : i32
      %mul3A_226 = arith.muli %add3A_33, %mul3A_225 : i32
      %add3A_227 = arith.constant 9 : i32
      %add3A_228 = arith.addi %mul3A_226, %add3A_227 : i32
      %dma_start3A_229 = arith.constant 0 : i32
      %dma_start3A_230 = tpu.memref_slice %arg6[%add3A_228, %dma_start3A_229] : memref<128x64xf32, #tpu.memory_space<vmem>> -> memref<1x64xf32, #tpu.memory_space<vmem>>
      %dma_start3A_231 = tpu.memref_squeeze %dma_start3A_230 : memref<1x64xf32, #tpu.memory_space<vmem>> -> memref<64xf32, #tpu.memory_space<vmem>>
      %dma_start3A_232 = arith.constant 0 : i32
      %dma_start3A_233 = tpu.memref_slice %arg2[%squeeze3A_222, %squeeze3A_224, %dma_start3A_232] : memref<4x250000x64xf32, #tpu.memory_space<hbm>> -> memref<1x1x64xf32, #tpu.memory_space<hbm>>
      %dma_start3A_234 = tpu.memref_squeeze %dma_start3A_233 : memref<1x1x64xf32, #tpu.memory_space<hbm>> -> memref<64xf32, #tpu.memory_space<hbm>>
      %dma_start3A_235 = arith.constant 0 : i32
      %dma_start3A_236 = tpu.memref_slice %arg6[%add3A_228, %dma_start3A_235] : memref<128x64xf32, #tpu.memory_space<vmem>> -> memref<1x64xf32, #tpu.memory_space<vmem>>
      %dma_start3A_237 = tpu.memref_squeeze %dma_start3A_236 : memref<1x64xf32, #tpu.memory_space<vmem>> -> memref<64xf32, #tpu.memory_space<vmem>>
      %dma_start3A_238 = arith.constant 0 : i32
      %dma_start3A_239 = tpu.memref_slice %arg2[%squeeze3A_222, %squeeze3A_224, %dma_start3A_238] : memref<4x250000x64xf32, #tpu.memory_space<hbm>> -> memref<1x1x64xf32, #tpu.memory_space<hbm>>
      %dma_start3A_240 = tpu.memref_squeeze %dma_start3A_239 : memref<1x1x64xf32, #tpu.memory_space<hbm>> -> memref<64xf32, #tpu.memory_space<hbm>>
      tpu.enqueue_dma source(%dma_start3A_240 : memref<64xf32, #tpu.memory_space<hbm>>) target(%dma_start3A_237 : memref<64xf32, #tpu.memory_space<vmem>>) target_semaphore(%arg8 : memref<!tpu.dma_semaphore, #tpu.memory_space<semaphore_mem>>)
      %slice3A_241 = vector.extract_strided_slice %div3A_41 {offsets = [10], sizes = [1], strides = [1]} : vector<16xi32> to vector<1xi32>
      %squeeze3A_242 = vector.extract %slice3A_241[0] : i32 from vector<1xi32>
      %slice3A_243 = vector.extract_strided_slice %rem3A_43 {offsets = [10], sizes = [1], strides = [1]} : vector<16xi32> to vector<1xi32>
      %squeeze3A_244 = vector.extract %slice3A_243[0] : i32 from vector<1xi32>
      %mul3A_245 = arith.constant 16 : i32
      %mul3A_246 = arith.muli %add3A_33, %mul3A_245 : i32
      %add3A_247 = arith.constant 10 : i32
      %add3A_248 = arith.addi %mul3A_246, %add3A_247 : i32
      %dma_start3A_249 = arith.constant 0 : i32
      %dma_start3A_250 = tpu.memref_slice %arg6[%add3A_248, %dma_start3A_249] : memref<128x64xf32, #tpu.memory_space<vmem>> -> memref<1x64xf32, #tpu.memory_space<vmem>>
      %dma_start3A_251 = tpu.memref_squeeze %dma_start3A_250 : memref<1x64xf32, #tpu.memory_space<vmem>> -> memref<64xf32, #tpu.memory_space<vmem>>
      %dma_start3A_252 = arith.constant 0 : i32
      %dma_start3A_253 = tpu.memref_slice %arg2[%squeeze3A_242, %squeeze3A_244, %dma_start3A_252] : memref<4x250000x64xf32, #tpu.memory_space<hbm>> -> memref<1x1x64xf32, #tpu.memory_space<hbm>>
      %dma_start3A_254 = tpu.memref_squeeze %dma_start3A_253 : memref<1x1x64xf32, #tpu.memory_space<hbm>> -> memref<64xf32, #tpu.memory_space<hbm>>
      %dma_start3A_255 = arith.constant 0 : i32
      %dma_start3A_256 = tpu.memref_slice %arg6[%add3A_248, %dma_start3A_255] : memref<128x64xf32, #tpu.memory_space<vmem>> -> memref<1x64xf32, #tpu.memory_space<vmem>>
      %dma_start3A_257 = tpu.memref_squeeze %dma_start3A_256 : memref<1x64xf32, #tpu.memory_space<vmem>> -> memref<64xf32, #tpu.memory_space<vmem>>
      %dma_start3A_258 = arith.constant 0 : i32
      %dma_start3A_259 = tpu.memref_slice %arg2[%squeeze3A_242, %squeeze3A_244, %dma_start3A_258] : memref<4x250000x64xf32, #tpu.memory_space<hbm>> -> memref<1x1x64xf32, #tpu.memory_space<hbm>>
      %dma_start3A_260 = tpu.memref_squeeze %dma_start3A_259 : memref<1x1x64xf32, #tpu.memory_space<hbm>> -> memref<64xf32, #tpu.memory_space<hbm>>
      tpu.enqueue_dma source(%dma_start3A_260 : memref<64xf32, #tpu.memory_space<hbm>>) target(%dma_start3A_257 : memref<64xf32, #tpu.memory_space<vmem>>) target_semaphore(%arg8 : memref<!tpu.dma_semaphore, #tpu.memory_space<semaphore_mem>>)
      %slice3A_261 = vector.extract_strided_slice %div3A_41 {offsets = [11], sizes = [1], strides = [1]} : vector<16xi32> to vector<1xi32>
      %squeeze3A_262 = vector.extract %slice3A_261[0] : i32 from vector<1xi32>
      %slice3A_263 = vector.extract_strided_slice %rem3A_43 {offsets = [11], sizes = [1], strides = [1]} : vector<16xi32> to vector<1xi32>
      %squeeze3A_264 = vector.extract %slice3A_263[0] : i32 from vector<1xi32>
      %mul3A_265 = arith.constant 16 : i32
      %mul3A_266 = arith.muli %add3A_33, %mul3A_265 : i32
      %add3A_267 = arith.constant 11 : i32
      %add3A_268 = arith.addi %mul3A_266, %add3A_267 : i32
      %dma_start3A_269 = arith.constant 0 : i32
      %dma_start3A_270 = tpu.memref_slice %arg6[%add3A_268, %dma_start3A_269] : memref<128x64xf32, #tpu.memory_space<vmem>> -> memref<1x64xf32, #tpu.memory_space<vmem>>
      %dma_start3A_271 = tpu.memref_squeeze %dma_start3A_270 : memref<1x64xf32, #tpu.memory_space<vmem>> -> memref<64xf32, #tpu.memory_space<vmem>>
      %dma_start3A_272 = arith.constant 0 : i32
      %dma_start3A_273 = tpu.memref_slice %arg2[%squeeze3A_262, %squeeze3A_264, %dma_start3A_272] : memref<4x250000x64xf32, #tpu.memory_space<hbm>> -> memref<1x1x64xf32, #tpu.memory_space<hbm>>
      %dma_start3A_274 = tpu.memref_squeeze %dma_start3A_273 : memref<1x1x64xf32, #tpu.memory_space<hbm>> -> memref<64xf32, #tpu.memory_space<hbm>>
      %dma_start3A_275 = arith.constant 0 : i32
      %dma_start3A_276 = tpu.memref_slice %arg6[%add3A_268, %dma_start3A_275] : memref<128x64xf32, #tpu.memory_space<vmem>> -> memref<1x64xf32, #tpu.memory_space<vmem>>
      %dma_start3A_277 = tpu.memref_squeeze %dma_start3A_276 : memref<1x64xf32, #tpu.memory_space<vmem>> -> memref<64xf32, #tpu.memory_space<vmem>>
      %dma_start3A_278 = arith.constant 0 : i32
      %dma_start3A_279 = tpu.memref_slice %arg2[%squeeze3A_262, %squeeze3A_264, %dma_start3A_278] : memref<4x250000x64xf32, #tpu.memory_space<hbm>> -> memref<1x1x64xf32, #tpu.memory_space<hbm>>
      %dma_start3A_280 = tpu.memref_squeeze %dma_start3A_279 : memref<1x1x64xf32, #tpu.memory_space<hbm>> -> memref<64xf32, #tpu.memory_space<hbm>>
      tpu.enqueue_dma source(%dma_start3A_280 : memref<64xf32, #tpu.memory_space<hbm>>) target(%dma_start3A_277 : memref<64xf32, #tpu.memory_space<vmem>>) target_semaphore(%arg8 : memref<!tpu.dma_semaphore, #tpu.memory_space<semaphore_mem>>)
      %slice3A_281 = vector.extract_strided_slice %div3A_41 {offsets = [12], sizes = [1], strides = [1]} : vector<16xi32> to vector<1xi32>
      %squeeze3A_282 = vector.extract %slice3A_281[0] : i32 from vector<1xi32>
      %slice3A_283 = vector.extract_strided_slice %rem3A_43 {offsets = [12], sizes = [1], strides = [1]} : vector<16xi32> to vector<1xi32>
      %squeeze3A_284 = vector.extract %slice3A_283[0] : i32 from vector<1xi32>
      %mul3A_285 = arith.constant 16 : i32
      %mul3A_286 = arith.muli %add3A_33, %mul3A_285 : i32
      %add3A_287 = arith.constant 12 : i32
      %add3A_288 = arith.addi %mul3A_286, %add3A_287 : i32
      %dma_start3A_289 = arith.constant 0 : i32
      %dma_start3A_290 = tpu.memref_slice %arg6[%add3A_288, %dma_start3A_289] : memref<128x64xf32, #tpu.memory_space<vmem>> -> memref<1x64xf32, #tpu.memory_space<vmem>>
      %dma_start3A_291 = tpu.memref_squeeze %dma_start3A_290 : memref<1x64xf32, #tpu.memory_space<vmem>> -> memref<64xf32, #tpu.memory_space<vmem>>
      %dma_start3A_292 = arith.constant 0 : i32
      %dma_start3A_293 = tpu.memref_slice %arg2[%squeeze3A_282, %squeeze3A_284, %dma_start3A_292] : memref<4x250000x64xf32, #tpu.memory_space<hbm>> -> memref<1x1x64xf32, #tpu.memory_space<hbm>>
      %dma_start3A_294 = tpu.memref_squeeze %dma_start3A_293 : memref<1x1x64xf32, #tpu.memory_space<hbm>> -> memref<64xf32, #tpu.memory_space<hbm>>
      %dma_start3A_295 = arith.constant 0 : i32
      %dma_start3A_296 = tpu.memref_slice %arg6[%add3A_288, %dma_start3A_295] : memref<128x64xf32, #tpu.memory_space<vmem>> -> memref<1x64xf32, #tpu.memory_space<vmem>>
      %dma_start3A_297 = tpu.memref_squeeze %dma_start3A_296 : memref<1x64xf32, #tpu.memory_space<vmem>> -> memref<64xf32, #tpu.memory_space<vmem>>
      %dma_start3A_298 = arith.constant 0 : i32
      %dma_start3A_299 = tpu.memref_slice %arg2[%squeeze3A_282, %squeeze3A_284, %dma_start3A_298] : memref<4x250000x64xf32, #tpu.memory_space<hbm>> -> memref<1x1x64xf32, #tpu.memory_space<hbm>>
      %dma_start3A_300 = tpu.memref_squeeze %dma_start3A_299 : memref<1x1x64xf32, #tpu.memory_space<hbm>> -> memref<64xf32, #tpu.memory_space<hbm>>
      tpu.enqueue_dma source(%dma_start3A_300 : memref<64xf32, #tpu.memory_space<hbm>>) target(%dma_start3A_297 : memref<64xf32, #tpu.memory_space<vmem>>) target_semaphore(%arg8 : memref<!tpu.dma_semaphore, #tpu.memory_space<semaphore_mem>>)
      %slice3A_301 = vector.extract_strided_slice %div3A_41 {offsets = [13], sizes = [1], strides = [1]} : vector<16xi32> to vector<1xi32>
      %squeeze3A_302 = vector.extract %slice3A_301[0] : i32 from vector<1xi32>
      %slice3A_303 = vector.extract_strided_slice %rem3A_43 {offsets = [13], sizes = [1], strides = [1]} : vector<16xi32> to vector<1xi32>
      %squeeze3A_304 = vector.extract %slice3A_303[0] : i32 from vector<1xi32>
      %mul3A_305 = arith.constant 16 : i32
      %mul3A_306 = arith.muli %add3A_33, %mul3A_305 : i32
      %add3A_307 = arith.constant 13 : i32
      %add3A_308 = arith.addi %mul3A_306, %add3A_307 : i32
      %dma_start3A_309 = arith.constant 0 : i32
      %dma_start3A_310 = tpu.memref_slice %arg6[%add3A_308, %dma_start3A_309] : memref<128x64xf32, #tpu.memory_space<vmem>> -> memref<1x64xf32, #tpu.memory_space<vmem>>
      %dma_start3A_311 = tpu.memref_squeeze %dma_start3A_310 : memref<1x64xf32, #tpu.memory_space<vmem>> -> memref<64xf32, #tpu.memory_space<vmem>>
      %dma_start3A_312 = arith.constant 0 : i32
      %dma_start3A_313 = tpu.memref_slice %arg2[%squeeze3A_302, %squeeze3A_304, %dma_start3A_312] : memref<4x250000x64xf32, #tpu.memory_space<hbm>> -> memref<1x1x64xf32, #tpu.memory_space<hbm>>
      %dma_start3A_314 = tpu.memref_squeeze %dma_start3A_313 : memref<1x1x64xf32, #tpu.memory_space<hbm>> -> memref<64xf32, #tpu.memory_space<hbm>>
      %dma_start3A_315 = arith.constant 0 : i32
      %dma_start3A_316 = tpu.memref_slice %arg6[%add3A_308, %dma_start3A_315] : memref<128x64xf32, #tpu.memory_space<vmem>> -> memref<1x64xf32, #tpu.memory_space<vmem>>
      %dma_start3A_317 = tpu.memref_squeeze %dma_start3A_316 : memref<1x64xf32, #tpu.memory_space<vmem>> -> memref<64xf32, #tpu.memory_space<vmem>>
      %dma_start3A_318 = arith.constant 0 : i32
      %dma_start3A_319 = tpu.memref_slice %arg2[%squeeze3A_302, %squeeze3A_304, %dma_start3A_318] : memref<4x250000x64xf32, #tpu.memory_space<hbm>> -> memref<1x1x64xf32, #tpu.memory_space<hbm>>
      %dma_start3A_320 = tpu.memref_squeeze %dma_start3A_319 : memref<1x1x64xf32, #tpu.memory_space<hbm>> -> memref<64xf32, #tpu.memory_space<hbm>>
      tpu.enqueue_dma source(%dma_start3A_320 : memref<64xf32, #tpu.memory_space<hbm>>) target(%dma_start3A_317 : memref<64xf32, #tpu.memory_space<vmem>>) target_semaphore(%arg8 : memref<!tpu.dma_semaphore, #tpu.memory_space<semaphore_mem>>)
      %slice3A_321 = vector.extract_strided_slice %div3A_41 {offsets = [14], sizes = [1], strides = [1]} : vector<16xi32> to vector<1xi32>
      %squeeze3A_322 = vector.extract %slice3A_321[0] : i32 from vector<1xi32>
      %slice3A_323 = vector.extract_strided_slice %rem3A_43 {offsets = [14], sizes = [1], strides = [1]} : vector<16xi32> to vector<1xi32>
      %squeeze3A_324 = vector.extract %slice3A_323[0] : i32 from vector<1xi32>
      %mul3A_325 = arith.constant 16 : i32
      %mul3A_326 = arith.muli %add3A_33, %mul3A_325 : i32
      %add3A_327 = arith.constant 14 : i32
      %add3A_328 = arith.addi %mul3A_326, %add3A_327 : i32
      %dma_start3A_329 = arith.constant 0 : i32
      %dma_start3A_330 = tpu.memref_slice %arg6[%add3A_328, %dma_start3A_329] : memref<128x64xf32, #tpu.memory_space<vmem>> -> memref<1x64xf32, #tpu.memory_space<vmem>>
      %dma_start3A_331 = tpu.memref_squeeze %dma_start3A_330 : memref<1x64xf32, #tpu.memory_space<vmem>> -> memref<64xf32, #tpu.memory_space<vmem>>
      %dma_start3A_332 = arith.constant 0 : i32
      %dma_start3A_333 = tpu.memref_slice %arg2[%squeeze3A_322, %squeeze3A_324, %dma_start3A_332] : memref<4x250000x64xf32, #tpu.memory_space<hbm>> -> memref<1x1x64xf32, #tpu.memory_space<hbm>>
      %dma_start3A_334 = tpu.memref_squeeze %dma_start3A_333 : memref<1x1x64xf32, #tpu.memory_space<hbm>> -> memref<64xf32, #tpu.memory_space<hbm>>
      %dma_start3A_335 = arith.constant 0 : i32
      %dma_start3A_336 = tpu.memref_slice %arg6[%add3A_328, %dma_start3A_335] : memref<128x64xf32, #tpu.memory_space<vmem>> -> memref<1x64xf32, #tpu.memory_space<vmem>>
      %dma_start3A_337 = tpu.memref_squeeze %dma_start3A_336 : memref<1x64xf32, #tpu.memory_space<vmem>> -> memref<64xf32, #tpu.memory_space<vmem>>
      %dma_start3A_338 = arith.constant 0 : i32
      %dma_start3A_339 = tpu.memref_slice %arg2[%squeeze3A_322, %squeeze3A_324, %dma_start3A_338] : memref<4x250000x64xf32, #tpu.memory_space<hbm>> -> memref<1x1x64xf32, #tpu.memory_space<hbm>>
      %dma_start3A_340 = tpu.memref_squeeze %dma_start3A_339 : memref<1x1x64xf32, #tpu.memory_space<hbm>> -> memref<64xf32, #tpu.memory_space<hbm>>
      tpu.enqueue_dma source(%dma_start3A_340 : memref<64xf32, #tpu.memory_space<hbm>>) target(%dma_start3A_337 : memref<64xf32, #tpu.memory_space<vmem>>) target_semaphore(%arg8 : memref<!tpu.dma_semaphore, #tpu.memory_space<semaphore_mem>>)
      %slice3A_341 = vector.extract_strided_slice %div3A_41 {offsets = [15], sizes = [1], strides = [1]} : vector<16xi32> to vector<1xi32>
      %squeeze3A_342 = vector.extract %slice3A_341[0] : i32 from vector<1xi32>
      %slice3A_343 = vector.extract_strided_slice %rem3A_43 {offsets = [15], sizes = [1], strides = [1]} : vector<16xi32> to vector<1xi32>
      %squeeze3A_344 = vector.extract %slice3A_343[0] : i32 from vector<1xi32>
      %mul3A_345 = arith.constant 16 : i32
      %mul3A_346 = arith.muli %add3A_33, %mul3A_345 : i32
      %add3A_347 = arith.constant 15 : i32
      %add3A_348 = arith.addi %mul3A_346, %add3A_347 : i32
      %dma_start3A_349 = arith.constant 0 : i32
      %dma_start3A_350 = tpu.memref_slice %arg6[%add3A_348, %dma_start3A_349] : memref<128x64xf32, #tpu.memory_space<vmem>> -> memref<1x64xf32, #tpu.memory_space<vmem>>
      %dma_start3A_351 = tpu.memref_squeeze %dma_start3A_350 : memref<1x64xf32, #tpu.memory_space<vmem>> -> memref<64xf32, #tpu.memory_space<vmem>>
      %dma_start3A_352 = arith.constant 0 : i32
      %dma_start3A_353 = tpu.memref_slice %arg2[%squeeze3A_342, %squeeze3A_344, %dma_start3A_352] : memref<4x250000x64xf32, #tpu.memory_space<hbm>> -> memref<1x1x64xf32, #tpu.memory_space<hbm>>
      %dma_start3A_354 = tpu.memref_squeeze %dma_start3A_353 : memref<1x1x64xf32, #tpu.memory_space<hbm>> -> memref<64xf32, #tpu.memory_space<hbm>>
      %dma_start3A_355 = arith.constant 0 : i32
      %dma_start3A_356 = tpu.memref_slice %arg6[%add3A_348, %dma_start3A_355] : memref<128x64xf32, #tpu.memory_space<vmem>> -> memref<1x64xf32, #tpu.memory_space<vmem>>
      %dma_start3A_357 = tpu.memref_squeeze %dma_start3A_356 : memref<1x64xf32, #tpu.memory_space<vmem>> -> memref<64xf32, #tpu.memory_space<vmem>>
      %dma_start3A_358 = arith.constant 0 : i32
      %dma_start3A_359 = tpu.memref_slice %arg2[%squeeze3A_342, %squeeze3A_344, %dma_start3A_358] : memref<4x250000x64xf32, #tpu.memory_space<hbm>> -> memref<1x1x64xf32, #tpu.memory_space<hbm>>
      %dma_start3A_360 = tpu.memref_squeeze %dma_start3A_359 : memref<1x1x64xf32, #tpu.memory_space<hbm>> -> memref<64xf32, #tpu.memory_space<hbm>>
      tpu.enqueue_dma source(%dma_start3A_360 : memref<64xf32, #tpu.memory_space<hbm>>) target(%dma_start3A_357 : memref<64xf32, #tpu.memory_space<vmem>>) target_semaphore(%arg8 : memref<!tpu.dma_semaphore, #tpu.memory_space<semaphore_mem>>)
    }
    %scan3A_6 = arith.constant 8 : i32
    %scan3A_7 = arith.constant 0 : i32
    %scan3A_8 = arith.constant 25 : i32
    %scan3A_9 = arith.addi %scan3A_7, %scan3A_8 : i32
    %scan3A_10 = arith.constant 1 : i32
    scf.for %scan3A_29 = %scan3A_7 to %scan3A_9 step %scan3A_10  : i32 {
      %mul3A_30 = arith.constant 2 : i32
      %mul3A_31 = arith.muli %scan3A_29, %mul3A_30 : i32
      %add3A_32 = arith.constant 0 : i32
      %add3A_33 = arith.addi %add3A_32, %mul3A_31 : i32
      %add3A_34 = arith.constant 0 : i32
      %add3A_35 = arith.addi %add3A_33, %add3A_34 : i32
      %add3A_36 = arith.constant 1 : i32
      %add3A_37 = arith.addi %add3A_35, %add3A_36 : i32
      %lt3A = arith.constant 50 : i32
      %lt3A_38 = arith.cmpi slt, %add3A_37, %lt3A : i32
      %convert_element_type3A = arith.extui %lt3A_38 : i1 to i32
      %cond3A = arith.constant 0 : i32
      %cond3A_39 = arith.cmpi ne, %convert_element_type3A, %cond3A : i32
      scf.if %cond3A_39 {
        %ge3A = arith.constant 1 : i32
        %ge3A_82 = arith.cmpi sge, %add3A_35, %ge3A : i32
        %convert_element_type3A_83 = arith.extui %ge3A_82 : i1 to i32
        %cond3A_84 = arith.constant 0 : i32
        %cond3A_85 = arith.cmpi ne, %convert_element_type3A_83, %cond3A_84 : i32
        scf.if %cond3A_85 {
          %sub3A = arith.constant 1 : i32
          %sub3A_93 = arith.subi %add3A_35, %sub3A : i32
          %dma_wait3A_94 = arith.constant 0 : i32
          %dma_wait3A_95 = arith.constant 0 : i32
          %dma_wait3A_96 = tpu.memref_slice %arg4[%add3A, %dma_wait3A_94, %sub3A_93, %dma_wait3A_95] : memref<32x128x50x64xf32, #tpu.memory_space<hbm>> -> memref<1x128x1x64xf32, #tpu.memory_space<hbm>>
          %dma_wait3A_97 = tpu.memref_squeeze %dma_wait3A_96 : memref<1x128x1x64xf32, #tpu.memory_space<hbm>> -> memref<128x64xf32, #tpu.memory_space<hbm>>
          %dma_wait3A_98 = arith.constant 0 : i32
          %dma_wait3A_99 = arith.constant 0 : i32
          %dma_wait3A_100 = tpu.memref_slice %arg4[%add3A, %dma_wait3A_98, %sub3A_93, %dma_wait3A_99] : memref<32x128x50x64xf32, #tpu.memory_space<hbm>> -> memref<1x128x1x64xf32, #tpu.memory_space<hbm>>
          %dma_wait3A_101 = tpu.memref_squeeze %dma_wait3A_100 : memref<1x128x1x64xf32, #tpu.memory_space<hbm>> -> memref<128x64xf32, #tpu.memory_space<hbm>>
          tpu.wait_dma2 semaphore(%arg11 : memref<!tpu.dma_semaphore, #tpu.memory_space<semaphore_mem>>) src(%arg7 : memref<128x64xf32, #tpu.memory_space<vmem>>) dst(%dma_wait3A_101 : memref<128x64xf32, #tpu.memory_space<hbm>>)
        } else {
        }
        %add3A_86 = arith.constant 1 : i32
        %add3A_87 = arith.addi %add3A_35, %add3A_86 : i32
        %scan3A_88 = arith.constant 0 : i32
        %scan3A_89 = arith.constant 8 : i32
        %scan3A_90 = arith.addi %scan3A_88, %scan3A_89 : i32
        %scan3A_91 = arith.constant 1 : i32
        scf.for %scan3A_93 = %scan3A_88 to %scan3A_90 step %scan3A_91  : i32 {
          %mul3A_94 = arith.constant 1 : i32
          %mul3A_95 = arith.muli %scan3A_93, %mul3A_94 : i32
          %add3A_96 = arith.constant 0 : i32
          %add3A_97 = arith.addi %add3A_96, %mul3A_95 : i32
          %mul3A_98 = arith.constant 16 : i32
          %mul3A_99 = arith.muli %add3A_97, %mul3A_98 : i32
          %get3A = arith.index_cast %add3A_87 : i32 to index
          %get3A_100 = arith.index_cast %mul3A_99 : i32 to index
          %get3A_101 = tpu.vector_load %arg5[%get3A, %get3A_100] {strides = array<i32>} : memref<50x128xi32, #tpu.memory_space<vmem>>, vector<1x16xi32>,
          %get3A_102 = vector.shape_cast %get3A_101 : vector<1x16xi32> to vector<16xi32>
          %div3A = arith.constant 250000 : i32
          %div3A_103 = vector.broadcast %div3A : i32 to vector<16xi32>
          %div3A_104 = arith.divsi %get3A_102, %div3A_103 : vector<16xi32>
          %rem3A = arith.constant 250000 : i32
          %rem3A_105 = vector.broadcast %rem3A : i32 to vector<16xi32>
          %rem3A_106 = arith.remsi %get3A_102, %rem3A_105 : vector<16xi32>
          %slice3A = vector.extract_strided_slice %div3A_104 {offsets = [0], sizes = [1], strides = [1]} : vector<16xi32> to vector<1xi32>
          %squeeze3A = vector.extract %slice3A[0] : i32 from vector<1xi32>
          %slice3A_107 = vector.extract_strided_slice %rem3A_106 {offsets = [0], sizes = [1], strides = [1]} : vector<16xi32> to vector<1xi32>
          %squeeze3A_108 = vector.extract %slice3A_107[0] : i32 from vector<1xi32>
          %mul3A_109 = arith.constant 16 : i32
          %mul3A_110 = arith.muli %add3A_97, %mul3A_109 : i32
          %add3A_111 = arith.constant 0 : i32
          %add3A_112 = arith.addi %mul3A_110, %add3A_111 : i32
          %dma_start3A_113 = arith.constant 0 : i32
          %dma_start3A_114 = tpu.memref_slice %arg7[%add3A_112, %dma_start3A_113] : memref<128x64xf32, #tpu.memory_space<vmem>> -> memref<1x64xf32, #tpu.memory_space<vmem>>
          %dma_start3A_115 = tpu.memref_squeeze %dma_start3A_114 : memref<1x64xf32, #tpu.memory_space<vmem>> -> memref<64xf32, #tpu.memory_space<vmem>>
          %dma_start3A_116 = arith.constant 0 : i32
          %dma_start3A_117 = tpu.memref_slice %arg2[%squeeze3A, %squeeze3A_108, %dma_start3A_116] : memref<4x250000x64xf32, #tpu.memory_space<hbm>> -> memref<1x1x64xf32, #tpu.memory_space<hbm>>
          %dma_start3A_118 = tpu.memref_squeeze %dma_start3A_117 : memref<1x1x64xf32, #tpu.memory_space<hbm>> -> memref<64xf32, #tpu.memory_space<hbm>>
          %dma_start3A_119 = arith.constant 0 : i32
          %dma_start3A_120 = tpu.memref_slice %arg7[%add3A_112, %dma_start3A_119] : memref<128x64xf32, #tpu.memory_space<vmem>> -> memref<1x64xf32, #tpu.memory_space<vmem>>
          %dma_start3A_121 = tpu.memref_squeeze %dma_start3A_120 : memref<1x64xf32, #tpu.memory_space<vmem>> -> memref<64xf32, #tpu.memory_space<vmem>>
          %dma_start3A_122 = arith.constant 0 : i32
          %dma_start3A_123 = tpu.memref_slice %arg2[%squeeze3A, %squeeze3A_108, %dma_start3A_122] : memref<4x250000x64xf32, #tpu.memory_space<hbm>> -> memref<1x1x64xf32, #tpu.memory_space<hbm>>
          %dma_start3A_124 = tpu.memref_squeeze %dma_start3A_123 : memref<1x1x64xf32, #tpu.memory_space<hbm>> -> memref<64xf32, #tpu.memory_space<hbm>>
          tpu.enqueue_dma source(%dma_start3A_124 : memref<64xf32, #tpu.memory_space<hbm>>) target(%dma_start3A_121 : memref<64xf32, #tpu.memory_space<vmem>>) target_semaphore(%arg9 : memref<!tpu.dma_semaphore, #tpu.memory_space<semaphore_mem>>)
          %slice3A_125 = vector.extract_strided_slice %div3A_104 {offsets = [1], sizes = [1], strides = [1]} : vector<16xi32> to vector<1xi32>
          %squeeze3A_126 = vector.extract %slice3A_125[0] : i32 from vector<1xi32>
          %slice3A_127 = vector.extract_strided_slice %rem3A_106 {offsets = [1], sizes = [1], strides = [1]} : vector<16xi32> to vector<1xi32>
          %squeeze3A_128 = vector.extract %slice3A_127[0] : i32 from vector<1xi32>
          %mul3A_129 = arith.constant 16 : i32
          %mul3A_130 = arith.muli %add3A_97, %mul3A_129 : i32
          %add3A_131 = arith.constant 1 : i32
          %add3A_132 = arith.addi %mul3A_130, %add3A_131 : i32
          %dma_start3A_133 = arith.constant 0 : i32
          %dma_start3A_134 = tpu.memref_slice %arg7[%add3A_132, %dma_start3A_133] : memref<128x64xf32, #tpu.memory_space<vmem>> -> memref<1x64xf32, #tpu.memory_space<vmem>>
          %dma_start3A_135 = tpu.memref_squeeze %dma_start3A_134 : memref<1x64xf32, #tpu.memory_space<vmem>> -> memref<64xf32, #tpu.memory_space<vmem>>
          %dma_start3A_136 = arith.constant 0 : i32
          %dma_start3A_137 = tpu.memref_slice %arg2[%squeeze3A_126, %squeeze3A_128, %dma_start3A_136] : memref<4x250000x64xf32, #tpu.memory_space<hbm>> -> memref<1x1x64xf32, #tpu.memory_space<hbm>>
          %dma_start3A_138 = tpu.memref_squeeze %dma_start3A_137 : memref<1x1x64xf32, #tpu.memory_space<hbm>> -> memref<64xf32, #tpu.memory_space<hbm>>
          %dma_start3A_139 = arith.constant 0 : i32
          %dma_start3A_140 = tpu.memref_slice %arg7[%add3A_132, %dma_start3A_139] : memref<128x64xf32, #tpu.memory_space<vmem>> -> memref<1x64xf32, #tpu.memory_space<vmem>>
          %dma_start3A_141 = tpu.memref_squeeze %dma_start3A_140 : memref<1x64xf32, #tpu.memory_space<vmem>> -> memref<64xf32, #tpu.memory_space<vmem>>
          %dma_start3A_142 = arith.constant 0 : i32
          %dma_start3A_143 = tpu.memref_slice %arg2[%squeeze3A_126, %squeeze3A_128, %dma_start3A_142] : memref<4x250000x64xf32, #tpu.memory_space<hbm>> -> memref<1x1x64xf32, #tpu.memory_space<hbm>>
          %dma_start3A_144 = tpu.memref_squeeze %dma_start3A_143 : memref<1x1x64xf32, #tpu.memory_space<hbm>> -> memref<64xf32, #tpu.memory_space<hbm>>
          tpu.enqueue_dma source(%dma_start3A_144 : memref<64xf32, #tpu.memory_space<hbm>>) target(%dma_start3A_141 : memref<64xf32, #tpu.memory_space<vmem>>) target_semaphore(%arg9 : memref<!tpu.dma_semaphore, #tpu.memory_space<semaphore_mem>>)
          %slice3A_145 = vector.extract_strided_slice %div3A_104 {offsets = [2], sizes = [1], strides = [1]} : vector<16xi32> to vector<1xi32>
          %squeeze3A_146 = vector.extract %slice3A_145[0] : i32 from vector<1xi32>
          %slice3A_147 = vector.extract_strided_slice %rem3A_106 {offsets = [2], sizes = [1], strides = [1]} : vector<16xi32> to vector<1xi32>
          %squeeze3A_148 = vector.extract %slice3A_147[0] : i32 from vector<1xi32>
          %mul3A_149 = arith.constant 16 : i32
          %mul3A_150 = arith.muli %add3A_97, %mul3A_149 : i32
          %add3A_151 = arith.constant 2 : i32
          %add3A_152 = arith.addi %mul3A_150, %add3A_151 : i32
          %dma_start3A_153 = arith.constant 0 : i32
          %dma_start3A_154 = tpu.memref_slice %arg7[%add3A_152, %dma_start3A_153] : memref<128x64xf32, #tpu.memory_space<vmem>> -> memref<1x64xf32, #tpu.memory_space<vmem>>
          %dma_start3A_155 = tpu.memref_squeeze %dma_start3A_154 : memref<1x64xf32, #tpu.memory_space<vmem>> -> memref<64xf32, #tpu.memory_space<vmem>>
          %dma_start3A_156 = arith.constant 0 : i32
          %dma_start3A_157 = tpu.memref_slice %arg2[%squeeze3A_146, %squeeze3A_148, %dma_start3A_156] : memref<4x250000x64xf32, #tpu.memory_space<hbm>> -> memref<1x1x64xf32, #tpu.memory_space<hbm>>
          %dma_start3A_158 = tpu.memref_squeeze %dma_start3A_157 : memref<1x1x64xf32, #tpu.memory_space<hbm>> -> memref<64xf32, #tpu.memory_space<hbm>>
          %dma_start3A_159 = arith.constant 0 : i32
          %dma_start3A_160 = tpu.memref_slice %arg7[%add3A_152, %dma_start3A_159] : memref<128x64xf32, #tpu.memory_space<vmem>> -> memref<1x64xf32, #tpu.memory_space<vmem>>
          %dma_start3A_161 = tpu.memref_squeeze %dma_start3A_160 : memref<1x64xf32, #tpu.memory_space<vmem>> -> memref<64xf32, #tpu.memory_space<vmem>>
          %dma_start3A_162 = arith.constant 0 : i32
          %dma_start3A_163 = tpu.memref_slice %arg2[%squeeze3A_146, %squeeze3A_148, %dma_start3A_162] : memref<4x250000x64xf32, #tpu.memory_space<hbm>> -> memref<1x1x64xf32, #tpu.memory_space<hbm>>
          %dma_start3A_164 = tpu.memref_squeeze %dma_start3A_163 : memref<1x1x64xf32, #tpu.memory_space<hbm>> -> memref<64xf32, #tpu.memory_space<hbm>>
          tpu.enqueue_dma source(%dma_start3A_164 : memref<64xf32, #tpu.memory_space<hbm>>) target(%dma_start3A_161 : memref<64xf32, #tpu.memory_space<vmem>>) target_semaphore(%arg9 : memref<!tpu.dma_semaphore, #tpu.memory_space<semaphore_mem>>)
          %slice3A_165 = vector.extract_strided_slice %div3A_104 {offsets = [3], sizes = [1], strides = [1]} : vector<16xi32> to vector<1xi32>
          %squeeze3A_166 = vector.extract %slice3A_165[0] : i32 from vector<1xi32>
          %slice3A_167 = vector.extract_strided_slice %rem3A_106 {offsets = [3], sizes = [1], strides = [1]} : vector<16xi32> to vector<1xi32>
          %squeeze3A_168 = vector.extract %slice3A_167[0] : i32 from vector<1xi32>
          %mul3A_169 = arith.constant 16 : i32
          %mul3A_170 = arith.muli %add3A_97, %mul3A_169 : i32
          %add3A_171 = arith.constant 3 : i32
          %add3A_172 = arith.addi %mul3A_170, %add3A_171 : i32
          %dma_start3A_173 = arith.constant 0 : i32
          %dma_start3A_174 = tpu.memref_slice %arg7[%add3A_172, %dma_start3A_173] : memref<128x64xf32, #tpu.memory_space<vmem>> -> memref<1x64xf32, #tpu.memory_space<vmem>>
          %dma_start3A_175 = tpu.memref_squeeze %dma_start3A_174 : memref<1x64xf32, #tpu.memory_space<vmem>> -> memref<64xf32, #tpu.memory_space<vmem>>
          %dma_start3A_176 = arith.constant 0 : i32
          %dma_start3A_177 = tpu.memref_slice %arg2[%squeeze3A_166, %squeeze3A_168, %dma_start3A_176] : memref<4x250000x64xf32, #tpu.memory_space<hbm>> -> memref<1x1x64xf32, #tpu.memory_space<hbm>>
          %dma_start3A_178 = tpu.memref_squeeze %dma_start3A_177 : memref<1x1x64xf32, #tpu.memory_space<hbm>> -> memref<64xf32, #tpu.memory_space<hbm>>
          %dma_start3A_179 = arith.constant 0 : i32
          %dma_start3A_180 = tpu.memref_slice %arg7[%add3A_172, %dma_start3A_179] : memref<128x64xf32, #tpu.memory_space<vmem>> -> memref<1x64xf32, #tpu.memory_space<vmem>>
          %dma_start3A_181 = tpu.memref_squeeze %dma_start3A_180 : memref<1x64xf32, #tpu.memory_space<vmem>> -> memref<64xf32, #tpu.memory_space<vmem>>
          %dma_start3A_182 = arith.constant 0 : i32
          %dma_start3A_183 = tpu.memref_slice %arg2[%squeeze3A_166, %squeeze3A_168, %dma_start3A_182] : memref<4x250000x64xf32, #tpu.memory_space<hbm>> -> memref<1x1x64xf32, #tpu.memory_space<hbm>>
          %dma_start3A_184 = tpu.memref_squeeze %dma_start3A_183 : memref<1x1x64xf32, #tpu.memory_space<hbm>> -> memref<64xf32, #tpu.memory_space<hbm>>
          tpu.enqueue_dma source(%dma_start3A_184 : memref<64xf32, #tpu.memory_space<hbm>>) target(%dma_start3A_181 : memref<64xf32, #tpu.memory_space<vmem>>) target_semaphore(%arg9 : memref<!tpu.dma_semaphore, #tpu.memory_space<semaphore_mem>>)
          %slice3A_185 = vector.extract_strided_slice %div3A_104 {offsets = [4], sizes = [1], strides = [1]} : vector<16xi32> to vector<1xi32>
          %squeeze3A_186 = vector.extract %slice3A_185[0] : i32 from vector<1xi32>
          %slice3A_187 = vector.extract_strided_slice %rem3A_106 {offsets = [4], sizes = [1], strides = [1]} : vector<16xi32> to vector<1xi32>
          %squeeze3A_188 = vector.extract %slice3A_187[0] : i32 from vector<1xi32>
          %mul3A_189 = arith.constant 16 : i32
          %mul3A_190 = arith.muli %add3A_97, %mul3A_189 : i32
          %add3A_191 = arith.constant 4 : i32
          %add3A_192 = arith.addi %mul3A_190, %add3A_191 : i32
          %dma_start3A_193 = arith.constant 0 : i32
          %dma_start3A_194 = tpu.memref_slice %arg7[%add3A_192, %dma_start3A_193] : memref<128x64xf32, #tpu.memory_space<vmem>> -> memref<1x64xf32, #tpu.memory_space<vmem>>
          %dma_start3A_195 = tpu.memref_squeeze %dma_start3A_194 : memref<1x64xf32, #tpu.memory_space<vmem>> -> memref<64xf32, #tpu.memory_space<vmem>>
          %dma_start3A_196 = arith.constant 0 : i32
          %dma_start3A_197 = tpu.memref_slice %arg2[%squeeze3A_186, %squeeze3A_188, %dma_start3A_196] : memref<4x250000x64xf32, #tpu.memory_space<hbm>> -> memref<1x1x64xf32, #tpu.memory_space<hbm>>
          %dma_start3A_198 = tpu.memref_squeeze %dma_start3A_197 : memref<1x1x64xf32, #tpu.memory_space<hbm>> -> memref<64xf32, #tpu.memory_space<hbm>>
          %dma_start3A_199 = arith.constant 0 : i32
          %dma_start3A_200 = tpu.memref_slice %arg7[%add3A_192, %dma_start3A_199] : memref<128x64xf32, #tpu.memory_space<vmem>> -> memref<1x64xf32, #tpu.memory_space<vmem>>
          %dma_start3A_201 = tpu.memref_squeeze %dma_start3A_200 : memref<1x64xf32, #tpu.memory_space<vmem>> -> memref<64xf32, #tpu.memory_space<vmem>>
          %dma_start3A_202 = arith.constant 0 : i32
          %dma_start3A_203 = tpu.memref_slice %arg2[%squeeze3A_186, %squeeze3A_188, %dma_start3A_202] : memref<4x250000x64xf32, #tpu.memory_space<hbm>> -> memref<1x1x64xf32, #tpu.memory_space<hbm>>
          %dma_start3A_204 = tpu.memref_squeeze %dma_start3A_203 : memref<1x1x64xf32, #tpu.memory_space<hbm>> -> memref<64xf32, #tpu.memory_space<hbm>>
          tpu.enqueue_dma source(%dma_start3A_204 : memref<64xf32, #tpu.memory_space<hbm>>) target(%dma_start3A_201 : memref<64xf32, #tpu.memory_space<vmem>>) target_semaphore(%arg9 : memref<!tpu.dma_semaphore, #tpu.memory_space<semaphore_mem>>)
          %slice3A_205 = vector.extract_strided_slice %div3A_104 {offsets = [5], sizes = [1], strides = [1]} : vector<16xi32> to vector<1xi32>
          %squeeze3A_206 = vector.extract %slice3A_205[0] : i32 from vector<1xi32>
          %slice3A_207 = vector.extract_strided_slice %rem3A_106 {offsets = [5], sizes = [1], strides = [1]} : vector<16xi32> to vector<1xi32>
          %squeeze3A_208 = vector.extract %slice3A_207[0] : i32 from vector<1xi32>
          %mul3A_209 = arith.constant 16 : i32
          %mul3A_210 = arith.muli %add3A_97, %mul3A_209 : i32
          %add3A_211 = arith.constant 5 : i32
          %add3A_212 = arith.addi %mul3A_210, %add3A_211 : i32
          %dma_start3A_213 = arith.constant 0 : i32
          %dma_start3A_214 = tpu.memref_slice %arg7[%add3A_212, %dma_start3A_213] : memref<128x64xf32, #tpu.memory_space<vmem>> -> memref<1x64xf32, #tpu.memory_space<vmem>>
          %dma_start3A_215 = tpu.memref_squeeze %dma_start3A_214 : memref<1x64xf32, #tpu.memory_space<vmem>> -> memref<64xf32, #tpu.memory_space<vmem>>
          %dma_start3A_216 = arith.constant 0 : i32
          %dma_start3A_217 = tpu.memref_slice %arg2[%squeeze3A_206, %squeeze3A_208, %dma_start3A_216] : memref<4x250000x64xf32, #tpu.memory_space<hbm>> -> memref<1x1x64xf32, #tpu.memory_space<hbm>>
          %dma_start3A_218 = tpu.memref_squeeze %dma_start3A_217 : memref<1x1x64xf32, #tpu.memory_space<hbm>> -> memref<64xf32, #tpu.memory_space<hbm>>
          %dma_start3A_219 = arith.constant 0 : i32
          %dma_start3A_220 = tpu.memref_slice %arg7[%add3A_212, %dma_start3A_219] : memref<128x64xf32, #tpu.memory_space<vmem>> -> memref<1x64xf32, #tpu.memory_space<vmem>>
          %dma_start3A_221 = tpu.memref_squeeze %dma_start3A_220 : memref<1x64xf32, #tpu.memory_space<vmem>> -> memref<64xf32, #tpu.memory_space<vmem>>
          %dma_start3A_222 = arith.constant 0 : i32
          %dma_start3A_223 = tpu.memref_slice %arg2[%squeeze3A_206, %squeeze3A_208, %dma_start3A_222] : memref<4x250000x64xf32, #tpu.memory_space<hbm>> -> memref<1x1x64xf32, #tpu.memory_space<hbm>>
          %dma_start3A_224 = tpu.memref_squeeze %dma_start3A_223 : memref<1x1x64xf32, #tpu.memory_space<hbm>> -> memref<64xf32, #tpu.memory_space<hbm>>
          tpu.enqueue_dma source(%dma_start3A_224 : memref<64xf32, #tpu.memory_space<hbm>>) target(%dma_start3A_221 : memref<64xf32, #tpu.memory_space<vmem>>) target_semaphore(%arg9 : memref<!tpu.dma_semaphore, #tpu.memory_space<semaphore_mem>>)
          %slice3A_225 = vector.extract_strided_slice %div3A_104 {offsets = [6], sizes = [1], strides = [1]} : vector<16xi32> to vector<1xi32>
          %squeeze3A_226 = vector.extract %slice3A_225[0] : i32 from vector<1xi32>
          %slice3A_227 = vector.extract_strided_slice %rem3A_106 {offsets = [6], sizes = [1], strides = [1]} : vector<16xi32> to vector<1xi32>
          %squeeze3A_228 = vector.extract %slice3A_227[0] : i32 from vector<1xi32>
          %mul3A_229 = arith.constant 16 : i32
          %mul3A_230 = arith.muli %add3A_97, %mul3A_229 : i32
          %add3A_231 = arith.constant 6 : i32
          %add3A_232 = arith.addi %mul3A_230, %add3A_231 : i32
          %dma_start3A_233 = arith.constant 0 : i32
          %dma_start3A_234 = tpu.memref_slice %arg7[%add3A_232, %dma_start3A_233] : memref<128x64xf32, #tpu.memory_space<vmem>> -> memref<1x64xf32, #tpu.memory_space<vmem>>
          %dma_start3A_235 = tpu.memref_squeeze %dma_start3A_234 : memref<1x64xf32, #tpu.memory_space<vmem>> -> memref<64xf32, #tpu.memory_space<vmem>>
          %dma_start3A_236 = arith.constant 0 : i32
          %dma_start3A_237 = tpu.memref_slice %arg2[%squeeze3A_226, %squeeze3A_228, %dma_start3A_236] : memref<4x250000x64xf32, #tpu.memory_space<hbm>> -> memref<1x1x64xf32, #tpu.memory_space<hbm>>
          %dma_start3A_238 = tpu.memref_squeeze %dma_start3A_237 : memref<1x1x64xf32, #tpu.memory_space<hbm>> -> memref<64xf32, #tpu.memory_space<hbm>>
          %dma_start3A_239 = arith.constant 0 : i32
          %dma_start3A_240 = tpu.memref_slice %arg7[%add3A_232, %dma_start3A_239] : memref<128x64xf32, #tpu.memory_space<vmem>> -> memref<1x64xf32, #tpu.memory_space<vmem>>
          %dma_start3A_241 = tpu.memref_squeeze %dma_start3A_240 : memref<1x64xf32, #tpu.memory_space<vmem>> -> memref<64xf32, #tpu.memory_space<vmem>>
          %dma_start3A_242 = arith.constant 0 : i32
          %dma_start3A_243 = tpu.memref_slice %arg2[%squeeze3A_226, %squeeze3A_228, %dma_start3A_242] : memref<4x250000x64xf32, #tpu.memory_space<hbm>> -> memref<1x1x64xf32, #tpu.memory_space<hbm>>
          %dma_start3A_244 = tpu.memref_squeeze %dma_start3A_243 : memref<1x1x64xf32, #tpu.memory_space<hbm>> -> memref<64xf32, #tpu.memory_space<hbm>>
          tpu.enqueue_dma source(%dma_start3A_244 : memref<64xf32, #tpu.memory_space<hbm>>) target(%dma_start3A_241 : memref<64xf32, #tpu.memory_space<vmem>>) target_semaphore(%arg9 : memref<!tpu.dma_semaphore, #tpu.memory_space<semaphore_mem>>)
          %slice3A_245 = vector.extract_strided_slice %div3A_104 {offsets = [7], sizes = [1], strides = [1]} : vector<16xi32> to vector<1xi32>
          %squeeze3A_246 = vector.extract %slice3A_245[0] : i32 from vector<1xi32>
          %slice3A_247 = vector.extract_strided_slice %rem3A_106 {offsets = [7], sizes = [1], strides = [1]} : vector<16xi32> to vector<1xi32>
          %squeeze3A_248 = vector.extract %slice3A_247[0] : i32 from vector<1xi32>
          %mul3A_249 = arith.constant 16 : i32
          %mul3A_250 = arith.muli %add3A_97, %mul3A_249 : i32
          %add3A_251 = arith.constant 7 : i32
          %add3A_252 = arith.addi %mul3A_250, %add3A_251 : i32
          %dma_start3A_253 = arith.constant 0 : i32
          %dma_start3A_254 = tpu.memref_slice %arg7[%add3A_252, %dma_start3A_253] : memref<128x64xf32, #tpu.memory_space<vmem>> -> memref<1x64xf32, #tpu.memory_space<vmem>>
          %dma_start3A_255 = tpu.memref_squeeze %dma_start3A_254 : memref<1x64xf32, #tpu.memory_space<vmem>> -> memref<64xf32, #tpu.memory_space<vmem>>
          %dma_start3A_256 = arith.constant 0 : i32
          %dma_start3A_257 = tpu.memref_slice %arg2[%squeeze3A_246, %squeeze3A_248, %dma_start3A_256] : memref<4x250000x64xf32, #tpu.memory_space<hbm>> -> memref<1x1x64xf32, #tpu.memory_space<hbm>>
          %dma_start3A_258 = tpu.memref_squeeze %dma_start3A_257 : memref<1x1x64xf32, #tpu.memory_space<hbm>> -> memref<64xf32, #tpu.memory_space<hbm>>
          %dma_start3A_259 = arith.constant 0 : i32
          %dma_start3A_260 = tpu.memref_slice %arg7[%add3A_252, %dma_start3A_259] : memref<128x64xf32, #tpu.memory_space<vmem>> -> memref<1x64xf32, #tpu.memory_space<vmem>>
          %dma_start3A_261 = tpu.memref_squeeze %dma_start3A_260 : memref<1x64xf32, #tpu.memory_space<vmem>> -> memref<64xf32, #tpu.memory_space<vmem>>
          %dma_start3A_262 = arith.constant 0 : i32
          %dma_start3A_263 = tpu.memref_slice %arg2[%squeeze3A_246, %squeeze3A_248, %dma_start3A_262] : memref<4x250000x64xf32, #tpu.memory_space<hbm>> -> memref<1x1x64xf32, #tpu.memory_space<hbm>>
          %dma_start3A_264 = tpu.memref_squeeze %dma_start3A_263 : memref<1x1x64xf32, #tpu.memory_space<hbm>> -> memref<64xf32, #tpu.memory_space<hbm>>
          tpu.enqueue_dma source(%dma_start3A_264 : memref<64xf32, #tpu.memory_space<hbm>>) target(%dma_start3A_261 : memref<64xf32, #tpu.memory_space<vmem>>) target_semaphore(%arg9 : memref<!tpu.dma_semaphore, #tpu.memory_space<semaphore_mem>>)
          %slice3A_265 = vector.extract_strided_slice %div3A_104 {offsets = [8], sizes = [1], strides = [1]} : vector<16xi32> to vector<1xi32>
          %squeeze3A_266 = vector.extract %slice3A_265[0] : i32 from vector<1xi32>
          %slice3A_267 = vector.extract_strided_slice %rem3A_106 {offsets = [8], sizes = [1], strides = [1]} : vector<16xi32> to vector<1xi32>
          %squeeze3A_268 = vector.extract %slice3A_267[0] : i32 from vector<1xi32>
          %mul3A_269 = arith.constant 16 : i32
          %mul3A_270 = arith.muli %add3A_97, %mul3A_269 : i32
          %add3A_271 = arith.constant 8 : i32
          %add3A_272 = arith.addi %mul3A_270, %add3A_271 : i32
          %dma_start3A_273 = arith.constant 0 : i32
          %dma_start3A_274 = tpu.memref_slice %arg7[%add3A_272, %dma_start3A_273] : memref<128x64xf32, #tpu.memory_space<vmem>> -> memref<1x64xf32, #tpu.memory_space<vmem>>
          %dma_start3A_275 = tpu.memref_squeeze %dma_start3A_274 : memref<1x64xf32, #tpu.memory_space<vmem>> -> memref<64xf32, #tpu.memory_space<vmem>>
          %dma_start3A_276 = arith.constant 0 : i32
          %dma_start3A_277 = tpu.memref_slice %arg2[%squeeze3A_266, %squeeze3A_268, %dma_start3A_276] : memref<4x250000x64xf32, #tpu.memory_space<hbm>> -> memref<1x1x64xf32, #tpu.memory_space<hbm>>
          %dma_start3A_278 = tpu.memref_squeeze %dma_start3A_277 : memref<1x1x64xf32, #tpu.memory_space<hbm>> -> memref<64xf32, #tpu.memory_space<hbm>>
          %dma_start3A_279 = arith.constant 0 : i32
          %dma_start3A_280 = tpu.memref_slice %arg7[%add3A_272, %dma_start3A_279] : memref<128x64xf32, #tpu.memory_space<vmem>> -> memref<1x64xf32, #tpu.memory_space<vmem>>
          %dma_start3A_281 = tpu.memref_squeeze %dma_start3A_280 : memref<1x64xf32, #tpu.memory_space<vmem>> -> memref<64xf32, #tpu.memory_space<vmem>>
          %dma_start3A_282 = arith.constant 0 : i32
          %dma_start3A_283 = tpu.memref_slice %arg2[%squeeze3A_266, %squeeze3A_268, %dma_start3A_282] : memref<4x250000x64xf32, #tpu.memory_space<hbm>> -> memref<1x1x64xf32, #tpu.memory_space<hbm>>
          %dma_start3A_284 = tpu.memref_squeeze %dma_start3A_283 : memref<1x1x64xf32, #tpu.memory_space<hbm>> -> memref<64xf32, #tpu.memory_space<hbm>>
          tpu.enqueue_dma source(%dma_start3A_284 : memref<64xf32, #tpu.memory_space<hbm>>) target(%dma_start3A_281 : memref<64xf32, #tpu.memory_space<vmem>>) target_semaphore(%arg9 : memref<!tpu.dma_semaphore, #tpu.memory_space<semaphore_mem>>)
          %slice3A_285 = vector.extract_strided_slice %div3A_104 {offsets = [9], sizes = [1], strides = [1]} : vector<16xi32> to vector<1xi32>
          %squeeze3A_286 = vector.extract %slice3A_285[0] : i32 from vector<1xi32>
          %slice3A_287 = vector.extract_strided_slice %rem3A_106 {offsets = [9], sizes = [1], strides = [1]} : vector<16xi32> to vector<1xi32>
          %squeeze3A_288 = vector.extract %slice3A_287[0] : i32 from vector<1xi32>
          %mul3A_289 = arith.constant 16 : i32
          %mul3A_290 = arith.muli %add3A_97, %mul3A_289 : i32
          %add3A_291 = arith.constant 9 : i32
          %add3A_292 = arith.addi %mul3A_290, %add3A_291 : i32
          %dma_start3A_293 = arith.constant 0 : i32
          %dma_start3A_294 = tpu.memref_slice %arg7[%add3A_292, %dma_start3A_293] : memref<128x64xf32, #tpu.memory_space<vmem>> -> memref<1x64xf32, #tpu.memory_space<vmem>>
          %dma_start3A_295 = tpu.memref_squeeze %dma_start3A_294 : memref<1x64xf32, #tpu.memory_space<vmem>> -> memref<64xf32, #tpu.memory_space<vmem>>
          %dma_start3A_296 = arith.constant 0 : i32
          %dma_start3A_297 = tpu.memref_slice %arg2[%squeeze3A_286, %squeeze3A_288, %dma_start3A_296] : memref<4x250000x64xf32, #tpu.memory_space<hbm>> -> memref<1x1x64xf32, #tpu.memory_space<hbm>>
          %dma_start3A_298 = tpu.memref_squeeze %dma_start3A_297 : memref<1x1x64xf32, #tpu.memory_space<hbm>> -> memref<64xf32, #tpu.memory_space<hbm>>
          %dma_start3A_299 = arith.constant 0 : i32
          %dma_start3A_300 = tpu.memref_slice %arg7[%add3A_292, %dma_start3A_299] : memref<128x64xf32, #tpu.memory_space<vmem>> -> memref<1x64xf32, #tpu.memory_space<vmem>>
          %dma_start3A_301 = tpu.memref_squeeze %dma_start3A_300 : memref<1x64xf32, #tpu.memory_space<vmem>> -> memref<64xf32, #tpu.memory_space<vmem>>
          %dma_start3A_302 = arith.constant 0 : i32
          %dma_start3A_303 = tpu.memref_slice %arg2[%squeeze3A_286, %squeeze3A_288, %dma_start3A_302] : memref<4x250000x64xf32, #tpu.memory_space<hbm>> -> memref<1x1x64xf32, #tpu.memory_space<hbm>>
          %dma_start3A_304 = tpu.memref_squeeze %dma_start3A_303 : memref<1x1x64xf32, #tpu.memory_space<hbm>> -> memref<64xf32, #tpu.memory_space<hbm>>
          tpu.enqueue_dma source(%dma_start3A_304 : memref<64xf32, #tpu.memory_space<hbm>>) target(%dma_start3A_301 : memref<64xf32, #tpu.memory_space<vmem>>) target_semaphore(%arg9 : memref<!tpu.dma_semaphore, #tpu.memory_space<semaphore_mem>>)
          %slice3A_305 = vector.extract_strided_slice %div3A_104 {offsets = [10], sizes = [1], strides = [1]} : vector<16xi32> to vector<1xi32>
          %squeeze3A_306 = vector.extract %slice3A_305[0] : i32 from vector<1xi32>
          %slice3A_307 = vector.extract_strided_slice %rem3A_106 {offsets = [10], sizes = [1], strides = [1]} : vector<16xi32> to vector<1xi32>
          %squeeze3A_308 = vector.extract %slice3A_307[0] : i32 from vector<1xi32>
          %mul3A_309 = arith.constant 16 : i32
          %mul3A_310 = arith.muli %add3A_97, %mul3A_309 : i32
          %add3A_311 = arith.constant 10 : i32
          %add3A_312 = arith.addi %mul3A_310, %add3A_311 : i32
          %dma_start3A_313 = arith.constant 0 : i32
          %dma_start3A_314 = tpu.memref_slice %arg7[%add3A_312, %dma_start3A_313] : memref<128x64xf32, #tpu.memory_space<vmem>> -> memref<1x64xf32, #tpu.memory_space<vmem>>
          %dma_start3A_315 = tpu.memref_squeeze %dma_start3A_314 : memref<1x64xf32, #tpu.memory_space<vmem>> -> memref<64xf32, #tpu.memory_space<vmem>>
          %dma_start3A_316 = arith.constant 0 : i32
          %dma_start3A_317 = tpu.memref_slice %arg2[%squeeze3A_306, %squeeze3A_308, %dma_start3A_316] : memref<4x250000x64xf32, #tpu.memory_space<hbm>> -> memref<1x1x64xf32, #tpu.memory_space<hbm>>
          %dma_start3A_318 = tpu.memref_squeeze %dma_start3A_317 : memref<1x1x64xf32, #tpu.memory_space<hbm>> -> memref<64xf32, #tpu.memory_space<hbm>>
          %dma_start3A_319 = arith.constant 0 : i32
          %dma_start3A_320 = tpu.memref_slice %arg7[%add3A_312, %dma_start3A_319] : memref<128x64xf32, #tpu.memory_space<vmem>> -> memref<1x64xf32, #tpu.memory_space<vmem>>
          %dma_start3A_321 = tpu.memref_squeeze %dma_start3A_320 : memref<1x64xf32, #tpu.memory_space<vmem>> -> memref<64xf32, #tpu.memory_space<vmem>>
          %dma_start3A_322 = arith.constant 0 : i32
          %dma_start3A_323 = tpu.memref_slice %arg2[%squeeze3A_306, %squeeze3A_308, %dma_start3A_322] : memref<4x250000x64xf32, #tpu.memory_space<hbm>> -> memref<1x1x64xf32, #tpu.memory_space<hbm>>
          %dma_start3A_324 = tpu.memref_squeeze %dma_start3A_323 : memref<1x1x64xf32, #tpu.memory_space<hbm>> -> memref<64xf32, #tpu.memory_space<hbm>>
          tpu.enqueue_dma source(%dma_start3A_324 : memref<64xf32, #tpu.memory_space<hbm>>) target(%dma_start3A_321 : memref<64xf32, #tpu.memory_space<vmem>>) target_semaphore(%arg9 : memref<!tpu.dma_semaphore, #tpu.memory_space<semaphore_mem>>)
          %slice3A_325 = vector.extract_strided_slice %div3A_104 {offsets = [11], sizes = [1], strides = [1]} : vector<16xi32> to vector<1xi32>
          %squeeze3A_326 = vector.extract %slice3A_325[0] : i32 from vector<1xi32>
          %slice3A_327 = vector.extract_strided_slice %rem3A_106 {offsets = [11], sizes = [1], strides = [1]} : vector<16xi32> to vector<1xi32>
          %squeeze3A_328 = vector.extract %slice3A_327[0] : i32 from vector<1xi32>
          %mul3A_329 = arith.constant 16 : i32
          %mul3A_330 = arith.muli %add3A_97, %mul3A_329 : i32
          %add3A_331 = arith.constant 11 : i32
          %add3A_332 = arith.addi %mul3A_330, %add3A_331 : i32
          %dma_start3A_333 = arith.constant 0 : i32
          %dma_start3A_334 = tpu.memref_slice %arg7[%add3A_332, %dma_start3A_333] : memref<128x64xf32, #tpu.memory_space<vmem>> -> memref<1x64xf32, #tpu.memory_space<vmem>>
          %dma_start3A_335 = tpu.memref_squeeze %dma_start3A_334 : memref<1x64xf32, #tpu.memory_space<vmem>> -> memref<64xf32, #tpu.memory_space<vmem>>
          %dma_start3A_336 = arith.constant 0 : i32
          %dma_start3A_337 = tpu.memref_slice %arg2[%squeeze3A_326, %squeeze3A_328, %dma_start3A_336] : memref<4x250000x64xf32, #tpu.memory_space<hbm>> -> memref<1x1x64xf32, #tpu.memory_space<hbm>>
          %dma_start3A_338 = tpu.memref_squeeze %dma_start3A_337 : memref<1x1x64xf32, #tpu.memory_space<hbm>> -> memref<64xf32, #tpu.memory_space<hbm>>
          %dma_start3A_339 = arith.constant 0 : i32
          %dma_start3A_340 = tpu.memref_slice %arg7[%add3A_332, %dma_start3A_339] : memref<128x64xf32, #tpu.memory_space<vmem>> -> memref<1x64xf32, #tpu.memory_space<vmem>>
          %dma_start3A_341 = tpu.memref_squeeze %dma_start3A_340 : memref<1x64xf32, #tpu.memory_space<vmem>> -> memref<64xf32, #tpu.memory_space<vmem>>
          %dma_start3A_342 = arith.constant 0 : i32
          %dma_start3A_343 = tpu.memref_slice %arg2[%squeeze3A_326, %squeeze3A_328, %dma_start3A_342] : memref<4x250000x64xf32, #tpu.memory_space<hbm>> -> memref<1x1x64xf32, #tpu.memory_space<hbm>>
          %dma_start3A_344 = tpu.memref_squeeze %dma_start3A_343 : memref<1x1x64xf32, #tpu.memory_space<hbm>> -> memref<64xf32, #tpu.memory_space<hbm>>
          tpu.enqueue_dma source(%dma_start3A_344 : memref<64xf32, #tpu.memory_space<hbm>>) target(%dma_start3A_341 : memref<64xf32, #tpu.memory_space<vmem>>) target_semaphore(%arg9 : memref<!tpu.dma_semaphore, #tpu.memory_space<semaphore_mem>>)
          %slice3A_345 = vector.extract_strided_slice %div3A_104 {offsets = [12], sizes = [1], strides = [1]} : vector<16xi32> to vector<1xi32>
          %squeeze3A_346 = vector.extract %slice3A_345[0] : i32 from vector<1xi32>
          %slice3A_347 = vector.extract_strided_slice %rem3A_106 {offsets = [12], sizes = [1], strides = [1]} : vector<16xi32> to vector<1xi32>
          %squeeze3A_348 = vector.extract %slice3A_347[0] : i32 from vector<1xi32>
          %mul3A_349 = arith.constant 16 : i32
          %mul3A_350 = arith.muli %add3A_97, %mul3A_349 : i32
          %add3A_351 = arith.constant 12 : i32
          %add3A_352 = arith.addi %mul3A_350, %add3A_351 : i32
          %dma_start3A_353 = arith.constant 0 : i32
          %dma_start3A_354 = tpu.memref_slice %arg7[%add3A_352, %dma_start3A_353] : memref<128x64xf32, #tpu.memory_space<vmem>> -> memref<1x64xf32, #tpu.memory_space<vmem>>
          %dma_start3A_355 = tpu.memref_squeeze %dma_start3A_354 : memref<1x64xf32, #tpu.memory_space<vmem>> -> memref<64xf32, #tpu.memory_space<vmem>>
          %dma_start3A_356 = arith.constant 0 : i32
          %dma_start3A_357 = tpu.memref_slice %arg2[%squeeze3A_346, %squeeze3A_348, %dma_start3A_356] : memref<4x250000x64xf32, #tpu.memory_space<hbm>> -> memref<1x1x64xf32, #tpu.memory_space<hbm>>
          %dma_start3A_358 = tpu.memref_squeeze %dma_start3A_357 : memref<1x1x64xf32, #tpu.memory_space<hbm>> -> memref<64xf32, #tpu.memory_space<hbm>>
          %dma_start3A_359 = arith.constant 0 : i32
          %dma_start3A_360 = tpu.memref_slice %arg7[%add3A_352, %dma_start3A_359] : memref<128x64xf32, #tpu.memory_space<vmem>> -> memref<1x64xf32, #tpu.memory_space<vmem>>
          %dma_start3A_361 = tpu.memref_squeeze %dma_start3A_360 : memref<1x64xf32, #tpu.memory_space<vmem>> -> memref<64xf32, #tpu.memory_space<vmem>>
          %dma_start3A_362 = arith.constant 0 : i32
          %dma_start3A_363 = tpu.memref_slice %arg2[%squeeze3A_346, %squeeze3A_348, %dma_start3A_362] : memref<4x250000x64xf32, #tpu.memory_space<hbm>> -> memref<1x1x64xf32, #tpu.memory_space<hbm>>
          %dma_start3A_364 = tpu.memref_squeeze %dma_start3A_363 : memref<1x1x64xf32, #tpu.memory_space<hbm>> -> memref<64xf32, #tpu.memory_space<hbm>>
          tpu.enqueue_dma source(%dma_start3A_364 : memref<64xf32, #tpu.memory_space<hbm>>) target(%dma_start3A_361 : memref<64xf32, #tpu.memory_space<vmem>>) target_semaphore(%arg9 : memref<!tpu.dma_semaphore, #tpu.memory_space<semaphore_mem>>)
          %slice3A_365 = vector.extract_strided_slice %div3A_104 {offsets = [13], sizes = [1], strides = [1]} : vector<16xi32> to vector<1xi32>
          %squeeze3A_366 = vector.extract %slice3A_365[0] : i32 from vector<1xi32>
          %slice3A_367 = vector.extract_strided_slice %rem3A_106 {offsets = [13], sizes = [1], strides = [1]} : vector<16xi32> to vector<1xi32>
          %squeeze3A_368 = vector.extract %slice3A_367[0] : i32 from vector<1xi32>
          %mul3A_369 = arith.constant 16 : i32
          %mul3A_370 = arith.muli %add3A_97, %mul3A_369 : i32
          %add3A_371 = arith.constant 13 : i32
          %add3A_372 = arith.addi %mul3A_370, %add3A_371 : i32
          %dma_start3A_373 = arith.constant 0 : i32
          %dma_start3A_374 = tpu.memref_slice %arg7[%add3A_372, %dma_start3A_373] : memref<128x64xf32, #tpu.memory_space<vmem>> -> memref<1x64xf32, #tpu.memory_space<vmem>>
          %dma_start3A_375 = tpu.memref_squeeze %dma_start3A_374 : memref<1x64xf32, #tpu.memory_space<vmem>> -> memref<64xf32, #tpu.memory_space<vmem>>
          %dma_start3A_376 = arith.constant 0 : i32
          %dma_start3A_377 = tpu.memref_slice %arg2[%squeeze3A_366, %squeeze3A_368, %dma_start3A_376] : memref<4x250000x64xf32, #tpu.memory_space<hbm>> -> memref<1x1x64xf32, #tpu.memory_space<hbm>>
          %dma_start3A_378 = tpu.memref_squeeze %dma_start3A_377 : memref<1x1x64xf32, #tpu.memory_space<hbm>> -> memref<64xf32, #tpu.memory_space<hbm>>
          %dma_start3A_379 = arith.constant 0 : i32
          %dma_start3A_380 = tpu.memref_slice %arg7[%add3A_372, %dma_start3A_379] : memref<128x64xf32, #tpu.memory_space<vmem>> -> memref<1x64xf32, #tpu.memory_space<vmem>>
          %dma_start3A_381 = tpu.memref_squeeze %dma_start3A_380 : memref<1x64xf32, #tpu.memory_space<vmem>> -> memref<64xf32, #tpu.memory_space<vmem>>
          %dma_start3A_382 = arith.constant 0 : i32
          %dma_start3A_383 = tpu.memref_slice %arg2[%squeeze3A_366, %squeeze3A_368, %dma_start3A_382] : memref<4x250000x64xf32, #tpu.memory_space<hbm>> -> memref<1x1x64xf32, #tpu.memory_space<hbm>>
          %dma_start3A_384 = tpu.memref_squeeze %dma_start3A_383 : memref<1x1x64xf32, #tpu.memory_space<hbm>> -> memref<64xf32, #tpu.memory_space<hbm>>
          tpu.enqueue_dma source(%dma_start3A_384 : memref<64xf32, #tpu.memory_space<hbm>>) target(%dma_start3A_381 : memref<64xf32, #tpu.memory_space<vmem>>) target_semaphore(%arg9 : memref<!tpu.dma_semaphore, #tpu.memory_space<semaphore_mem>>)
          %slice3A_385 = vector.extract_strided_slice %div3A_104 {offsets = [14], sizes = [1], strides = [1]} : vector<16xi32> to vector<1xi32>
          %squeeze3A_386 = vector.extract %slice3A_385[0] : i32 from vector<1xi32>
          %slice3A_387 = vector.extract_strided_slice %rem3A_106 {offsets = [14], sizes = [1], strides = [1]} : vector<16xi32> to vector<1xi32>
          %squeeze3A_388 = vector.extract %slice3A_387[0] : i32 from vector<1xi32>
          %mul3A_389 = arith.constant 16 : i32
          %mul3A_390 = arith.muli %add3A_97, %mul3A_389 : i32
          %add3A_391 = arith.constant 14 : i32
          %add3A_392 = arith.addi %mul3A_390, %add3A_391 : i32
          %dma_start3A_393 = arith.constant 0 : i32
          %dma_start3A_394 = tpu.memref_slice %arg7[%add3A_392, %dma_start3A_393] : memref<128x64xf32, #tpu.memory_space<vmem>> -> memref<1x64xf32, #tpu.memory_space<vmem>>
          %dma_start3A_395 = tpu.memref_squeeze %dma_start3A_394 : memref<1x64xf32, #tpu.memory_space<vmem>> -> memref<64xf32, #tpu.memory_space<vmem>>
          %dma_start3A_396 = arith.constant 0 : i32
          %dma_start3A_397 = tpu.memref_slice %arg2[%squeeze3A_386, %squeeze3A_388, %dma_start3A_396] : memref<4x250000x64xf32, #tpu.memory_space<hbm>> -> memref<1x1x64xf32, #tpu.memory_space<hbm>>
          %dma_start3A_398 = tpu.memref_squeeze %dma_start3A_397 : memref<1x1x64xf32, #tpu.memory_space<hbm>> -> memref<64xf32, #tpu.memory_space<hbm>>
          %dma_start3A_399 = arith.constant 0 : i32
          %dma_start3A_400 = tpu.memref_slice %arg7[%add3A_392, %dma_start3A_399] : memref<128x64xf32, #tpu.memory_space<vmem>> -> memref<1x64xf32, #tpu.memory_space<vmem>>
          %dma_start3A_401 = tpu.memref_squeeze %dma_start3A_400 : memref<1x64xf32, #tpu.memory_space<vmem>> -> memref<64xf32, #tpu.memory_space<vmem>>
          %dma_start3A_402 = arith.constant 0 : i32
          %dma_start3A_403 = tpu.memref_slice %arg2[%squeeze3A_386, %squeeze3A_388, %dma_start3A_402] : memref<4x250000x64xf32, #tpu.memory_space<hbm>> -> memref<1x1x64xf32, #tpu.memory_space<hbm>>
          %dma_start3A_404 = tpu.memref_squeeze %dma_start3A_403 : memref<1x1x64xf32, #tpu.memory_space<hbm>> -> memref<64xf32, #tpu.memory_space<hbm>>
          tpu.enqueue_dma source(%dma_start3A_404 : memref<64xf32, #tpu.memory_space<hbm>>) target(%dma_start3A_401 : memref<64xf32, #tpu.memory_space<vmem>>) target_semaphore(%arg9 : memref<!tpu.dma_semaphore, #tpu.memory_space<semaphore_mem>>)
          %slice3A_405 = vector.extract_strided_slice %div3A_104 {offsets = [15], sizes = [1], strides = [1]} : vector<16xi32> to vector<1xi32>
          %squeeze3A_406 = vector.extract %slice3A_405[0] : i32 from vector<1xi32>
          %slice3A_407 = vector.extract_strided_slice %rem3A_106 {offsets = [15], sizes = [1], strides = [1]} : vector<16xi32> to vector<1xi32>
          %squeeze3A_408 = vector.extract %slice3A_407[0] : i32 from vector<1xi32>
          %mul3A_409 = arith.constant 16 : i32
          %mul3A_410 = arith.muli %add3A_97, %mul3A_409 : i32
          %add3A_411 = arith.constant 15 : i32
          %add3A_412 = arith.addi %mul3A_410, %add3A_411 : i32
          %dma_start3A_413 = arith.constant 0 : i32
          %dma_start3A_414 = tpu.memref_slice %arg7[%add3A_412, %dma_start3A_413] : memref<128x64xf32, #tpu.memory_space<vmem>> -> memref<1x64xf32, #tpu.memory_space<vmem>>
          %dma_start3A_415 = tpu.memref_squeeze %dma_start3A_414 : memref<1x64xf32, #tpu.memory_space<vmem>> -> memref<64xf32, #tpu.memory_space<vmem>>
          %dma_start3A_416 = arith.constant 0 : i32
          %dma_start3A_417 = tpu.memref_slice %arg2[%squeeze3A_406, %squeeze3A_408, %dma_start3A_416] : memref<4x250000x64xf32, #tpu.memory_space<hbm>> -> memref<1x1x64xf32, #tpu.memory_space<hbm>>
          %dma_start3A_418 = tpu.memref_squeeze %dma_start3A_417 : memref<1x1x64xf32, #tpu.memory_space<hbm>> -> memref<64xf32, #tpu.memory_space<hbm>>
          %dma_start3A_419 = arith.constant 0 : i32
          %dma_start3A_420 = tpu.memref_slice %arg7[%add3A_412, %dma_start3A_419] : memref<128x64xf32, #tpu.memory_space<vmem>> -> memref<1x64xf32, #tpu.memory_space<vmem>>
          %dma_start3A_421 = tpu.memref_squeeze %dma_start3A_420 : memref<1x64xf32, #tpu.memory_space<vmem>> -> memref<64xf32, #tpu.memory_space<vmem>>
          %dma_start3A_422 = arith.constant 0 : i32
          %dma_start3A_423 = tpu.memref_slice %arg2[%squeeze3A_406, %squeeze3A_408, %dma_start3A_422] : memref<4x250000x64xf32, #tpu.memory_space<hbm>> -> memref<1x1x64xf32, #tpu.memory_space<hbm>>
          %dma_start3A_424 = tpu.memref_squeeze %dma_start3A_423 : memref<1x1x64xf32, #tpu.memory_space<hbm>> -> memref<64xf32, #tpu.memory_space<hbm>>
          tpu.enqueue_dma source(%dma_start3A_424 : memref<64xf32, #tpu.memory_space<hbm>>) target(%dma_start3A_421 : memref<64xf32, #tpu.memory_space<vmem>>) target_semaphore(%arg9 : memref<!tpu.dma_semaphore, #tpu.memory_space<semaphore_mem>>)
        }
        %scan3A_92 = arith.constant 8 : i32
      } else {
      }
      %dma_wait3A_40 = arith.constant 0 : i32
      %dma_wait3A_41 = arith.constant 0 : i32
      %dma_wait3A_42 = arith.constant 0 : i32
      %dma_wait3A_43 = tpu.memref_slice %arg2[%dma_wait3A_40, %dma_wait3A_41, %dma_wait3A_42] : memref<4x250000x64xf32, #tpu.memory_space<hbm>> -> memref<1x128x64xf32, #tpu.memory_space<hbm>>
      %dma_wait3A_44 = tpu.memref_squeeze %dma_wait3A_43 : memref<1x128x64xf32, #tpu.memory_space<hbm>> -> memref<128x64xf32, #tpu.memory_space<hbm>>
      %dma_wait3A_45 = arith.constant 0 : i32
      %dma_wait3A_46 = arith.constant 0 : i32
      %dma_wait3A_47 = tpu.memref_slice %arg2[%dma_wait3A_40, %dma_wait3A_45, %dma_wait3A_46] : memref<4x250000x64xf32, #tpu.memory_space<hbm>> -> memref<1x128x64xf32, #tpu.memory_space<hbm>>
      %dma_wait3A_48 = tpu.memref_squeeze %dma_wait3A_47 : memref<1x128x64xf32, #tpu.memory_space<hbm>> -> memref<128x64xf32, #tpu.memory_space<hbm>>
      tpu.wait_dma2 semaphore(%arg8 : memref<!tpu.dma_semaphore, #tpu.memory_space<semaphore_mem>>) src(%dma_wait3A_48 : memref<128x64xf32, #tpu.memory_space<hbm>>) dst(%arg6 : memref<128x64xf32, #tpu.memory_space<vmem>>)
      %dma_start3A = arith.constant 0 : i32
      %dma_start3A_49 = arith.constant 0 : i32
      %dma_start3A_50 = tpu.memref_slice %arg4[%add3A, %dma_start3A, %add3A_35, %dma_start3A_49] : memref<32x128x50x64xf32, #tpu.memory_space<hbm>> -> memref<1x128x1x64xf32, #tpu.memory_space<hbm>>
      %dma_start3A_51 = tpu.memref_squeeze %dma_start3A_50 : memref<1x128x1x64xf32, #tpu.memory_space<hbm>> -> memref<128x64xf32, #tpu.memory_space<hbm>>
      %dma_start3A_52 = arith.constant 0 : i32
      %dma_start3A_53 = arith.constant 0 : i32
      %dma_start3A_54 = tpu.memref_slice %arg4[%add3A, %dma_start3A_52, %add3A_35, %dma_start3A_53] : memref<32x128x50x64xf32, #tpu.memory_space<hbm>> -> memref<1x128x1x64xf32, #tpu.memory_space<hbm>>
      %dma_start3A_55 = tpu.memref_squeeze %dma_start3A_54 : memref<1x128x1x64xf32, #tpu.memory_space<hbm>> -> memref<128x64xf32, #tpu.memory_space<hbm>>
      tpu.enqueue_dma source(%arg6 : memref<128x64xf32, #tpu.memory_space<vmem>>) target(%dma_start3A_55 : memref<128x64xf32, #tpu.memory_space<hbm>>) target_semaphore(%arg10 : memref<!tpu.dma_semaphore, #tpu.memory_space<semaphore_mem>>)
      %add3A_56 = arith.constant 1 : i32
      %add3A_57 = arith.addi %add3A_33, %add3A_56 : i32
      %add3A_58 = arith.constant 1 : i32
      %add3A_59 = arith.addi %add3A_57, %add3A_58 : i32
      %lt3A_60 = arith.constant 50 : i32
      %lt3A_61 = arith.cmpi slt, %add3A_59, %lt3A_60 : i32
      %convert_element_type3A_62 = arith.extui %lt3A_61 : i1 to i32
      %cond3A_63 = arith.constant 0 : i32
      %cond3A_64 = arith.cmpi ne, %convert_element_type3A_62, %cond3A_63 : i32
      scf.if %cond3A_64 {
        %ge3A = arith.constant 1 : i32
        %ge3A_82 = arith.cmpi sge, %add3A_57, %ge3A : i32
        %convert_element_type3A_83 = arith.extui %ge3A_82 : i1 to i32
        %cond3A_84 = arith.constant 0 : i32
        %cond3A_85 = arith.cmpi ne, %convert_element_type3A_83, %cond3A_84 : i32
        scf.if %cond3A_85 {
          %sub3A = arith.constant 1 : i32
          %sub3A_93 = arith.subi %add3A_57, %sub3A : i32
          %dma_wait3A_94 = arith.constant 0 : i32
          %dma_wait3A_95 = arith.constant 0 : i32
          %dma_wait3A_96 = tpu.memref_slice %arg4[%add3A, %dma_wait3A_94, %sub3A_93, %dma_wait3A_95] : memref<32x128x50x64xf32, #tpu.memory_space<hbm>> -> memref<1x128x1x64xf32, #tpu.memory_space<hbm>>
          %dma_wait3A_97 = tpu.memref_squeeze %dma_wait3A_96 : memref<1x128x1x64xf32, #tpu.memory_space<hbm>> -> memref<128x64xf32, #tpu.memory_space<hbm>>
          %dma_wait3A_98 = arith.constant 0 : i32
          %dma_wait3A_99 = arith.constant 0 : i32
          %dma_wait3A_100 = tpu.memref_slice %arg4[%add3A, %dma_wait3A_98, %sub3A_93, %dma_wait3A_99] : memref<32x128x50x64xf32, #tpu.memory_space<hbm>> -> memref<1x128x1x64xf32, #tpu.memory_space<hbm>>
          %dma_wait3A_101 = tpu.memref_squeeze %dma_wait3A_100 : memref<1x128x1x64xf32, #tpu.memory_space<hbm>> -> memref<128x64xf32, #tpu.memory_space<hbm>>
          tpu.wait_dma2 semaphore(%arg10 : memref<!tpu.dma_semaphore, #tpu.memory_space<semaphore_mem>>) src(%arg6 : memref<128x64xf32, #tpu.memory_space<vmem>>) dst(%dma_wait3A_101 : memref<128x64xf32, #tpu.memory_space<hbm>>)
        } else {
        }
        %add3A_86 = arith.constant 1 : i32
        %add3A_87 = arith.addi %add3A_57, %add3A_86 : i32
        %scan3A_88 = arith.constant 0 : i32
        %scan3A_89 = arith.constant 8 : i32
        %scan3A_90 = arith.addi %scan3A_88, %scan3A_89 : i32
        %scan3A_91 = arith.constant 1 : i32
        scf.for %scan3A_93 = %scan3A_88 to %scan3A_90 step %scan3A_91  : i32 {
          %mul3A_94 = arith.constant 1 : i32
          %mul3A_95 = arith.muli %scan3A_93, %mul3A_94 : i32
          %add3A_96 = arith.constant 0 : i32
          %add3A_97 = arith.addi %add3A_96, %mul3A_95 : i32
          %mul3A_98 = arith.constant 16 : i32
          %mul3A_99 = arith.muli %add3A_97, %mul3A_98 : i32
          %get3A = arith.index_cast %add3A_87 : i32 to index
          %get3A_100 = arith.index_cast %mul3A_99 : i32 to index
          %get3A_101 = tpu.vector_load %arg5[%get3A, %get3A_100] {strides = array<i32>} : memref<50x128xi32, #tpu.memory_space<vmem>>, vector<1x16xi32>,
          %get3A_102 = vector.shape_cast %get3A_101 : vector<1x16xi32> to vector<16xi32>
          %div3A = arith.constant 250000 : i32
          %div3A_103 = vector.broadcast %div3A : i32 to vector<16xi32>
          %div3A_104 = arith.divsi %get3A_102, %div3A_103 : vector<16xi32>
          %rem3A = arith.constant 250000 : i32
          %rem3A_105 = vector.broadcast %rem3A : i32 to vector<16xi32>
          %rem3A_106 = arith.remsi %get3A_102, %rem3A_105 : vector<16xi32>
          %slice3A = vector.extract_strided_slice %div3A_104 {offsets = [0], sizes = [1], strides = [1]} : vector<16xi32> to vector<1xi32>
          %squeeze3A = vector.extract %slice3A[0] : i32 from vector<1xi32>
          %slice3A_107 = vector.extract_strided_slice %rem3A_106 {offsets = [0], sizes = [1], strides = [1]} : vector<16xi32> to vector<1xi32>
          %squeeze3A_108 = vector.extract %slice3A_107[0] : i32 from vector<1xi32>
          %mul3A_109 = arith.constant 16 : i32
          %mul3A_110 = arith.muli %add3A_97, %mul3A_109 : i32
          %add3A_111 = arith.constant 0 : i32
          %add3A_112 = arith.addi %mul3A_110, %add3A_111 : i32
          %dma_start3A_113 = arith.constant 0 : i32
          %dma_start3A_114 = tpu.memref_slice %arg6[%add3A_112, %dma_start3A_113] : memref<128x64xf32, #tpu.memory_space<vmem>> -> memref<1x64xf32, #tpu.memory_space<vmem>>
          %dma_start3A_115 = tpu.memref_squeeze %dma_start3A_114 : memref<1x64xf32, #tpu.memory_space<vmem>> -> memref<64xf32, #tpu.memory_space<vmem>>
          %dma_start3A_116 = arith.constant 0 : i32
          %dma_start3A_117 = tpu.memref_slice %arg2[%squeeze3A, %squeeze3A_108, %dma_start3A_116] : memref<4x250000x64xf32, #tpu.memory_space<hbm>> -> memref<1x1x64xf32, #tpu.memory_space<hbm>>
          %dma_start3A_118 = tpu.memref_squeeze %dma_start3A_117 : memref<1x1x64xf32, #tpu.memory_space<hbm>> -> memref<64xf32, #tpu.memory_space<hbm>>
          %dma_start3A_119 = arith.constant 0 : i32
          %dma_start3A_120 = tpu.memref_slice %arg6[%add3A_112, %dma_start3A_119] : memref<128x64xf32, #tpu.memory_space<vmem>> -> memref<1x64xf32, #tpu.memory_space<vmem>>
          %dma_start3A_121 = tpu.memref_squeeze %dma_start3A_120 : memref<1x64xf32, #tpu.memory_space<vmem>> -> memref<64xf32, #tpu.memory_space<vmem>>
          %dma_start3A_122 = arith.constant 0 : i32
          %dma_start3A_123 = tpu.memref_slice %arg2[%squeeze3A, %squeeze3A_108, %dma_start3A_122] : memref<4x250000x64xf32, #tpu.memory_space<hbm>> -> memref<1x1x64xf32, #tpu.memory_space<hbm>>
          %dma_start3A_124 = tpu.memref_squeeze %dma_start3A_123 : memref<1x1x64xf32, #tpu.memory_space<hbm>> -> memref<64xf32, #tpu.memory_space<hbm>>
          tpu.enqueue_dma source(%dma_start3A_124 : memref<64xf32, #tpu.memory_space<hbm>>) target(%dma_start3A_121 : memref<64xf32, #tpu.memory_space<vmem>>) target_semaphore(%arg8 : memref<!tpu.dma_semaphore, #tpu.memory_space<semaphore_mem>>)
          %slice3A_125 = vector.extract_strided_slice %div3A_104 {offsets = [1], sizes = [1], strides = [1]} : vector<16xi32> to vector<1xi32>
          %squeeze3A_126 = vector.extract %slice3A_125[0] : i32 from vector<1xi32>
          %slice3A_127 = vector.extract_strided_slice %rem3A_106 {offsets = [1], sizes = [1], strides = [1]} : vector<16xi32> to vector<1xi32>
          %squeeze3A_128 = vector.extract %slice3A_127[0] : i32 from vector<1xi32>
          %mul3A_129 = arith.constant 16 : i32
          %mul3A_130 = arith.muli %add3A_97, %mul3A_129 : i32
          %add3A_131 = arith.constant 1 : i32
          %add3A_132 = arith.addi %mul3A_130, %add3A_131 : i32
          %dma_start3A_133 = arith.constant 0 : i32
          %dma_start3A_134 = tpu.memref_slice %arg6[%add3A_132, %dma_start3A_133] : memref<128x64xf32, #tpu.memory_space<vmem>> -> memref<1x64xf32, #tpu.memory_space<vmem>>
          %dma_start3A_135 = tpu.memref_squeeze %dma_start3A_134 : memref<1x64xf32, #tpu.memory_space<vmem>> -> memref<64xf32, #tpu.memory_space<vmem>>
          %dma_start3A_136 = arith.constant 0 : i32
          %dma_start3A_137 = tpu.memref_slice %arg2[%squeeze3A_126, %squeeze3A_128, %dma_start3A_136] : memref<4x250000x64xf32, #tpu.memory_space<hbm>> -> memref<1x1x64xf32, #tpu.memory_space<hbm>>
          %dma_start3A_138 = tpu.memref_squeeze %dma_start3A_137 : memref<1x1x64xf32, #tpu.memory_space<hbm>> -> memref<64xf32, #tpu.memory_space<hbm>>
          %dma_start3A_139 = arith.constant 0 : i32
          %dma_start3A_140 = tpu.memref_slice %arg6[%add3A_132, %dma_start3A_139] : memref<128x64xf32, #tpu.memory_space<vmem>> -> memref<1x64xf32, #tpu.memory_space<vmem>>
          %dma_start3A_141 = tpu.memref_squeeze %dma_start3A_140 : memref<1x64xf32, #tpu.memory_space<vmem>> -> memref<64xf32, #tpu.memory_space<vmem>>
          %dma_start3A_142 = arith.constant 0 : i32
          %dma_start3A_143 = tpu.memref_slice %arg2[%squeeze3A_126, %squeeze3A_128, %dma_start3A_142] : memref<4x250000x64xf32, #tpu.memory_space<hbm>> -> memref<1x1x64xf32, #tpu.memory_space<hbm>>
          %dma_start3A_144 = tpu.memref_squeeze %dma_start3A_143 : memref<1x1x64xf32, #tpu.memory_space<hbm>> -> memref<64xf32, #tpu.memory_space<hbm>>
          tpu.enqueue_dma source(%dma_start3A_144 : memref<64xf32, #tpu.memory_space<hbm>>) target(%dma_start3A_141 : memref<64xf32, #tpu.memory_space<vmem>>) target_semaphore(%arg8 : memref<!tpu.dma_semaphore, #tpu.memory_space<semaphore_mem>>)
          %slice3A_145 = vector.extract_strided_slice %div3A_104 {offsets = [2], sizes = [1], strides = [1]} : vector<16xi32> to vector<1xi32>
          %squeeze3A_146 = vector.extract %slice3A_145[0] : i32 from vector<1xi32>
          %slice3A_147 = vector.extract_strided_slice %rem3A_106 {offsets = [2], sizes = [1], strides = [1]} : vector<16xi32> to vector<1xi32>
          %squeeze3A_148 = vector.extract %slice3A_147[0] : i32 from vector<1xi32>
          %mul3A_149 = arith.constant 16 : i32
          %mul3A_150 = arith.muli %add3A_97, %mul3A_149 : i32
          %add3A_151 = arith.constant 2 : i32
          %add3A_152 = arith.addi %mul3A_150, %add3A_151 : i32
          %dma_start3A_153 = arith.constant 0 : i32
          %dma_start3A_154 = tpu.memref_slice %arg6[%add3A_152, %dma_start3A_153] : memref<128x64xf32, #tpu.memory_space<vmem>> -> memref<1x64xf32, #tpu.memory_space<vmem>>
          %dma_start3A_155 = tpu.memref_squeeze %dma_start3A_154 : memref<1x64xf32, #tpu.memory_space<vmem>> -> memref<64xf32, #tpu.memory_space<vmem>>
          %dma_start3A_156 = arith.constant 0 : i32
          %dma_start3A_157 = tpu.memref_slice %arg2[%squeeze3A_146, %squeeze3A_148, %dma_start3A_156] : memref<4x250000x64xf32, #tpu.memory_space<hbm>> -> memref<1x1x64xf32, #tpu.memory_space<hbm>>
          %dma_start3A_158 = tpu.memref_squeeze %dma_start3A_157 : memref<1x1x64xf32, #tpu.memory_space<hbm>> -> memref<64xf32, #tpu.memory_space<hbm>>
          %dma_start3A_159 = arith.constant 0 : i32
          %dma_start3A_160 = tpu.memref_slice %arg6[%add3A_152, %dma_start3A_159] : memref<128x64xf32, #tpu.memory_space<vmem>> -> memref<1x64xf32, #tpu.memory_space<vmem>>
          %dma_start3A_161 = tpu.memref_squeeze %dma_start3A_160 : memref<1x64xf32, #tpu.memory_space<vmem>> -> memref<64xf32, #tpu.memory_space<vmem>>
          %dma_start3A_162 = arith.constant 0 : i32
          %dma_start3A_163 = tpu.memref_slice %arg2[%squeeze3A_146, %squeeze3A_148, %dma_start3A_162] : memref<4x250000x64xf32, #tpu.memory_space<hbm>> -> memref<1x1x64xf32, #tpu.memory_space<hbm>>
          %dma_start3A_164 = tpu.memref_squeeze %dma_start3A_163 : memref<1x1x64xf32, #tpu.memory_space<hbm>> -> memref<64xf32, #tpu.memory_space<hbm>>
          tpu.enqueue_dma source(%dma_start3A_164 : memref<64xf32, #tpu.memory_space<hbm>>) target(%dma_start3A_161 : memref<64xf32, #tpu.memory_space<vmem>>) target_semaphore(%arg8 : memref<!tpu.dma_semaphore, #tpu.memory_space<semaphore_mem>>)
          %slice3A_165 = vector.extract_strided_slice %div3A_104 {offsets = [3], sizes = [1], strides = [1]} : vector<16xi32> to vector<1xi32>
          %squeeze3A_166 = vector.extract %slice3A_165[0] : i32 from vector<1xi32>
          %slice3A_167 = vector.extract_strided_slice %rem3A_106 {offsets = [3], sizes = [1], strides = [1]} : vector<16xi32> to vector<1xi32>
          %squeeze3A_168 = vector.extract %slice3A_167[0] : i32 from vector<1xi32>
          %mul3A_169 = arith.constant 16 : i32
          %mul3A_170 = arith.muli %add3A_97, %mul3A_169 : i32
          %add3A_171 = arith.constant 3 : i32
          %add3A_172 = arith.addi %mul3A_170, %add3A_171 : i32
          %dma_start3A_173 = arith.constant 0 : i32
          %dma_start3A_174 = tpu.memref_slice %arg6[%add3A_172, %dma_start3A_173] : memref<128x64xf32, #tpu.memory_space<vmem>> -> memref<1x64xf32, #tpu.memory_space<vmem>>
          %dma_start3A_175 = tpu.memref_squeeze %dma_start3A_174 : memref<1x64xf32, #tpu.memory_space<vmem>> -> memref<64xf32, #tpu.memory_space<vmem>>
          %dma_start3A_176 = arith.constant 0 : i32
          %dma_start3A_177 = tpu.memref_slice %arg2[%squeeze3A_166, %squeeze3A_168, %dma_start3A_176] : memref<4x250000x64xf32, #tpu.memory_space<hbm>> -> memref<1x1x64xf32, #tpu.memory_space<hbm>>
          %dma_start3A_178 = tpu.memref_squeeze %dma_start3A_177 : memref<1x1x64xf32, #tpu.memory_space<hbm>> -> memref<64xf32, #tpu.memory_space<hbm>>
          %dma_start3A_179 = arith.constant 0 : i32
          %dma_start3A_180 = tpu.memref_slice %arg6[%add3A_172, %dma_start3A_179] : memref<128x64xf32, #tpu.memory_space<vmem>> -> memref<1x64xf32, #tpu.memory_space<vmem>>
          %dma_start3A_181 = tpu.memref_squeeze %dma_start3A_180 : memref<1x64xf32, #tpu.memory_space<vmem>> -> memref<64xf32, #tpu.memory_space<vmem>>
          %dma_start3A_182 = arith.constant 0 : i32
          %dma_start3A_183 = tpu.memref_slice %arg2[%squeeze3A_166, %squeeze3A_168, %dma_start3A_182] : memref<4x250000x64xf32, #tpu.memory_space<hbm>> -> memref<1x1x64xf32, #tpu.memory_space<hbm>>
          %dma_start3A_184 = tpu.memref_squeeze %dma_start3A_183 : memref<1x1x64xf32, #tpu.memory_space<hbm>> -> memref<64xf32, #tpu.memory_space<hbm>>
          tpu.enqueue_dma source(%dma_start3A_184 : memref<64xf32, #tpu.memory_space<hbm>>) target(%dma_start3A_181 : memref<64xf32, #tpu.memory_space<vmem>>) target_semaphore(%arg8 : memref<!tpu.dma_semaphore, #tpu.memory_space<semaphore_mem>>)
          %slice3A_185 = vector.extract_strided_slice %div3A_104 {offsets = [4], sizes = [1], strides = [1]} : vector<16xi32> to vector<1xi32>
          %squeeze3A_186 = vector.extract %slice3A_185[0] : i32 from vector<1xi32>
          %slice3A_187 = vector.extract_strided_slice %rem3A_106 {offsets = [4], sizes = [1], strides = [1]} : vector<16xi32> to vector<1xi32>
          %squeeze3A_188 = vector.extract %slice3A_187[0] : i32 from vector<1xi32>
          %mul3A_189 = arith.constant 16 : i32
          %mul3A_190 = arith.muli %add3A_97, %mul3A_189 : i32
          %add3A_191 = arith.constant 4 : i32
          %add3A_192 = arith.addi %mul3A_190, %add3A_191 : i32
          %dma_start3A_193 = arith.constant 0 : i32
          %dma_start3A_194 = tpu.memref_slice %arg6[%add3A_192, %dma_start3A_193] : memref<128x64xf32, #tpu.memory_space<vmem>> -> memref<1x64xf32, #tpu.memory_space<vmem>>
          %dma_start3A_195 = tpu.memref_squeeze %dma_start3A_194 : memref<1x64xf32, #tpu.memory_space<vmem>> -> memref<64xf32, #tpu.memory_space<vmem>>
          %dma_start3A_196 = arith.constant 0 : i32
          %dma_start3A_197 = tpu.memref_slice %arg2[%squeeze3A_186, %squeeze3A_188, %dma_start3A_196] : memref<4x250000x64xf32, #tpu.memory_space<hbm>> -> memref<1x1x64xf32, #tpu.memory_space<hbm>>
          %dma_start3A_198 = tpu.memref_squeeze %dma_start3A_197 : memref<1x1x64xf32, #tpu.memory_space<hbm>> -> memref<64xf32, #tpu.memory_space<hbm>>
          %dma_start3A_199 = arith.constant 0 : i32
          %dma_start3A_200 = tpu.memref_slice %arg6[%add3A_192, %dma_start3A_199] : memref<128x64xf32, #tpu.memory_space<vmem>> -> memref<1x64xf32, #tpu.memory_space<vmem>>
          %dma_start3A_201 = tpu.memref_squeeze %dma_start3A_200 : memref<1x64xf32, #tpu.memory_space<vmem>> -> memref<64xf32, #tpu.memory_space<vmem>>
          %dma_start3A_202 = arith.constant 0 : i32
          %dma_start3A_203 = tpu.memref_slice %arg2[%squeeze3A_186, %squeeze3A_188, %dma_start3A_202] : memref<4x250000x64xf32, #tpu.memory_space<hbm>> -> memref<1x1x64xf32, #tpu.memory_space<hbm>>
          %dma_start3A_204 = tpu.memref_squeeze %dma_start3A_203 : memref<1x1x64xf32, #tpu.memory_space<hbm>> -> memref<64xf32, #tpu.memory_space<hbm>>
          tpu.enqueue_dma source(%dma_start3A_204 : memref<64xf32, #tpu.memory_space<hbm>>) target(%dma_start3A_201 : memref<64xf32, #tpu.memory_space<vmem>>) target_semaphore(%arg8 : memref<!tpu.dma_semaphore, #tpu.memory_space<semaphore_mem>>)
          %slice3A_205 = vector.extract_strided_slice %div3A_104 {offsets = [5], sizes = [1], strides = [1]} : vector<16xi32> to vector<1xi32>
          %squeeze3A_206 = vector.extract %slice3A_205[0] : i32 from vector<1xi32>
          %slice3A_207 = vector.extract_strided_slice %rem3A_106 {offsets = [5], sizes = [1], strides = [1]} : vector<16xi32> to vector<1xi32>
          %squeeze3A_208 = vector.extract %slice3A_207[0] : i32 from vector<1xi32>
          %mul3A_209 = arith.constant 16 : i32
          %mul3A_210 = arith.muli %add3A_97, %mul3A_209 : i32
          %add3A_211 = arith.constant 5 : i32
          %add3A_212 = arith.addi %mul3A_210, %add3A_211 : i32
          %dma_start3A_213 = arith.constant 0 : i32
          %dma_start3A_214 = tpu.memref_slice %arg6[%add3A_212, %dma_start3A_213] : memref<128x64xf32, #tpu.memory_space<vmem>> -> memref<1x64xf32, #tpu.memory_space<vmem>>
          %dma_start3A_215 = tpu.memref_squeeze %dma_start3A_214 : memref<1x64xf32, #tpu.memory_space<vmem>> -> memref<64xf32, #tpu.memory_space<vmem>>
          %dma_start3A_216 = arith.constant 0 : i32
          %dma_start3A_217 = tpu.memref_slice %arg2[%squeeze3A_206, %squeeze3A_208, %dma_start3A_216] : memref<4x250000x64xf32, #tpu.memory_space<hbm>> -> memref<1x1x64xf32, #tpu.memory_space<hbm>>
          %dma_start3A_218 = tpu.memref_squeeze %dma_start3A_217 : memref<1x1x64xf32, #tpu.memory_space<hbm>> -> memref<64xf32, #tpu.memory_space<hbm>>
          %dma_start3A_219 = arith.constant 0 : i32
          %dma_start3A_220 = tpu.memref_slice %arg6[%add3A_212, %dma_start3A_219] : memref<128x64xf32, #tpu.memory_space<vmem>> -> memref<1x64xf32, #tpu.memory_space<vmem>>
          %dma_start3A_221 = tpu.memref_squeeze %dma_start3A_220 : memref<1x64xf32, #tpu.memory_space<vmem>> -> memref<64xf32, #tpu.memory_space<vmem>>
          %dma_start3A_222 = arith.constant 0 : i32
          %dma_start3A_223 = tpu.memref_slice %arg2[%squeeze3A_206, %squeeze3A_208, %dma_start3A_222] : memref<4x250000x64xf32, #tpu.memory_space<hbm>> -> memref<1x1x64xf32, #tpu.memory_space<hbm>>
          %dma_start3A_224 = tpu.memref_squeeze %dma_start3A_223 : memref<1x1x64xf32, #tpu.memory_space<hbm>> -> memref<64xf32, #tpu.memory_space<hbm>>
          tpu.enqueue_dma source(%dma_start3A_224 : memref<64xf32, #tpu.memory_space<hbm>>) target(%dma_start3A_221 : memref<64xf32, #tpu.memory_space<vmem>>) target_semaphore(%arg8 : memref<!tpu.dma_semaphore, #tpu.memory_space<semaphore_mem>>)
          %slice3A_225 = vector.extract_strided_slice %div3A_104 {offsets = [6], sizes = [1], strides = [1]} : vector<16xi32> to vector<1xi32>
          %squeeze3A_226 = vector.extract %slice3A_225[0] : i32 from vector<1xi32>
          %slice3A_227 = vector.extract_strided_slice %rem3A_106 {offsets = [6], sizes = [1], strides = [1]} : vector<16xi32> to vector<1xi32>
          %squeeze3A_228 = vector.extract %slice3A_227[0] : i32 from vector<1xi32>
          %mul3A_229 = arith.constant 16 : i32
          %mul3A_230 = arith.muli %add3A_97, %mul3A_229 : i32
          %add3A_231 = arith.constant 6 : i32
          %add3A_232 = arith.addi %mul3A_230, %add3A_231 : i32
          %dma_start3A_233 = arith.constant 0 : i32
          %dma_start3A_234 = tpu.memref_slice %arg6[%add3A_232, %dma_start3A_233] : memref<128x64xf32, #tpu.memory_space<vmem>> -> memref<1x64xf32, #tpu.memory_space<vmem>>
          %dma_start3A_235 = tpu.memref_squeeze %dma_start3A_234 : memref<1x64xf32, #tpu.memory_space<vmem>> -> memref<64xf32, #tpu.memory_space<vmem>>
          %dma_start3A_236 = arith.constant 0 : i32
          %dma_start3A_237 = tpu.memref_slice %arg2[%squeeze3A_226, %squeeze3A_228, %dma_start3A_236] : memref<4x250000x64xf32, #tpu.memory_space<hbm>> -> memref<1x1x64xf32, #tpu.memory_space<hbm>>
          %dma_start3A_238 = tpu.memref_squeeze %dma_start3A_237 : memref<1x1x64xf32, #tpu.memory_space<hbm>> -> memref<64xf32, #tpu.memory_space<hbm>>
          %dma_start3A_239 = arith.constant 0 : i32
          %dma_start3A_240 = tpu.memref_slice %arg6[%add3A_232, %dma_start3A_239] : memref<128x64xf32, #tpu.memory_space<vmem>> -> memref<1x64xf32, #tpu.memory_space<vmem>>
          %dma_start3A_241 = tpu.memref_squeeze %dma_start3A_240 : memref<1x64xf32, #tpu.memory_space<vmem>> -> memref<64xf32, #tpu.memory_space<vmem>>
          %dma_start3A_242 = arith.constant 0 : i32
          %dma_start3A_243 = tpu.memref_slice %arg2[%squeeze3A_226, %squeeze3A_228, %dma_start3A_242] : memref<4x250000x64xf32, #tpu.memory_space<hbm>> -> memref<1x1x64xf32, #tpu.memory_space<hbm>>
          %dma_start3A_244 = tpu.memref_squeeze %dma_start3A_243 : memref<1x1x64xf32, #tpu.memory_space<hbm>> -> memref<64xf32, #tpu.memory_space<hbm>>
          tpu.enqueue_dma source(%dma_start3A_244 : memref<64xf32, #tpu.memory_space<hbm>>) target(%dma_start3A_241 : memref<64xf32, #tpu.memory_space<vmem>>) target_semaphore(%arg8 : memref<!tpu.dma_semaphore, #tpu.memory_space<semaphore_mem>>)
          %slice3A_245 = vector.extract_strided_slice %div3A_104 {offsets = [7], sizes = [1], strides = [1]} : vector<16xi32> to vector<1xi32>
          %squeeze3A_246 = vector.extract %slice3A_245[0] : i32 from vector<1xi32>
          %slice3A_247 = vector.extract_strided_slice %rem3A_106 {offsets = [7], sizes = [1], strides = [1]} : vector<16xi32> to vector<1xi32>
          %squeeze3A_248 = vector.extract %slice3A_247[0] : i32 from vector<1xi32>
          %mul3A_249 = arith.constant 16 : i32
          %mul3A_250 = arith.muli %add3A_97, %mul3A_249 : i32
          %add3A_251 = arith.constant 7 : i32
          %add3A_252 = arith.addi %mul3A_250, %add3A_251 : i32
          %dma_start3A_253 = arith.constant 0 : i32
          %dma_start3A_254 = tpu.memref_slice %arg6[%add3A_252, %dma_start3A_253] : memref<128x64xf32, #tpu.memory_space<vmem>> -> memref<1x64xf32, #tpu.memory_space<vmem>>
          %dma_start3A_255 = tpu.memref_squeeze %dma_start3A_254 : memref<1x64xf32, #tpu.memory_space<vmem>> -> memref<64xf32, #tpu.memory_space<vmem>>
          %dma_start3A_256 = arith.constant 0 : i32
          %dma_start3A_257 = tpu.memref_slice %arg2[%squeeze3A_246, %squeeze3A_248, %dma_start3A_256] : memref<4x250000x64xf32, #tpu.memory_space<hbm>> -> memref<1x1x64xf32, #tpu.memory_space<hbm>>
          %dma_start3A_258 = tpu.memref_squeeze %dma_start3A_257 : memref<1x1x64xf32, #tpu.memory_space<hbm>> -> memref<64xf32, #tpu.memory_space<hbm>>
          %dma_start3A_259 = arith.constant 0 : i32
          %dma_start3A_260 = tpu.memref_slice %arg6[%add3A_252, %dma_start3A_259] : memref<128x64xf32, #tpu.memory_space<vmem>> -> memref<1x64xf32, #tpu.memory_space<vmem>>
          %dma_start3A_261 = tpu.memref_squeeze %dma_start3A_260 : memref<1x64xf32, #tpu.memory_space<vmem>> -> memref<64xf32, #tpu.memory_space<vmem>>
          %dma_start3A_262 = arith.constant 0 : i32
          %dma_start3A_263 = tpu.memref_slice %arg2[%squeeze3A_246, %squeeze3A_248, %dma_start3A_262] : memref<4x250000x64xf32, #tpu.memory_space<hbm>> -> memref<1x1x64xf32, #tpu.memory_space<hbm>>
          %dma_start3A_264 = tpu.memref_squeeze %dma_start3A_263 : memref<1x1x64xf32, #tpu.memory_space<hbm>> -> memref<64xf32, #tpu.memory_space<hbm>>
          tpu.enqueue_dma source(%dma_start3A_264 : memref<64xf32, #tpu.memory_space<hbm>>) target(%dma_start3A_261 : memref<64xf32, #tpu.memory_space<vmem>>) target_semaphore(%arg8 : memref<!tpu.dma_semaphore, #tpu.memory_space<semaphore_mem>>)
          %slice3A_265 = vector.extract_strided_slice %div3A_104 {offsets = [8], sizes = [1], strides = [1]} : vector<16xi32> to vector<1xi32>
          %squeeze3A_266 = vector.extract %slice3A_265[0] : i32 from vector<1xi32>
          %slice3A_267 = vector.extract_strided_slice %rem3A_106 {offsets = [8], sizes = [1], strides = [1]} : vector<16xi32> to vector<1xi32>
          %squeeze3A_268 = vector.extract %slice3A_267[0] : i32 from vector<1xi32>
          %mul3A_269 = arith.constant 16 : i32
          %mul3A_270 = arith.muli %add3A_97, %mul3A_269 : i32
          %add3A_271 = arith.constant 8 : i32
          %add3A_272 = arith.addi %mul3A_270, %add3A_271 : i32
          %dma_start3A_273 = arith.constant 0 : i32
          %dma_start3A_274 = tpu.memref_slice %arg6[%add3A_272, %dma_start3A_273] : memref<128x64xf32, #tpu.memory_space<vmem>> -> memref<1x64xf32, #tpu.memory_space<vmem>>
          %dma_start3A_275 = tpu.memref_squeeze %dma_start3A_274 : memref<1x64xf32, #tpu.memory_space<vmem>> -> memref<64xf32, #tpu.memory_space<vmem>>
          %dma_start3A_276 = arith.constant 0 : i32
          %dma_start3A_277 = tpu.memref_slice %arg2[%squeeze3A_266, %squeeze3A_268, %dma_start3A_276] : memref<4x250000x64xf32, #tpu.memory_space<hbm>> -> memref<1x1x64xf32, #tpu.memory_space<hbm>>
          %dma_start3A_278 = tpu.memref_squeeze %dma_start3A_277 : memref<1x1x64xf32, #tpu.memory_space<hbm>> -> memref<64xf32, #tpu.memory_space<hbm>>
          %dma_start3A_279 = arith.constant 0 : i32
          %dma_start3A_280 = tpu.memref_slice %arg6[%add3A_272, %dma_start3A_279] : memref<128x64xf32, #tpu.memory_space<vmem>> -> memref<1x64xf32, #tpu.memory_space<vmem>>
          %dma_start3A_281 = tpu.memref_squeeze %dma_start3A_280 : memref<1x64xf32, #tpu.memory_space<vmem>> -> memref<64xf32, #tpu.memory_space<vmem>>
          %dma_start3A_282 = arith.constant 0 : i32
          %dma_start3A_283 = tpu.memref_slice %arg2[%squeeze3A_266, %squeeze3A_268, %dma_start3A_282] : memref<4x250000x64xf32, #tpu.memory_space<hbm>> -> memref<1x1x64xf32, #tpu.memory_space<hbm>>
          %dma_start3A_284 = tpu.memref_squeeze %dma_start3A_283 : memref<1x1x64xf32, #tpu.memory_space<hbm>> -> memref<64xf32, #tpu.memory_space<hbm>>
          tpu.enqueue_dma source(%dma_start3A_284 : memref<64xf32, #tpu.memory_space<hbm>>) target(%dma_start3A_281 : memref<64xf32, #tpu.memory_space<vmem>>) target_semaphore(%arg8 : memref<!tpu.dma_semaphore, #tpu.memory_space<semaphore_mem>>)
          %slice3A_285 = vector.extract_strided_slice %div3A_104 {offsets = [9], sizes = [1], strides = [1]} : vector<16xi32> to vector<1xi32>
          %squeeze3A_286 = vector.extract %slice3A_285[0] : i32 from vector<1xi32>
          %slice3A_287 = vector.extract_strided_slice %rem3A_106 {offsets = [9], sizes = [1], strides = [1]} : vector<16xi32> to vector<1xi32>
          %squeeze3A_288 = vector.extract %slice3A_287[0] : i32 from vector<1xi32>
          %mul3A_289 = arith.constant 16 : i32
          %mul3A_290 = arith.muli %add3A_97, %mul3A_289 : i32
          %add3A_291 = arith.constant 9 : i32
          %add3A_292 = arith.addi %mul3A_290, %add3A_291 : i32
          %dma_start3A_293 = arith.constant 0 : i32
          %dma_start3A_294 = tpu.memref_slice %arg6[%add3A_292, %dma_start3A_293] : memref<128x64xf32, #tpu.memory_space<vmem>> -> memref<1x64xf32, #tpu.memory_space<vmem>>
          %dma_start3A_295 = tpu.memref_squeeze %dma_start3A_294 : memref<1x64xf32, #tpu.memory_space<vmem>> -> memref<64xf32, #tpu.memory_space<vmem>>
          %dma_start3A_296 = arith.constant 0 : i32
          %dma_start3A_297 = tpu.memref_slice %arg2[%squeeze3A_286, %squeeze3A_288, %dma_start3A_296] : memref<4x250000x64xf32, #tpu.memory_space<hbm>> -> memref<1x1x64xf32, #tpu.memory_space<hbm>>
          %dma_start3A_298 = tpu.memref_squeeze %dma_start3A_297 : memref<1x1x64xf32, #tpu.memory_space<hbm>> -> memref<64xf32, #tpu.memory_space<hbm>>
          %dma_start3A_299 = arith.constant 0 : i32
          %dma_start3A_300 = tpu.memref_slice %arg6[%add3A_292, %dma_start3A_299] : memref<128x64xf32, #tpu.memory_space<vmem>> -> memref<1x64xf32, #tpu.memory_space<vmem>>
          %dma_start3A_301 = tpu.memref_squeeze %dma_start3A_300 : memref<1x64xf32, #tpu.memory_space<vmem>> -> memref<64xf32, #tpu.memory_space<vmem>>
          %dma_start3A_302 = arith.constant 0 : i32
          %dma_start3A_303 = tpu.memref_slice %arg2[%squeeze3A_286, %squeeze3A_288, %dma_start3A_302] : memref<4x250000x64xf32, #tpu.memory_space<hbm>> -> memref<1x1x64xf32, #tpu.memory_space<hbm>>
          %dma_start3A_304 = tpu.memref_squeeze %dma_start3A_303 : memref<1x1x64xf32, #tpu.memory_space<hbm>> -> memref<64xf32, #tpu.memory_space<hbm>>
          tpu.enqueue_dma source(%dma_start3A_304 : memref<64xf32, #tpu.memory_space<hbm>>) target(%dma_start3A_301 : memref<64xf32, #tpu.memory_space<vmem>>) target_semaphore(%arg8 : memref<!tpu.dma_semaphore, #tpu.memory_space<semaphore_mem>>)
          %slice3A_305 = vector.extract_strided_slice %div3A_104 {offsets = [10], sizes = [1], strides = [1]} : vector<16xi32> to vector<1xi32>
          %squeeze3A_306 = vector.extract %slice3A_305[0] : i32 from vector<1xi32>
          %slice3A_307 = vector.extract_strided_slice %rem3A_106 {offsets = [10], sizes = [1], strides = [1]} : vector<16xi32> to vector<1xi32>
          %squeeze3A_308 = vector.extract %slice3A_307[0] : i32 from vector<1xi32>
          %mul3A_309 = arith.constant 16 : i32
          %mul3A_310 = arith.muli %add3A_97, %mul3A_309 : i32
          %add3A_311 = arith.constant 10 : i32
          %add3A_312 = arith.addi %mul3A_310, %add3A_311 : i32
          %dma_start3A_313 = arith.constant 0 : i32
          %dma_start3A_314 = tpu.memref_slice %arg6[%add3A_312, %dma_start3A_313] : memref<128x64xf32, #tpu.memory_space<vmem>> -> memref<1x64xf32, #tpu.memory_space<vmem>>
          %dma_start3A_315 = tpu.memref_squeeze %dma_start3A_314 : memref<1x64xf32, #tpu.memory_space<vmem>> -> memref<64xf32, #tpu.memory_space<vmem>>
          %dma_start3A_316 = arith.constant 0 : i32
          %dma_start3A_317 = tpu.memref_slice %arg2[%squeeze3A_306, %squeeze3A_308, %dma_start3A_316] : memref<4x250000x64xf32, #tpu.memory_space<hbm>> -> memref<1x1x64xf32, #tpu.memory_space<hbm>>
          %dma_start3A_318 = tpu.memref_squeeze %dma_start3A_317 : memref<1x1x64xf32, #tpu.memory_space<hbm>> -> memref<64xf32, #tpu.memory_space<hbm>>
          %dma_start3A_319 = arith.constant 0 : i32
          %dma_start3A_320 = tpu.memref_slice %arg6[%add3A_312, %dma_start3A_319] : memref<128x64xf32, #tpu.memory_space<vmem>> -> memref<1x64xf32, #tpu.memory_space<vmem>>
          %dma_start3A_321 = tpu.memref_squeeze %dma_start3A_320 : memref<1x64xf32, #tpu.memory_space<vmem>> -> memref<64xf32, #tpu.memory_space<vmem>>
          %dma_start3A_322 = arith.constant 0 : i32
          %dma_start3A_323 = tpu.memref_slice %arg2[%squeeze3A_306, %squeeze3A_308, %dma_start3A_322] : memref<4x250000x64xf32, #tpu.memory_space<hbm>> -> memref<1x1x64xf32, #tpu.memory_space<hbm>>
          %dma_start3A_324 = tpu.memref_squeeze %dma_start3A_323 : memref<1x1x64xf32, #tpu.memory_space<hbm>> -> memref<64xf32, #tpu.memory_space<hbm>>
          tpu.enqueue_dma source(%dma_start3A_324 : memref<64xf32, #tpu.memory_space<hbm>>) target(%dma_start3A_321 : memref<64xf32, #tpu.memory_space<vmem>>) target_semaphore(%arg8 : memref<!tpu.dma_semaphore, #tpu.memory_space<semaphore_mem>>)
          %slice3A_325 = vector.extract_strided_slice %div3A_104 {offsets = [11], sizes = [1], strides = [1]} : vector<16xi32> to vector<1xi32>
          %squeeze3A_326 = vector.extract %slice3A_325[0] : i32 from vector<1xi32>
          %slice3A_327 = vector.extract_strided_slice %rem3A_106 {offsets = [11], sizes = [1], strides = [1]} : vector<16xi32> to vector<1xi32>
          %squeeze3A_328 = vector.extract %slice3A_327[0] : i32 from vector<1xi32>
          %mul3A_329 = arith.constant 16 : i32
          %mul3A_330 = arith.muli %add3A_97, %mul3A_329 : i32
          %add3A_331 = arith.constant 11 : i32
          %add3A_332 = arith.addi %mul3A_330, %add3A_331 : i32
          %dma_start3A_333 = arith.constant 0 : i32
          %dma_start3A_334 = tpu.memref_slice %arg6[%add3A_332, %dma_start3A_333] : memref<128x64xf32, #tpu.memory_space<vmem>> -> memref<1x64xf32, #tpu.memory_space<vmem>>
          %dma_start3A_335 = tpu.memref_squeeze %dma_start3A_334 : memref<1x64xf32, #tpu.memory_space<vmem>> -> memref<64xf32, #tpu.memory_space<vmem>>
          %dma_start3A_336 = arith.constant 0 : i32
          %dma_start3A_337 = tpu.memref_slice %arg2[%squeeze3A_326, %squeeze3A_328, %dma_start3A_336] : memref<4x250000x64xf32, #tpu.memory_space<hbm>> -> memref<1x1x64xf32, #tpu.memory_space<hbm>>
          %dma_start3A_338 = tpu.memref_squeeze %dma_start3A_337 : memref<1x1x64xf32, #tpu.memory_space<hbm>> -> memref<64xf32, #tpu.memory_space<hbm>>
          %dma_start3A_339 = arith.constant 0 : i32
          %dma_start3A_340 = tpu.memref_slice %arg6[%add3A_332, %dma_start3A_339] : memref<128x64xf32, #tpu.memory_space<vmem>> -> memref<1x64xf32, #tpu.memory_space<vmem>>
          %dma_start3A_341 = tpu.memref_squeeze %dma_start3A_340 : memref<1x64xf32, #tpu.memory_space<vmem>> -> memref<64xf32, #tpu.memory_space<vmem>>
          %dma_start3A_342 = arith.constant 0 : i32
          %dma_start3A_343 = tpu.memref_slice %arg2[%squeeze3A_326, %squeeze3A_328, %dma_start3A_342] : memref<4x250000x64xf32, #tpu.memory_space<hbm>> -> memref<1x1x64xf32, #tpu.memory_space<hbm>>
          %dma_start3A_344 = tpu.memref_squeeze %dma_start3A_343 : memref<1x1x64xf32, #tpu.memory_space<hbm>> -> memref<64xf32, #tpu.memory_space<hbm>>
          tpu.enqueue_dma source(%dma_start3A_344 : memref<64xf32, #tpu.memory_space<hbm>>) target(%dma_start3A_341 : memref<64xf32, #tpu.memory_space<vmem>>) target_semaphore(%arg8 : memref<!tpu.dma_semaphore, #tpu.memory_space<semaphore_mem>>)
          %slice3A_345 = vector.extract_strided_slice %div3A_104 {offsets = [12], sizes = [1], strides = [1]} : vector<16xi32> to vector<1xi32>
          %squeeze3A_346 = vector.extract %slice3A_345[0] : i32 from vector<1xi32>
          %slice3A_347 = vector.extract_strided_slice %rem3A_106 {offsets = [12], sizes = [1], strides = [1]} : vector<16xi32> to vector<1xi32>
          %squeeze3A_348 = vector.extract %slice3A_347[0] : i32 from vector<1xi32>
          %mul3A_349 = arith.constant 16 : i32
          %mul3A_350 = arith.muli %add3A_97, %mul3A_349 : i32
          %add3A_351 = arith.constant 12 : i32
          %add3A_352 = arith.addi %mul3A_350, %add3A_351 : i32
          %dma_start3A_353 = arith.constant 0 : i32
          %dma_start3A_354 = tpu.memref_slice %arg6[%add3A_352, %dma_start3A_353] : memref<128x64xf32, #tpu.memory_space<vmem>> -> memref<1x64xf32, #tpu.memory_space<vmem>>
          %dma_start3A_355 = tpu.memref_squeeze %dma_start3A_354 : memref<1x64xf32, #tpu.memory_space<vmem>> -> memref<64xf32, #tpu.memory_space<vmem>>
          %dma_start3A_356 = arith.constant 0 : i32
          %dma_start3A_357 = tpu.memref_slice %arg2[%squeeze3A_346, %squeeze3A_348, %dma_start3A_356] : memref<4x250000x64xf32, #tpu.memory_space<hbm>> -> memref<1x1x64xf32, #tpu.memory_space<hbm>>
          %dma_start3A_358 = tpu.memref_squeeze %dma_start3A_357 : memref<1x1x64xf32, #tpu.memory_space<hbm>> -> memref<64xf32, #tpu.memory_space<hbm>>
          %dma_start3A_359 = arith.constant 0 : i32
          %dma_start3A_360 = tpu.memref_slice %arg6[%add3A_352, %dma_start3A_359] : memref<128x64xf32, #tpu.memory_space<vmem>> -> memref<1x64xf32, #tpu.memory_space<vmem>>
          %dma_start3A_361 = tpu.memref_squeeze %dma_start3A_360 : memref<1x64xf32, #tpu.memory_space<vmem>> -> memref<64xf32, #tpu.memory_space<vmem>>
          %dma_start3A_362 = arith.constant 0 : i32
          %dma_start3A_363 = tpu.memref_slice %arg2[%squeeze3A_346, %squeeze3A_348, %dma_start3A_362] : memref<4x250000x64xf32, #tpu.memory_space<hbm>> -> memref<1x1x64xf32, #tpu.memory_space<hbm>>
          %dma_start3A_364 = tpu.memref_squeeze %dma_start3A_363 : memref<1x1x64xf32, #tpu.memory_space<hbm>> -> memref<64xf32, #tpu.memory_space<hbm>>
          tpu.enqueue_dma source(%dma_start3A_364 : memref<64xf32, #tpu.memory_space<hbm>>) target(%dma_start3A_361 : memref<64xf32, #tpu.memory_space<vmem>>) target_semaphore(%arg8 : memref<!tpu.dma_semaphore, #tpu.memory_space<semaphore_mem>>)
          %slice3A_365 = vector.extract_strided_slice %div3A_104 {offsets = [13], sizes = [1], strides = [1]} : vector<16xi32> to vector<1xi32>
          %squeeze3A_366 = vector.extract %slice3A_365[0] : i32 from vector<1xi32>
          %slice3A_367 = vector.extract_strided_slice %rem3A_106 {offsets = [13], sizes = [1], strides = [1]} : vector<16xi32> to vector<1xi32>
          %squeeze3A_368 = vector.extract %slice3A_367[0] : i32 from vector<1xi32>
          %mul3A_369 = arith.constant 16 : i32
          %mul3A_370 = arith.muli %add3A_97, %mul3A_369 : i32
          %add3A_371 = arith.constant 13 : i32
          %add3A_372 = arith.addi %mul3A_370, %add3A_371 : i32
          %dma_start3A_373 = arith.constant 0 : i32
          %dma_start3A_374 = tpu.memref_slice %arg6[%add3A_372, %dma_start3A_373] : memref<128x64xf32, #tpu.memory_space<vmem>> -> memref<1x64xf32, #tpu.memory_space<vmem>>
          %dma_start3A_375 = tpu.memref_squeeze %dma_start3A_374 : memref<1x64xf32, #tpu.memory_space<vmem>> -> memref<64xf32, #tpu.memory_space<vmem>>
          %dma_start3A_376 = arith.constant 0 : i32
          %dma_start3A_377 = tpu.memref_slice %arg2[%squeeze3A_366, %squeeze3A_368, %dma_start3A_376] : memref<4x250000x64xf32, #tpu.memory_space<hbm>> -> memref<1x1x64xf32, #tpu.memory_space<hbm>>
          %dma_start3A_378 = tpu.memref_squeeze %dma_start3A_377 : memref<1x1x64xf32, #tpu.memory_space<hbm>> -> memref<64xf32, #tpu.memory_space<hbm>>
          %dma_start3A_379 = arith.constant 0 : i32
          %dma_start3A_380 = tpu.memref_slice %arg6[%add3A_372, %dma_start3A_379] : memref<128x64xf32, #tpu.memory_space<vmem>> -> memref<1x64xf32, #tpu.memory_space<vmem>>
          %dma_start3A_381 = tpu.memref_squeeze %dma_start3A_380 : memref<1x64xf32, #tpu.memory_space<vmem>> -> memref<64xf32, #tpu.memory_space<vmem>>
          %dma_start3A_382 = arith.constant 0 : i32
          %dma_start3A_383 = tpu.memref_slice %arg2[%squeeze3A_366, %squeeze3A_368, %dma_start3A_382] : memref<4x250000x64xf32, #tpu.memory_space<hbm>> -> memref<1x1x64xf32, #tpu.memory_space<hbm>>
          %dma_start3A_384 = tpu.memref_squeeze %dma_start3A_383 : memref<1x1x64xf32, #tpu.memory_space<hbm>> -> memref<64xf32, #tpu.memory_space<hbm>>
          tpu.enqueue_dma source(%dma_start3A_384 : memref<64xf32, #tpu.memory_space<hbm>>) target(%dma_start3A_381 : memref<64xf32, #tpu.memory_space<vmem>>) target_semaphore(%arg8 : memref<!tpu.dma_semaphore, #tpu.memory_space<semaphore_mem>>)
          %slice3A_385 = vector.extract_strided_slice %div3A_104 {offsets = [14], sizes = [1], strides = [1]} : vector<16xi32> to vector<1xi32>
          %squeeze3A_386 = vector.extract %slice3A_385[0] : i32 from vector<1xi32>
          %slice3A_387 = vector.extract_strided_slice %rem3A_106 {offsets = [14], sizes = [1], strides = [1]} : vector<16xi32> to vector<1xi32>
          %squeeze3A_388 = vector.extract %slice3A_387[0] : i32 from vector<1xi32>
          %mul3A_389 = arith.constant 16 : i32
          %mul3A_390 = arith.muli %add3A_97, %mul3A_389 : i32
          %add3A_391 = arith.constant 14 : i32
          %add3A_392 = arith.addi %mul3A_390, %add3A_391 : i32
          %dma_start3A_393 = arith.constant 0 : i32
          %dma_start3A_394 = tpu.memref_slice %arg6[%add3A_392, %dma_start3A_393] : memref<128x64xf32, #tpu.memory_space<vmem>> -> memref<1x64xf32, #tpu.memory_space<vmem>>
          %dma_start3A_395 = tpu.memref_squeeze %dma_start3A_394 : memref<1x64xf32, #tpu.memory_space<vmem>> -> memref<64xf32, #tpu.memory_space<vmem>>
          %dma_start3A_396 = arith.constant 0 : i32
          %dma_start3A_397 = tpu.memref_slice %arg2[%squeeze3A_386, %squeeze3A_388, %dma_start3A_396] : memref<4x250000x64xf32, #tpu.memory_space<hbm>> -> memref<1x1x64xf32, #tpu.memory_space<hbm>>
          %dma_start3A_398 = tpu.memref_squeeze %dma_start3A_397 : memref<1x1x64xf32, #tpu.memory_space<hbm>> -> memref<64xf32, #tpu.memory_space<hbm>>
          %dma_start3A_399 = arith.constant 0 : i32
          %dma_start3A_400 = tpu.memref_slice %arg6[%add3A_392, %dma_start3A_399] : memref<128x64xf32, #tpu.memory_space<vmem>> -> memref<1x64xf32, #tpu.memory_space<vmem>>
          %dma_start3A_401 = tpu.memref_squeeze %dma_start3A_400 : memref<1x64xf32, #tpu.memory_space<vmem>> -> memref<64xf32, #tpu.memory_space<vmem>>
          %dma_start3A_402 = arith.constant 0 : i32
          %dma_start3A_403 = tpu.memref_slice %arg2[%squeeze3A_386, %squeeze3A_388, %dma_start3A_402] : memref<4x250000x64xf32, #tpu.memory_space<hbm>> -> memref<1x1x64xf32, #tpu.memory_space<hbm>>
          %dma_start3A_404 = tpu.memref_squeeze %dma_start3A_403 : memref<1x1x64xf32, #tpu.memory_space<hbm>> -> memref<64xf32, #tpu.memory_space<hbm>>
          tpu.enqueue_dma source(%dma_start3A_404 : memref<64xf32, #tpu.memory_space<hbm>>) target(%dma_start3A_401 : memref<64xf32, #tpu.memory_space<vmem>>) target_semaphore(%arg8 : memref<!tpu.dma_semaphore, #tpu.memory_space<semaphore_mem>>)
          %slice3A_405 = vector.extract_strided_slice %div3A_104 {offsets = [15], sizes = [1], strides = [1]} : vector<16xi32> to vector<1xi32>
          %squeeze3A_406 = vector.extract %slice3A_405[0] : i32 from vector<1xi32>
          %slice3A_407 = vector.extract_strided_slice %rem3A_106 {offsets = [15], sizes = [1], strides = [1]} : vector<16xi32> to vector<1xi32>
          %squeeze3A_408 = vector.extract %slice3A_407[0] : i32 from vector<1xi32>
          %mul3A_409 = arith.constant 16 : i32
          %mul3A_410 = arith.muli %add3A_97, %mul3A_409 : i32
          %add3A_411 = arith.constant 15 : i32
          %add3A_412 = arith.addi %mul3A_410, %add3A_411 : i32
          %dma_start3A_413 = arith.constant 0 : i32
          %dma_start3A_414 = tpu.memref_slice %arg6[%add3A_412, %dma_start3A_413] : memref<128x64xf32, #tpu.memory_space<vmem>> -> memref<1x64xf32, #tpu.memory_space<vmem>>
          %dma_start3A_415 = tpu.memref_squeeze %dma_start3A_414 : memref<1x64xf32, #tpu.memory_space<vmem>> -> memref<64xf32, #tpu.memory_space<vmem>>
          %dma_start3A_416 = arith.constant 0 : i32
          %dma_start3A_417 = tpu.memref_slice %arg2[%squeeze3A_406, %squeeze3A_408, %dma_start3A_416] : memref<4x250000x64xf32, #tpu.memory_space<hbm>> -> memref<1x1x64xf32, #tpu.memory_space<hbm>>
          %dma_start3A_418 = tpu.memref_squeeze %dma_start3A_417 : memref<1x1x64xf32, #tpu.memory_space<hbm>> -> memref<64xf32, #tpu.memory_space<hbm>>
          %dma_start3A_419 = arith.constant 0 : i32
          %dma_start3A_420 = tpu.memref_slice %arg6[%add3A_412, %dma_start3A_419] : memref<128x64xf32, #tpu.memory_space<vmem>> -> memref<1x64xf32, #tpu.memory_space<vmem>>
          %dma_start3A_421 = tpu.memref_squeeze %dma_start3A_420 : memref<1x64xf32, #tpu.memory_space<vmem>> -> memref<64xf32, #tpu.memory_space<vmem>>
          %dma_start3A_422 = arith.constant 0 : i32
          %dma_start3A_423 = tpu.memref_slice %arg2[%squeeze3A_406, %squeeze3A_408, %dma_start3A_422] : memref<4x250000x64xf32, #tpu.memory_space<hbm>> -> memref<1x1x64xf32, #tpu.memory_space<hbm>>
          %dma_start3A_424 = tpu.memref_squeeze %dma_start3A_423 : memref<1x1x64xf32, #tpu.memory_space<hbm>> -> memref<64xf32, #tpu.memory_space<hbm>>
          tpu.enqueue_dma source(%dma_start3A_424 : memref<64xf32, #tpu.memory_space<hbm>>) target(%dma_start3A_421 : memref<64xf32, #tpu.memory_space<vmem>>) target_semaphore(%arg8 : memref<!tpu.dma_semaphore, #tpu.memory_space<semaphore_mem>>)
        }
        %scan3A_92 = arith.constant 8 : i32
      } else {
      }
      %dma_wait3A_65 = arith.constant 0 : i32
      %dma_wait3A_66 = arith.constant 0 : i32
      %dma_wait3A_67 = arith.constant 0 : i32
      %dma_wait3A_68 = tpu.memref_slice %arg2[%dma_wait3A_65, %dma_wait3A_66, %dma_wait3A_67] : memref<4x250000x64xf32, #tpu.memory_space<hbm>> -> memref<1x128x64xf32, #tpu.memory_space<hbm>>
      %dma_wait3A_69 = tpu.memref_squeeze %dma_wait3A_68 : memref<1x128x64xf32, #tpu.memory_space<hbm>> -> memref<128x64xf32, #tpu.memory_space<hbm>>
      %dma_wait3A_70 = arith.constant 0 : i32
      %dma_wait3A_71 = arith.constant 0 : i32
      %dma_wait3A_72 = tpu.memref_slice %arg2[%dma_wait3A_65, %dma_wait3A_70, %dma_wait3A_71] : memref<4x250000x64xf32, #tpu.memory_space<hbm>> -> memref<1x128x64xf32, #tpu.memory_space<hbm>>
      %dma_wait3A_73 = tpu.memref_squeeze %dma_wait3A_72 : memref<1x128x64xf32, #tpu.memory_space<hbm>> -> memref<128x64xf32, #tpu.memory_space<hbm>>
      tpu.wait_dma2 semaphore(%arg9 : memref<!tpu.dma_semaphore, #tpu.memory_space<semaphore_mem>>) src(%dma_wait3A_73 : memref<128x64xf32, #tpu.memory_space<hbm>>) dst(%arg7 : memref<128x64xf32, #tpu.memory_space<vmem>>)
      %dma_start3A_74 = arith.constant 0 : i32
      %dma_start3A_75 = arith.constant 0 : i32
      %dma_start3A_76 = tpu.memref_slice %arg4[%add3A, %dma_start3A_74, %add3A_57, %dma_start3A_75] : memref<32x128x50x64xf32, #tpu.memory_space<hbm>> -> memref<1x128x1x64xf32, #tpu.memory_space<hbm>>
      %dma_start3A_77 = tpu.memref_squeeze %dma_start3A_76 : memref<1x128x1x64xf32, #tpu.memory_space<hbm>> -> memref<128x64xf32, #tpu.memory_space<hbm>>
      %dma_start3A_78 = arith.constant 0 : i32
      %dma_start3A_79 = arith.constant 0 : i32
      %dma_start3A_80 = tpu.memref_slice %arg4[%add3A, %dma_start3A_78, %add3A_57, %dma_start3A_79] : memref<32x128x50x64xf32, #tpu.memory_space<hbm>> -> memref<1x128x1x64xf32, #tpu.memory_space<hbm>>
      %dma_start3A_81 = tpu.memref_squeeze %dma_start3A_80 : memref<1x128x1x64xf32, #tpu.memory_space<hbm>> -> memref<128x64xf32, #tpu.memory_space<hbm>>
      tpu.enqueue_dma source(%arg7 : memref<128x64xf32, #tpu.memory_space<vmem>>) target(%dma_start3A_81 : memref<128x64xf32, #tpu.memory_space<hbm>>) target_semaphore(%arg11 : memref<!tpu.dma_semaphore, #tpu.memory_space<semaphore_mem>>)
    }
    %scan3A_11 = arith.constant 25 : i32
    %dma_wait3A = arith.constant 48 : i32
    %dma_wait3A_12 = arith.constant 0 : i32
    %dma_wait3A_13 = arith.constant 0 : i32
    %dma_wait3A_14 = tpu.memref_slice %arg4[%add3A, %dma_wait3A_12, %dma_wait3A, %dma_wait3A_13] : memref<32x128x50x64xf32, #tpu.memory_space<hbm>> -> memref<1x128x1x64xf32, #tpu.memory_space<hbm>>
    %dma_wait3A_15 = tpu.memref_squeeze %dma_wait3A_14 : memref<1x128x1x64xf32, #tpu.memory_space<hbm>> -> memref<128x64xf32, #tpu.memory_space<hbm>>
    %dma_wait3A_16 = arith.constant 0 : i32
    %dma_wait3A_17 = arith.constant 0 : i32
    %dma_wait3A_18 = tpu.memref_slice %arg4[%add3A, %dma_wait3A_16, %dma_wait3A, %dma_wait3A_17] : memref<32x128x50x64xf32, #tpu.memory_space<hbm>> -> memref<1x128x1x64xf32, #tpu.memory_space<hbm>>
    %dma_wait3A_19 = tpu.memref_squeeze %dma_wait3A_18 : memref<1x128x1x64xf32, #tpu.memory_space<hbm>> -> memref<128x64xf32, #tpu.memory_space<hbm>>
    tpu.wait_dma2 semaphore(%arg10 : memref<!tpu.dma_semaphore, #tpu.memory_space<semaphore_mem>>) src(%arg6 : memref<128x64xf32, #tpu.memory_space<vmem>>) dst(%dma_wait3A_19 : memref<128x64xf32, #tpu.memory_space<hbm>>)
    %dma_wait3A_20 = arith.constant 49 : i32
    %dma_wait3A_21 = arith.constant 0 : i32
    %dma_wait3A_22 = arith.constant 0 : i32
    %dma_wait3A_23 = tpu.memref_slice %arg4[%add3A, %dma_wait3A_21, %dma_wait3A_20, %dma_wait3A_22] : memref<32x128x50x64xf32, #tpu.memory_space<hbm>> -> memref<1x128x1x64xf32, #tpu.memory_space<hbm>>
    %dma_wait3A_24 = tpu.memref_squeeze %dma_wait3A_23 : memref<1x128x1x64xf32, #tpu.memory_space<hbm>> -> memref<128x64xf32, #tpu.memory_space<hbm>>
    %dma_wait3A_25 = arith.constant 0 : i32
    %dma_wait3A_26 = arith.constant 0 : i32
    %dma_wait3A_27 = tpu.memref_slice %arg4[%add3A, %dma_wait3A_25, %dma_wait3A_20, %dma_wait3A_26] : memref<32x128x50x64xf32, #tpu.memory_space<hbm>> -> memref<1x128x1x64xf32, #tpu.memory_space<hbm>>
    %dma_wait3A_28 = tpu.memref_squeeze %dma_wait3A_27 : memref<1x128x1x64xf32, #tpu.memory_space<hbm>> -> memref<128x64xf32, #tpu.memory_space<hbm>>
    tpu.wait_dma2 semaphore(%arg11 : memref<!tpu.dma_semaphore, #tpu.memory_space<semaphore_mem>>) src(%arg7 : memref<128x64xf32, #tpu.memory_space<vmem>>) dst(%dma_wait3A_28 : memref<128x64xf32, #tpu.memory_space<hbm>>)
    return
  }
}

</mosaic_0001>

<sc_bundles>
// kernel: kernel.3.cloned.1.call-start
scs
__scs_entry_jumppad:
0x0: {  	(pc) =	sbr.rel $0x88, $3  }
0x1: {  	(tag) =	ssettag $0x0;
	lr =	simm.s32 $0x1  }
0x2: {  	[smem:$0x3F9F] =	sst lr;
	_ =	strace $0xD0000000  }
0x3: {  	_ = 	snop  }
0x4: {  	_ = 	snop  }
0x5: {  	_ = 	snop  }
0x6: {  	_ = 	snop  }
0x7: {  	_ = 	snop  }
__scs_overlays_trampoline_lowered:
0x8: {  	[smem:$0x3FAE] =	sst s0  }
0x9: {  	[smem:$0x3FAF] =	sst s1  }
0xa: {  	[smem:$0x3FB0] =	sst s2  }
0xb: {  	[smem:$0x3FB1] =	sst s3  }
0xc: {  	[smem:$0x3FB2] =	sst s4  }
0xd: {  	[smem:$0x3FB3] =	sst s5  }
0xe: {  	[smem:$0x3FB4] =	sst s6  }
0xf: {  	[smem:$0x3FB5] =	sst s7  }
0x10: {  	[smem:$0x3FB6] =	sst s8  }
0x11: {  	[smem:$0x3FB7] =	sst s9;
	s0 =	simm.s32 @!p0 $0x0  }
0x12: {  	s1 =	sld [smem:$0x3F9D];
	s0 =	simm.s32 @p0 $0x1  }
0x13: {  	[smem:$0x3FB8] =	sst s0;
	s0 =	simm.s32 @!p1 $0x0  }
0x14: {  	s2 =	sld [smem:$0x3F9C];
	s0 =	simm.s32 @p1 $0x1  }
0x15: {  	[smem:$0x3FB9] =	sst s0;
	s0 =	simm.s32 @!p2 $0x0  }
0x16: {  	s3 =	sld [smem:$0x3FDB];
	s0 =	simm.s32 @p2 $0x1  }
0x17: {  	s4 =	simm.s32 $0x1BF5;
	[smem:$0x3FBB] =	sst s0  }
0x18: {  	s0 =	sld [smem:$0x3F9E];
	_ =	swait.ge [sflag:s4], $0x0  }
0x19: {  	s7 =	sld [smem:$0x3F9F]  }
0x1a: {  	s8 =	sadd.s32 $0xFFFFE003, lr  }
0x1b: {  	s9 =	sadd.s32 $0xFFFFFEF7, lr;
	s5 =	simm.s32 $0xFFFFFFFF;
	p2 =	slt.u32 s8, $0xFFFFF086  }
0x1c: {  	p1 =	slt.u32 s9, $0xF7A;
	s5 =	simm.s32 @!p2 $0x0  }
0x1d: {  	s5 =	simm.s32 @p1 $0x1;
	p0 =	seq.s32 s7, s2  }
0x1e: {  	s7 =	smul.u32 @!p0 $0xF7A, s2;
	p2 =	seq.s32 @!p0 s5, $0x0  }
0x1f: {  	s9 =	smul.u32 $0xF7A, s1;
	s8 =	simm.s32 @!p0 $0x1BF5;
	p2 =	por !p2, p0  }
0x20: {  	[sflag:s8] =	ssyncset.s32 @!p0 $0xFFFFF086;
	s6 =	sadd.s32 @!p0 s3, s7;
	s7 =	simm.s32 @!p0 $0x108  }
0x21: {  	s3 =	sadd.s32 s3, s9;
	s6 =	sadd.s32 @!p0 $0x88, s6;
	s7 =	simm.s32 @p2 $0x1082  }
0x22: {  	[simem:s7], [sflag:s8] =	dma.local @!p0 [hbm:s6], $0xF7A  }
0x23: {  	s9 =	sor.u32 $0xD0000000, s2;
	s6 =	simm.s32 $0x108;
	_ =	swait.ge @!p0 [sflag:s8], $0x0  }
0x24: {  	s3 =	sadd.s32 $0x88, s3;
	s6 =	simm.s32 @!p1 $0x1082;
	[sflag:s4] =	ssyncset.s32 $0xFFFFF086  }
0x25: {  	[simem:s6], [sflag:s4] =	dma.local [hbm:s3], $0xF7A  }
0x26: {  	[smem:$0x3F9F] =	sst s1;
	(tag) =	ssettag s2;
	_ =	strace s9  }
0x27: {  	s1 =	sld [smem:$0x3FAF]  }
0x28: {  	s2 =	sld [smem:$0x3FB0]  }
0x29: {  	s4 =	sld [smem:$0x3FB2]  }
0x2a: {  	p0 =	seq.s32 s5, $0x0;
	s5 =	sld [smem:$0x3FB3]  }
0x2b: {  	s6 =	sld [smem:$0x3FB4]  }
0x2c: {  	s7 =	sld [smem:$0x3FB5]  }
0x2d: {  	s3 =	simm.s32 $0x108;
	s8 =	sld [smem:$0x3FB6]  }
0x2e: {  	s3 =	simm.s32 @!p0 $0x1082;
	s9 =	sld [smem:$0x3FB7]  }
0x2f: {  	lr =	sadd.s32 s0, s3;
	s0 =	sld [smem:$0x3FAE]  }
0x30: {  	s3 =	sld [smem:$0x3FB1]  }
0x31: {  	[smem:$0x3FBA] =	sst s10  }
0x32: {  	s10 =	sld [smem:$0x3FB8];
	_ =	sdelay $0x3  }
0x33: {  	p0 =	seq.s32 s10, $0x1;
	s10 =	sld [smem:$0x3FBA];
	_ =	sdelay $0x3  }
0x34: {  	[smem:$0x3FBA] =	sst s10  }
0x35: {  	s10 =	sld [smem:$0x3FB9];
	_ =	sdelay $0x3  }
0x36: {  	p1 =	seq.s32 s10, $0x1;
	s10 =	sld [smem:$0x3FBA];
	_ =	sdelay $0x3  }
0x37: {  	[smem:$0x3FBA] =	sst s10  }
0x38: {  	s10 =	sld [smem:$0x3FBB]  }
0x39: {  	_ = 	snop;
	(pc) =	sbr.ind lr, $3  }
0x3a: {  	_ = 	snop  }
0x3b: {  	_ = 	snop  }
0x3c: {  	p2 =	seq.s32 s10, $0x1;
	s10 =	sld [smem:$0x3FBA]  }
0x3d: {  	_ =	shalt  }
0x3e: {  	_ =	shalt  }
0x3f: {  	_ =	shalt  }
0x40: {  	_ =	shalt  }
0x41: {  	_ =	shalt  }
0x42: {  	_ =	shalt  }
0x43: {  	_ =	shalt  }
0x44: {  	_ =	shalt  }
0x45: {  	_ =	shalt  }
0x46: {  	_ =	shalt  }
0x47: {  	_ =	shalt  }
0x48: {  	_ =	shalt  }
0x49: {  	_ =	shalt  }
0x4a: {  	_ =	shalt  }
0x4b: {  	_ =	shalt  }
0x4c: {  	_ =	shalt  }
0x4d: {  	_ =	shalt  }
0x4e: {  	_ =	shalt  }
0x4f: {  	_ =	shalt  }
0x50: {  	_ =	shalt  }
0x51: {  	_ =	shalt  }
0x52: {  	_ =	shalt  }
0x53: {  	_ =	shalt  }
0x54: {  	_ =	shalt  }
0x55: {  	_ =	shalt  }
0x56: {  	_ =	shalt  }
0x57: {  	_ =	shalt  }
0x58: {  	_ =	shalt  }
0x59: {  	_ =	shalt  }
0x5a: {  	_ =	shalt  }
0x5b: {  	_ =	shalt  }
0x5c: {  	_ =	shalt  }
0x5d: {  	_ =	shalt  }
0x5e: {  	_ =	shalt  }
0x5f: {  	_ =	shalt  }
0x60: {  	_ =	shalt  }
0x61: {  	_ =	shalt  }
0x62: {  	_ =	shalt  }
0x63: {  	_ =	shalt  }
0x64: {  	_ =	shalt  }
0x65: {  	_ =	shalt  }
0x66: {  	_ =	shalt  }
0x67: {  	_ =	shalt  }
0x68: {  	_ =	shalt  }
0x69: {  	_ =	shalt  }
0x6a: {  	_ =	shalt  }
0x6b: {  	_ =	shalt  }
0x6c: {  	_ =	shalt  }
0x6d: {  	_ =	shalt  }
0x6e: {  	_ =	shalt  }
0x6f: {  	_ =	shalt  }
0x70: {  	_ =	shalt  }
0x71: {  	_ =	shalt  }
0x72: {  	_ =	shalt  }
0x73: {  	_ =	shalt  }
0x74: {  	_ =	shalt  }
0x75: {  	_ =	shalt  }
0x76: {  	_ =	shalt  }
0x77: {  	_ =	shalt  }
0x78: {  	_ =	shalt  }
0x79: {  	_ =	shalt  }
0x7a: {  	_ =	shalt  }
0x7b: {  	_ =	shalt  }
0x7c: {  	_ =	shalt  }
0x7d: {  	_ =	shalt  }
0x7e: {  	_ =	shalt  }
0x7f: {  	_ =	shalt  }
0x80: {  	_ =	shalt  }
0x81: {  	_ =	shalt  }
0x82: {  	_ =	shalt  }
0x83: {  	_ =	shalt  }
0x84: {  	_ =	shalt  }
0x85: {  	_ =	shalt  }
0x86: {  	_ =	shalt  }
0x87: {  	_ =	shalt  }
.Lfunc_end0:
.L_simem_size_0:
called_computation.1_lowered:
.L_overlay_start_0:
0x88: {  	s2 =	sld [smem:$0x3FD9]  }
0x89: {  	s3 =	sld [smem:$0x3FFE];
	_ =	sdelay $0x1  }
0x8a: {  	s1 =	srdreg.scid  }
0x8b: {  	s0 =	sand.u32 $0x1, s1  }
0x8c: {  	s17 =	sshll.u32 s0, $0xA;
	s2 =	sadd.s32 s3, s2  }
0x8d: {  	s2 =	sadd.s32 s2, s17  }
0x8e: {  	[smem:$0x3FC6] =	sst s2  }
0x8f: {  	_ = 	snop  }
0x90: {  	s2 =	sld [smem:$0x3FC9];
	(tm) =	ssettm $0x1  }
0x91: {  	s18 =	sld [smem:$0x3FFB];
	_ =	sdelay $0x3  }
0x92: {  	_ =	strace s18  }
0x93: {  	s3 =	sld [smem:$0x3FFC];
	_ =	sdelay $0x3  }
0x94: {  	_ =	strace s3  }
0x95: {  	s3 =	sld [smem:$0x3FFD];
	_ =	sdelay $0x3  }
0x96: {  	_ =	strace s3  }
0x97: {  	_ =	strace $0x8FFFFFFF  }
0x98: {  	s19 =	sld [smem:$0x3FDB];
	_ =	sdelay $0x1  }
0x99: {  	s4 =	simm.s32 $_scs_section_size  }
0x9a: {  	s5 =	simm.s32 $_size__tile_overlayer_lowered;
	s6 =	simm.s32 $_tile_overlayer_lowered  }
0x9b: {  	s22 =	simm.s32 $0x1BFF;
	s21 =	sshll.u32 s6, $0x1;
	s3 =	sadd.s32 s4, s19  }
0x9c: {  	s7 =	simm.s32 $0x0;
	s20 =	sshll.u32 s5, $0x1;
	s5 =	sadd.s32 s21, s3  }
0x9d: {  	[timem:s7], [sflag:s22] =	dma.local [hbm:s5], s20  }
0x9e: {  	_ =	swait.ge [sflag:s22], s20  }
0x9f: {  	s4 =	ssub.s32 $0x0, s20;
	[sflag:s22] =	ssyncset.done $0x0  }
0xa0: {  	[sflag:s22] =	ssyncadd.s32 s4;
	_ =	sdelay $0x1  }
0xa1: {  	s23 =	simm.s32 $0x1B8B  }
0xa2: {  	_ =	swait.ge [sflag:s23], $0x1  }
0xa3: {  	[sflag:s23] =	ssyncset.done $0x0  }
0xa4: {  	s25 =	simm.s32 $0x1B8E;
	s24 =	sld [smem:$0x3FFE];
	[sflag:s23] =	ssyncadd.s32 $0xFFFFFFFF  }
0xa5: {  	s26 =	simm.s32 $execute0_lowered;
	[smem:$0x3FD2] =	sst s25  }
0xa6: {  	s5 =	sshll.u32 s26, $0x1;
	_ =	strace $0x80000046;
	[dreg:$0x1] =	wrdreg $0xFFFFFFFF  }
0xa7: {  	s28 =	simm.s32 $_size_execute0_lowered;
	s3 =	sadd.s32 s3, s5;
	[dreg:$0x0] =	wrdreg $0x0  }
0xa8: {  	s5 =	sshll.u32 s28, $0x1;
	[dreg:$0x2] =	wrdreg s3  }
0xa9: {  	[dreg:$0x3] =	wrdreg s5  }
0xaa: {  	[dreg:$0x4] =	wrdreg $0xC0  }
0xab: {  	_ =	task [dreg:s7], $0x5FFFF  }
0xac: {  	[dreg:$0x1] =	wrdreg $0xFFFFFFFF  }
0xad: {  	[dreg:$0x0] =	wrdreg $0x60  }
0xae: {  	[dreg:$0x2] =	wrdreg s24  }
0xaf: {  	[dreg:$0x3] =	wrdreg s2  }
0xb0: {  	[dreg:$0x4] =	wrdreg $0x9  }
0xb1: {  	_ =	task.clear_ibuf [dreg:s7], $0x5FFFF;
	_ =	strace $0x90000046  }
0xb2: {  	s29 =	simm.s32 $0x9;
	_ =	strace $0x80000048  }
0xb3: {  	_ =	swait.ge [sflag:s29], $0x1  }
0xb4: {  	[sflag:s29] =	ssyncadd.s32 $0xFFFFFFFF  }
0xb5: {  	_ =	strace $0x90000048  }
0xb6: {  	_ =	sfence  }
0xb7: {  	s30 =	sld [smem:$0x0];
	_ =	sdelay $0x2  }
0xb8: {  	s31 =	sshll.u32 s1, $0xD;
	s1 =	sshrl.u32 s1, $0x2  }
0xb9: {  	s3 =	sand.u32 $0x4000, s31;
	s1 =	sadd.s32 s1, s30  }
0xba: {  	s0 =	sor.u32 s3, s0;
	s1 =	sshll.u32 s1, $0x11  }
0xbb: {  	s0 =	sor.u32 s1, s0  }
0xbc: {  	s0 =	sadd.s32 $0x8F2B, s0  }
0xbd: {  	[sflag:s0] =	ssyncadd.remote.s32 $0x1  }
0xbe: {  	_ =	sfence.sel $0xFFFF  }
0xbf: {  	[dreg:$0x0] =	wrdreg $0xFFFFFFFF;
	(pc) =	sbr.abs _section_cstart, $3  }
0xc0: {  	[dreg:$0x1] =	wrdreg $0xFFFFFFFF  }
0xc1: {  	_ =	task.clear_ibuf [dreg:s7], $0x2FFFF;
	_ =	strace $0x9FFFFFFF  }
0xc2: {  	(tm) =	ssettm $0x7FFFFFFF  }
0xc3: {  	_ =	shalt  }
tec
execute0_lowered:
.L_overlay_start_1:
0x0: {  	(tag) =	ssettag $0x1  }
0x1: {  	s0 =	rddreg [dreg:$0x0]  }
0x2: {  	s1 =	rddreg [dreg:$0x1];
	s2 =	simm.s32 $0x0;
	s3 =	srdreg.scid  }
0x3: {  	s4 =	stileid.u32;
	[smem:$0x7FF] =	sst s2  }
0x4: {  	s3 =	sand.u32 $0x1, s3;
	s4 =	sshll.u32 s4, $0x1;
	_ =	strace $0x80000047  }
0x5: {  	v0 =	vimm.s32 $0xECA86420;
	vm0 =	vcmask $0xB08;
	vm1 =	vcmask $0x1310;
	s5 =	ssub.s32 $0x2, s3;
	s6 =	sor.u32 s3, s4;
	s3 =	sadd.s32 $0x800, s0  }
0x6: {  	vm2 =	vcmask $0x1B18;
	vm3 =	vcmask $0x300;
	vm4 =	vcmask $0x2320;
	s0 =	sadd.s32 $0xF42C00, s0;
	s8 =	sshll.u32 s6, $0x7;
	s31 =	smul.u32 $0xE0000, s6  }
.Ltmp0:
0x7: {  	vm5 =	vcmask $0x2B28;
	vm6 =	vcmask $0x3330;
	vm7 =	vcmask $0x3B38;
	[dreg:$0x3] =	wrdreg s0;
	s1 =	sadd.s32 s1, s8;
	(pc) =	sbr.rel .LBB2_1-.Ltmp0, $4  }
0x8: {  	v1 =	vlaneseq.u32;
	vm8 =	vmmov $0xff;
	vm9 =	vcmask $0x704;
	s7 =	sshrl.u32 s5, $0x1;
	[dreg:$0x4] =	wrdreg s1  }
0x9: {  	vm10 =	vcmask $0xF0C;
	vm11 =	vcmask $0x1714;
	v0 =	vunpack.c.l.s4.s8 v0;
	s30 =	ssub.s32 s5, s7;
	s1 =	sadd.s32 $0x6000, s1;
	[dreg:$0x6] =	wrdreg s31  }
0xa: {  	vm12 =	vcmask $0x1F1C;
	vm13 =	vcmask $0x2724;
	vm14 =	vcmask $0x2F2C;
	s0 =	smax.u32 s30, $0x1;
	[dreg:$0x5] =	wrdreg s1  }
0xb: {  	vm15 =	vcmask $0x3734;
	v1 =	vmul.u32 $0x2, v1;
	s4 =	simm.s32 $0x0;
	v0 =	vunpack.c.0.s8.s32 v0;
	[dreg:$0x7] =	wrdreg s0  }
.LBB2_10:
0xc: {  	s0 =	simm.s32 $0x3  }
0xd: {  	_ =	swait.ge [sflag:s0], $0x4000  }
0xe: {  	[sflag:s0] =	ssyncset.done $0x0  }
0xf: {  	s1 =	simm.s32 $0x4;
	[sflag:s0] =	ssyncadd.s32 $0xFFFFC000  }
0x10: {  	_ =	swait.ge [sflag:s1], $0x4000  }
0x11: {  	s4 =	rddreg [dreg:$0x8]  }
0x12: {  	s31 =	rddreg [dreg:$0x7];
	s4 =	sadd.s32 $0x1, s4  }
0x13: {  	p0 =	sne.s32 s4, s31  }
.Ltmp1:
0x14: {  	_ = 	snop;
	(pc) =	sbr.rel @!p0 .LBB2_11-.Ltmp1, $3  }
0x15: {  	_ =	sdelay $0x1  }
0x16: {  	[sflag:s1] =	ssyncset.done $0x0  }
0x17: {  	[sflag:s1] =	ssyncadd.s32 $0xFFFFC000  }
.LBB2_1:
0x18: {  	[dreg:$0x8] =	wrdreg s4  }
0x19: {  	s0 =	rddreg [dreg:$0x4];
	s1 =	simm.s32 $0x400;
	s28 =	simm.s32 $0x8000  }
0x1a: {  	[tilespmem:s2], [sflag:$0x5] =	stream.strided.gather [hbm4b:s0+s1], $0x1800, s28, s1, $0x38;
	[tilespmem:$0x9C00] =	vst v63  }
0x1b: {  	s29 =	rddreg [dreg:$0x5];
	s30 =	simm.s32 $0x1800;
	s31 =	simm.s32 $0x5  }
0x1c: {  	[tilespmem:s30], [sflag:$0x5] =	stream.linear.gather [hbm4b:s29+s2], $0x100, $0x38;
	[tilespmem:$0x9C00] =	vst v63  }
0x1d: {  	_ =	swait.ge [sflag:s31], $0x1900  }
0x1e: {  	[sflag:s31] =	ssyncset.done $0x0  }
0x1f: {  	s22 =	simm.s32 $0x0;
	s23 =	simm.s32 $0x0;
	[sflag:s31] =	ssyncadd.s32 $0xFFFFE700  }
.LBB2_2:
0x20: {  	v2 =	vld [tilespmem:s22+$0x0];
	_ =	sdelay $0x4  }
0x21: {  	(v2sf) =	vpush v2, $0xD;
	_ =	sdelay $0x1  }
0x22: {  	(v2sf) =	vpush v2, $0xC;
	_ =	sdelay $0x1  }
0x23: {  	(v2sf) =	vpush v2, $0xE;
	_ =	sdelay $0x1  }
0x24: {  	(v2sf) =	vpush v2, $0xF;
	_ =	sdelay $0x1  }
0x25: {  	(v2sf) =	vpush v2, $0x9  }
0x26: {  	(v2sf) =	vpush v2, $0x8;
	_ =	sdelay $0x1  }
0x27: {  	(v2sf) =	vpush v2, $0xA  }
0x28: {  	(v2sf) =	vpush v2, $0xB;
	_ =	sdelay $0x2  }
0x29: {  	(v2sf) =	vpush v2, $0x0;
	s0 =	spop (v2sf)  }
0x2a: {  	s1 =	smulhi.u32 $0x431BDE83, s0;
	s0 =	sshra.s32 s0, $0x1F  }
0x2b: {  	s6 =	spop (v2sf);
	s0 =	smul.u32 $0x431BDE83, s0  }
0x2c: {  	(v2sf) =	vpush v2, $0x1;
	s9 =	smulhi.u32 $0x431BDE83, s6;
	s6 =	sshra.s32 s6, $0x1F  }
0x2d: {  	(v2sf) =	vpush v2, $0x2;
	s10 =	spop (v2sf);
	s6 =	smul.u32 $0x431BDE83, s6  }
0x2e: {  	(v2sf) =	vpush v2, $0x3;
	s11 =	smulhi.u32 $0x431BDE83, s10;
	s10 =	sshra.s32 s10, $0x1F  }
0x2f: {  	(v2sf) =	vpush v2, $0x4;
	s21 =	spop (v2sf);
	s10 =	smul.u32 $0x431BDE83, s10  }
0x30: {  	(v2sf) =	vpush v2, $0x5;
	s24 =	smulhi.u32 $0x431BDE83, s21;
	s21 =	sshra.s32 s21, $0x1F  }
0x31: {  	s25 =	spop (v2sf);
	(v2sf) =	vpush v2, $0x6;
	s28 =	smul.u32 $0x431BDE83, s21  }
0x32: {  	s12 =	spop (v2sf);
	s29 =	smulhi.u32 $0x431BDE83, s25;
	s25 =	sshra.s32 s25, $0x1F;
	(v2sf) =	vpush v2, $0x7  }
0x33: {  	s31 =	smul.u32 $0x431BDE83, s25  }
0x34: {  	s26 =	spop (v2sf);
	s5 =	smulhi.u32 $0x431BDE83, s12;
	s21 =	sshra.s32 s12, $0x1F  }
0x35: {  	s25 =	sadd.s32 s0, s1;
	s30 =	spop (v2sf);
	s19 =	smul.u32 $0x431BDE83, s21  }
0x36: {  	s13 =	smulhi.u32 $0x431BDE83, s26;
	s15 =	sshra.s32 s26, $0x1F;
	s20 =	sshrl.u32 s25, $0x1F  }
0x37: {  	s26 =	sadd.s32 s6, s9;
	s21 =	sadd.s32 s10, s11;
	s16 =	smul.u32 $0x431BDE83, s15  }
0x38: {  	s24 =	sadd.s32 s28, s24;
	s8 =	spop (v2sf);
	s9 =	smulhi.u32 $0x431BDE83, s30  }
0x39: {  	s18 =	sshra.s32 s30, $0x1F;
	s11 =	sshrl.u32 s26, $0x1F;
	s30 =	sshrl.u32 s21, $0x1F  }
0x3a: {  	s14 =	sshrl.u32 s24, $0x1F;
	s0 =	sadd.s32 s31, s29;
	s17 =	smul.u32 $0x431BDE83, s18  }
0x3b: {  	s12 =	spop (v2sf);
	s18 =	smulhi.u32 $0x431BDE83, s8;
	s8 =	sshra.s32 s8, $0x1F  }
0x3c: {  	s10 =	sadd.s32 s19, s5;
	s8 =	smul.u32 $0x431BDE83, s8;
	s31 =	spop (v2sf)  }
0x3d: {  	s29 =	smulhi.u32 $0x431BDE83, s12;
	s12 =	sshra.s32 s12, $0x1F;
	s4 =	spop (v2sf)  }
0x3e: {  	s19 =	smulhi.u32 $0x431BDE83, s31;
	s28 =	sshra.s32 s31, $0x1F;
	s31 =	spop (v2sf)  }
0x3f: {  	s1 =	sadd.s32 s16, s13;
	s5 =	smul.u32 $0x431BDE83, s12;
	s15 =	spop (v2sf)  }
0x40: {  	s8 =	sadd.s32 s8, s18;
	s7 =	smul.u32 $0x431BDE83, s28;
	s16 =	spop (v2sf)  }
0x41: {  	s13 =	smulhi.u32 $0x431BDE83, s4;
	s28 =	sadd.s32 s17, s9;
	s17 =	spop (v2sf)  }
0x42: {  	s12 =	sshra.s32 s4, $0x1F;
	s4 =	smulhi.u32 $0x431BDE83, s17;
	s9 =	sshra.s32 s17, $0x1F  }
0x43: {  	v4 =	vmov s11;
	s18 =	sshrl.u32 s0, $0x1F;
	s5 =	sadd.s32 s5, s29;
	s9 =	smul.u32 $0x431BDE83, s9  }
0x44: {  	v4 =	vsel vm0, s20, v4;
	s0 =	sshra.s32 s0, $0x10;
	s20 =	sshra.s32 s5, $0x10;
	s12 =	smul.u32 $0x431BDE83, s12  }
0x45: {  	s6 =	sadd.s32 s7, s19;
	s19 =	smulhi.u32 $0x431BDE83, s31;
	s9 =	sadd.s32 s9, s4  }
0x46: {  	s7 =	sshra.s32 s31, $0x1F;
	s11 =	smulhi.u32 $0x431BDE83, s15;
	s4 =	sshra.s32 s9, $0x1F  }
0x47: {  	s31 =	sshrl.u32 s10, $0x1F;
	s29 =	smul.u32 $0x431BDE83, s7;
	s7 =	sshra.s32 s8, $0x10;
	v3 =	vmov s4  }
0x48: {  	s15 =	sshra.s32 s15, $0x1F;
	s4 =	sshrl.u32 s8, $0x1F;
	s8 =	sshra.s32 s8, $0x1F;
	v3 =	vsel vm3, s7, v3  }
0x49: {  	v4 =	vsel vm1, s30, v4;
	s10 =	sshra.s32 s10, $0x10;
	s12 =	sadd.s32 s12, s13;
	s30 =	sshrl.u32 s6, $0x1F;
	v5 =	vmov s4;
	v3 =	vsel vm9, s8, v3  }
0x4a: {  	s15 =	smul.u32 $0x431BDE83, s15;
	s7 =	sshrl.u32 s5, $0x1F;
	s5 =	sshra.s32 s5, $0x1F;
	v5 =	vnsel vm3, $0x0, v5;
	v3 =	vsel vm0, s20, v3  }
0x4b: {  	v4 =	vsel vm2, s14, v4;
	s13 =	smulhi.u32 $0x431BDE83, s16;
	s17 =	sshrl.u32 s1, $0x1F;
	v5 =	vsel vm0, s7, v5;
	s7 =	sshra.s32 s6, $0x10;
	v3 =	vsel vm10, s5, v3  }
0x4c: {  	v6 =	vmov s31;
	v7 =	vmov s10;
	s14 =	sshra.s32 s12, $0x1F;
	s4 =	sshra.s32 s16, $0x1F;
	s6 =	sshra.s32 s6, $0x1F;
	v3 =	vsel vm1, s7, v3  }
0x4d: {  	v6 =	vsel vm0, s18, v6;
	v7 =	vsel vm0, s0, v7;
	s19 =	sadd.s32 s29, s19;
	s20 =	smul.u32 $0x431BDE83, s4;
	s4 =	sshra.s32 s12, $0x10;
	v3 =	vsel vm11, s6, v3  }
0x4e: {  	s29 =	sshrl.u32 s28, $0x1F;
	v6 =	vsel vm1, s17, v6;
	s17 =	sshra.s32 s26, $0x10;
	s16 =	sshrl.u32 s12, $0x1F;
	v5 =	vsel vm1, s30, v5;
	v3 =	vsel vm2, s4, v3  }
0x4f: {  	s31 =	sshrl.u32 s19, $0x1F;
	v6 =	vsel vm2, s29, v6;
	s30 =	sadd.s32 s15, s11;
	v5 =	vsel vm2, s16, v5;
	s16 =	sshra.s32 s19, $0x10;
	v3 =	vsel vm12, s14, v3  }
0x50: {  	s18 =	sshra.s32 s19, $0x1F;
	v63 =	vmov s17;
	v4 =	vcombine.low v6, v4;
	s7 =	sshrl.u32 s30, $0x1F;
	s19 =	sshra.s32 s25, $0x10;
	v3 =	vsel vm4, s16, v3  }
0x51: {  	s8 =	sadd.s32 s20, s13;
	s20 =	sshra.s32 s30, $0x10;
	s25 =	sshra.s32 s1, $0x10;
	v5 =	vsel vm4, s31, v5;
	v6 =	vsel vm0, s19, v63;
	v3 =	vsel vm13, s18, v3  }
0x52: {  	s21 =	sshra.s32 s21, $0x10;
	s26 =	sshra.s32 s30, $0x1F;
	s30 =	sshra.s32 s28, $0x10;
	v7 =	vsel vm1, s25, v7;
	v5 =	vsel vm5, s7, v5;
	v3 =	vsel vm5, s20, v3  }
0x53: {  	s29 =	sshra.s32 s24, $0x10;
	s15 =	sshrl.u32 s8, $0x1F;
	s31 =	sshra.s32 s8, $0x10;
	v6 =	vsel vm1, s21, v6;
	v7 =	vsel vm2, s30, v7;
	v3 =	vsel vm14, s26, v3  }
0x54: {  	s5 =	sshra.s32 s8, $0x1F;
	s4 =	sshrl.u32 s9, $0x1F;
	v5 =	vsel vm6, s15, v5;
	v6 =	vsel vm2, s29, v6;
	v3 =	vsel vm6, s31, v3  }
0x55: {  	s6 =	sshra.s32 s9, $0x10;
	v6 =	vcombine.low v7, v6;
	v5 =	vsel vm7, s4, v5;
	v3 =	vsel vm15, s5, v3  }
0x56: {  	v4 =	vperm.xlane v4, v0;
	v5 =	vperm.xlane v5, v1;
	v3 =	vsel vm7, s6, v3  }
0x57: {  	v6 =	vperm.xlane v6, v0;
	v3 =	vperm.xlane v3, v1;
	_ =	sdelay $0x1  }
0x58: {  	v4 =	vsel vm8, v5, v4;
	v3 =	vsel vm8, v3, v6  }
0x59: {  	v3 =	vadd.s32 v4, v3  }
0x5a: {  	v4 =	vmul.u32 $0xFFFC2F70, v3;
	_ =	sdelay $0x1  }
0x5b: {  	v2 =	vadd.s32 v2, v4  }
0x5c: {  	v3 =	vmul.u32 $0x1E84800, v3;
	v2 =	vshll.u32 v2, $0x7  }
0x5d: {  	(v2sf) =	vpush v2, $0x0  }
0x5e: {  	(v2sf) =	vpush v3, $0x0;
	_ =	sdelay $0x2  }
0x5f: {  	(v2sf) =	vpush v2, $0x1  }
0x60: {  	(v2sf) =	vpush v3, $0x1;
	_ =	sdelay $0x1  }
0x61: {  	(v2sf) =	vpush v2, $0x2;
	_ =	sdelay $0x1  }
0x62: {  	(v2sf) =	vpush v3, $0x2;
	_ =	sdelay $0x5  }
0x63: {  	s7 =	spop (v2sf)  }
0x64: {  	s9 =	spop (v2sf);
	(v2sf) =	vpush v2, $0x3;
	_ =	sdelay $0x2  }
0x65: {  	s11 =	spop (v2sf);
	(v2sf) =	vpush v3, $0x3  }
0x66: {  	s8 =	sand.u32 $0xFFFFFC00, s7;
	s13 =	spop (v2sf);
	(v2sf) =	vpush v2, $0x4  }
0x67: {  	s0 =	sand.u32 $0x380, s7;
	s1 =	sadd.s32 s9, s8  }
0x68: {  	s24 =	sshra.s32 s23, $0x2;
	s0 =	sor.u32 s0, s1;
	s15 =	spop (v2sf);
	(v2sf) =	vpush v3, $0x4  }
0x69: {  	s10 =	sadd.s32 $0x1C00, s24;
	s21 =	simm.s32 $0x0;
	s0 =	sshrl.u32 s0, $0x3  }
0x6a: {  	s12 =	sand.u32 $0xFFFFFC00, s11;
	s0 =	sadd.s32 s3, s0;
	s17 =	spop (v2sf);
	(v2sf) =	vpush v2, $0x5  }
0x6b: {  	[tilespmem:s10], [sflag:$0x1] =	stream.linear.gather [hbm4b:s0+s21], $0x80, $0x38;
	[tilespmem:$0x9C00] =	vst v63  }
0x6c: {  	s1 =	sadd.s32 s13, s12;
	s0 =	sand.u32 $0x380, s11  }
0x6d: {  	s0 =	sor.u32 s0, s1  }
0x6e: {  	s0 =	sshrl.u32 s0, $0x3  }
0x6f: {  	s14 =	sadd.s32 $0x1C80, s24;
	s0 =	sadd.s32 s3, s0  }
0x70: {  	[tilespmem:s14], [sflag:$0x1] =	stream.linear.gather [hbm4b:s0+s21], $0x80, $0x38;
	[tilespmem:$0x9C00] =	vst v63  }
0x71: {  	s16 =	sand.u32 $0xFFFFFC00, s15;
	s19 =	spop (v2sf);
	(v2sf) =	vpush v3, $0x5  }
0x72: {  	s1 =	sadd.s32 s17, s16;
	s0 =	sand.u32 $0x380, s15  }
0x73: {  	s0 =	sor.u32 s0, s1  }
0x74: {  	s0 =	sshrl.u32 s0, $0x3;
	s25 =	spop (v2sf);
	(v2sf) =	vpush v2, $0x6  }
0x75: {  	s18 =	sadd.s32 $0x1D00, s24;
	s0 =	sadd.s32 s3, s0;
	s28 =	spop (v2sf);
	(v2sf) =	vpush v3, $0x6  }
0x76: {  	[tilespmem:s18], [sflag:$0x1] =	stream.linear.gather [hbm4b:s0+s21], $0x80, $0x38;
	[tilespmem:$0x9C00] =	vst v63  }
0x77: {  	s30 =	spop (v2sf);
	(v2sf) =	vpush v2, $0x7  }
0x78: {  	s20 =	sand.u32 $0xFFFFFC00, s19  }
0x79: {  	s0 =	sand.u32 $0x380, s19;
	s1 =	sadd.s32 s25, s20;
	s4 =	spop (v2sf);
	(v2sf) =	vpush v3, $0x7  }
0x7a: {  	s0 =	sor.u32 s0, s1  }
0x7b: {  	s0 =	sshrl.u32 s0, $0x3  }
0x7c: {  	s26 =	sadd.s32 $0x1D80, s24;
	s29 =	sand.u32 $0xFFFFFC00, s28;
	s0 =	sadd.s32 s3, s0  }
0x7d: {  	[tilespmem:s26], [sflag:$0x1] =	stream.linear.gather [hbm4b:s0+s21], $0x80, $0x38;
	[tilespmem:$0x9C00] =	vst v63  }
0x7e: {  	s1 =	sadd.s32 s30, s29;
	s0 =	sand.u32 $0x380, s28  }
0x7f: {  	s0 =	sor.u32 s0, s1  }
0x80: {  	s0 =	sshrl.u32 s0, $0x3;
	s7 =	spop (v2sf);
	(v2sf) =	vpush v2, $0x8  }
0x81: {  	s31 =	sadd.s32 $0x1E00, s24;
	s6 =	sand.u32 $0xFFFFFC00, s4;
	s0 =	sadd.s32 s3, s0  }
0x82: {  	[tilespmem:s31], [sflag:$0x1] =	stream.linear.gather [hbm4b:s0+s21], $0x80, $0x38;
	[tilespmem:$0x9C00] =	vst v63  }
0x83: {  	s0 =	sand.u32 $0x380, s4;
	s1 =	sadd.s32 s7, s6;
	s9 =	spop (v2sf);
	(v2sf) =	vpush v3, $0x8  }
0x84: {  	s0 =	sor.u32 s0, s1;
	s11 =	spop (v2sf);
	(v2sf) =	vpush v2, $0x9  }
0x85: {  	s8 =	sadd.s32 $0x1E80, s24;
	s0 =	sshrl.u32 s0, $0x3  }
0x86: {  	s10 =	sand.u32 $0xFFFFFC00, s9;
	s13 =	spop (v2sf);
	s0 =	sadd.s32 s3, s0  }
0x87: {  	(v2sf) =	vpush v3, $0x9;
	[tilespmem:s8], [sflag:$0x1] =	stream.linear.gather [hbm4b:s0+s21], $0x80, $0x38;
	[tilespmem:$0x9C00] =	vst v63  }
0x88: {  	s1 =	sadd.s32 s11, s10;
	s15 =	spop (v2sf);
	(v2sf) =	vpush v2, $0xA;
	s0 =	sand.u32 $0x380, s9  }
0x89: {  	s0 =	sor.u32 s0, s1  }
0x8a: {  	s0 =	sshrl.u32 s0, $0x3  }
0x8b: {  	s12 =	sadd.s32 $0x1F00, s24;
	s14 =	sand.u32 $0xFFFFFC00, s13;
	s0 =	sadd.s32 s3, s0  }
0x8c: {  	[tilespmem:s12], [sflag:$0x1] =	stream.linear.gather [hbm4b:s0+s21], $0x80, $0x38;
	[tilespmem:$0x9C00] =	vst v63  }
0x8d: {  	s1 =	sadd.s32 s15, s14;
	s0 =	sand.u32 $0x380, s13  }
0x8e: {  	s0 =	sor.u32 s0, s1  }
0x8f: {  	s0 =	sshrl.u32 s0, $0x3;
	s17 =	spop (v2sf);
	(v2sf) =	vpush v3, $0xA  }
0x90: {  	s16 =	sadd.s32 $0x1F80, s24;
	s0 =	sadd.s32 s3, s0  }
0x91: {  	[tilespmem:s16], [sflag:$0x1] =	stream.linear.gather [hbm4b:s0+s21], $0x80, $0x38;
	[tilespmem:$0x9C00] =	vst v63  }
0x92: {  	s19 =	spop (v2sf);
	(v2sf) =	vpush v2, $0xB  }
0x93: {  	s18 =	sand.u32 $0xFFFFFC00, s17;
	s25 =	spop (v2sf);
	(v2sf) =	vpush v3, $0xB  }
0x94: {  	s0 =	sand.u32 $0x380, s17;
	s1 =	sadd.s32 s19, s18  }
0x95: {  	s0 =	sor.u32 s0, s1  }
0x96: {  	s20 =	sadd.s32 $0x2000, s24;
	s28 =	spop (v2sf);
	(v2sf) =	vpush v2, $0xC;
	s0 =	sshrl.u32 s0, $0x3  }
0x97: {  	s26 =	sand.u32 $0xFFFFFC00, s25;
	s30 =	spop (v2sf);
	(v2sf) =	vpush v3, $0xC;
	s0 =	sadd.s32 s3, s0  }
0x98: {  	[tilespmem:s20], [sflag:$0x1] =	stream.linear.gather [hbm4b:s0+s21], $0x80, $0x38;
	[tilespmem:$0x9C00] =	vst v63  }
0x99: {  	s1 =	sadd.s32 s28, s26;
	s0 =	sand.u32 $0x380, s25  }
0x9a: {  	s0 =	sor.u32 s0, s1  }
0x9b: {  	s0 =	sshrl.u32 s0, $0x3  }
0x9c: {  	s29 =	sadd.s32 $0x2080, s24;
	s0 =	sadd.s32 s3, s0  }
0x9d: {  	(v2sf) =	vpush v2, $0xD;
	[tilespmem:s29], [sflag:$0x1] =	stream.linear.gather [hbm4b:s0+s21], $0x80, $0x38;
	[tilespmem:$0x9C00] =	vst v63  }
0x9e: {  	s31 =	sand.u32 $0xFFFFFC00, s30;
	s4 =	spop (v2sf)  }
0x9f: {  	s0 =	sand.u32 $0x380, s30;
	(v2sf) =	vpush v3, $0xD;
	s1 =	sadd.s32 s4, s31  }
0xa0: {  	s0 =	sor.u32 s0, s1  }
0xa1: {  	s6 =	sadd.s32 $0x2100, s24;
	s7 =	spop (v2sf);
	s0 =	sshrl.u32 s0, $0x3  }
0xa2: {  	(v2sf) =	vpush v2, $0xE;
	s8 =	sand.u32 $0xFFFFFC00, s7;
	s9 =	spop (v2sf);
	s0 =	sadd.s32 s3, s0  }
0xa3: {  	(v2sf) =	vpush v3, $0xE;
	[tilespmem:s6], [sflag:$0x1] =	stream.linear.gather [hbm4b:s0+s21], $0x80, $0x38;
	[tilespmem:$0x9C00] =	vst v63  }
0xa4: {  	s1 =	sadd.s32 s9, s8;
	s0 =	sand.u32 $0x380, s7  }
0xa5: {  	s11 =	spop (v2sf);
	s0 =	sor.u32 s0, s1  }
0xa6: {  	s13 =	spop (v2sf);
	(v2sf) =	vpush v3, $0xF;
	s0 =	sshrl.u32 s0, $0x3  }
0xa7: {  	s10 =	sadd.s32 $0x2180, s24;
	s12 =	sand.u32 $0xFFFFFC00, s11;
	(v2sf) =	vpush v2, $0xF;
	s0 =	sadd.s32 s3, s0  }
0xa8: {  	[tilespmem:s10], [sflag:$0x1] =	stream.linear.gather [hbm4b:s0+s21], $0x80, $0x38;
	[tilespmem:$0x9C00] =	vst v63  }
0xa9: {  	s1 =	sadd.s32 s13, s12;
	s0 =	sand.u32 $0x380, s11  }
0xaa: {  	s0 =	sor.u32 s0, s1  }
0xab: {  	s0 =	sshrl.u32 s0, $0x3  }
0xac: {  	s15 =	sadd.s32 $0x2200, s24;
	s14 =	spop (v2sf);
	s0 =	sadd.s32 s3, s0  }
0xad: {  	[tilespmem:s15], [sflag:$0x1] =	stream.linear.gather [hbm4b:s0+s21], $0x80, $0x38;
	[tilespmem:$0x9C00] =	vst v63  }
0xae: {  	s17 =	sand.u32 $0xFFFFFC00, s14;
	s16 =	spop (v2sf)  }
0xaf: {  	s1 =	sand.u32 $0x380, s14;
	s0 =	sadd.s32 s16, s17  }
0xb0: {  	s0 =	sor.u32 s1, s0  }
0xb1: {  	s19 =	sadd.s32 $0x2280, s24;
	s18 =	spop (v2sf);
	s0 =	sshrl.u32 s0, $0x3  }
0xb2: {  	s20 =	spop (v2sf);
	s25 =	sand.u32 $0xFFFFFC00, s18;
	s0 =	sadd.s32 s3, s0  }
0xb3: {  	[tilespmem:s19], [sflag:$0x1] =	stream.linear.gather [hbm4b:s0+s21], $0x80, $0x38;
	[tilespmem:$0x9C00] =	vst v63  }
0xb4: {  	s1 =	sand.u32 $0x380, s18;
	s0 =	sadd.s32 s20, s25  }
0xb5: {  	s26 =	spop (v2sf);
	s0 =	sor.u32 s1, s0  }
0xb6: {  	p0 =	sne.s32 s23, $0xE000;
	s29 =	spop (v2sf);
	s0 =	sshrl.u32 s0, $0x3  }
0xb7: {  	s28 =	sadd.s32 $0x2300, s24;
	s30 =	sand.u32 $0xFFFFFC00, s29;
	s0 =	sadd.s32 s3, s0  }
0xb8: {  	[tilespmem:s28], [sflag:$0x1] =	stream.linear.gather [hbm4b:s0+s21], $0x80, $0x38;
	[tilespmem:$0x9C00] =	vst v63  }
.Ltmp2:
0xb9: {  	s1 =	sadd.s32 s26, s30;
	s0 =	sand.u32 $0x380, s29;
	(pc) =	sbr.rel @p0 .LBB2_2-.Ltmp2, $4  }
0xba: {  	s0 =	sor.u32 s0, s1  }
0xbb: {  	s22 =	sadd.s32 $0x10, s22;
	s0 =	sshrl.u32 s0, $0x3  }
0xbc: {  	s23 =	sadd.s32 $0x2000, s23;
	s31 =	sadd.s32 $0x2380, s24;
	s0 =	sadd.s32 s3, s0  }
0xbd: {  	[tilespmem:s31], [sflag:$0x1] =	stream.linear.gather [hbm4b:s0+s21], $0x80, $0x38;
	[tilespmem:$0x9C00] =	vst v63  }
.Ltmp3:
0xbe: {  	(pc) =	sbr.rel .LBB2_4-.Ltmp3, $3  }
0xbf: {  	_ =	sdelay $0x1  }
0xc0: {  	s0 =	simm.s32 $0x100  }
0xc1: {  	s22 =	simm.s32 $0x80;
	[dreg:$0x9] =	wrdreg s0  }
.LBB2_9:
0xc2: {  	s0 =	rddreg [dreg:$0xa]  }
0xc3: {  	s1 =	rddreg [dreg:$0xb];
	s4 =	simm.s32 $0x2;
	s29 =	simm.s32 $0x80  }
0xc4: {  	s30 =	simm.s32 $0x1C00;
	s5 =	simm.s32 $0x5C00;
	s0 =	sshll.u32 s0, $0x7  }
0xc5: {  	s1 =	sand.u32 $0x1C00, s1;
	_ =	swait.ge [sflag:s4], $0x4000;
	s0 =	sand.u32 $0x380, s0  }
0xc6: {  	s21 =	sadd.s32 $0x1, s21;
	s26 =	rddreg [dreg:$0x6];
	s0 =	sor.u32 s0, s1  }
0xc7: {  	p0 =	sne.s32 s21, $0x19;
	[sflag:s4] =	ssyncset.done $0x0;
	s0 =	sor.u32 s26, s0  }
.Ltmp4:
0xc8: {  	s28 =	rddreg [dreg:$0x3];
	s0 =	sshrl.u32 s0, $0x3;
	(pc) =	sbr.rel @!p0 .LBB2_10-.Ltmp4, $4  }
0xc9: {  	s31 =	rddreg [dreg:$0x9];
	[sflag:s4] =	ssyncadd.s32 $0xFFFFC000;
	s0 =	sadd.s32 s28, s0  }
0xca: {  	[hbm4b:s0+s29] =	stream.strided.scatter [tilespmem:s5], [sflag:$0x4], $0x4000, s30, s29, $0x38;
	[tilespmem:$0x9C00] =	vst v63  }
0xcb: {  	s0 =	sadd.s32 $0x100, s31  }
0xcc: {  	s22 =	sadd.s32 $0x100, s22;
	[dreg:$0x9] =	wrdreg s0  }
.LBB2_4:
0xcd: {  	p0 =	seq.s32 s21, $0x0  }
0xce: {  	s0 =	simm.s32 @!p0 $0x4  }
0xcf: {  	_ =	swait.ge @!p0 [sflag:s0], $0x4000  }
0xd0: {  	s1 =	sshllo.u32 s21, $0x1;
	s25 =	smov.u32 s22;
	[sflag:s0] =	ssyncset.done @!p0 $0x0  }
0xd1: {  	s26 =	simm.s32 $0x0;
	[dreg:$0xa] =	wrdreg s1;
	[sflag:s0] =	ssyncadd.s32 @!p0 $0xFFFFC000  }
.LBB2_5:
0xd2: {  	v2 =	vld [tilespmem:s25+$0x0];
	_ =	sdelay $0x4  }
0xd3: {  	(v2sf) =	vpush v2, $0xD;
	_ =	sdelay $0x1  }
0xd4: {  	(v2sf) =	vpush v2, $0xC;
	_ =	sdelay $0x1  }
0xd5: {  	(v2sf) =	vpush v2, $0xE;
	_ =	sdelay $0x1  }
0xd6: {  	(v2sf) =	vpush v2, $0xF;
	_ =	sdelay $0x1  }
0xd7: {  	(v2sf) =	vpush v2, $0x9  }
0xd8: {  	(v2sf) =	vpush v2, $0x8;
	_ =	sdelay $0x2  }
0xd9: {  	(v2sf) =	vpush v2, $0xA;
	_ =	sdelay $0x1  }
0xda: {  	(v2sf) =	vpush v2, $0xB  }
0xdb: {  	s0 =	spop (v2sf)  }
0xdc: {  	(v2sf) =	vpush v2, $0x0;
	s1 =	smulhi.u32 $0x431BDE83, s0;
	s0 =	sshra.s32 s0, $0x1F  }
0xdd: {  	s5 =	spop (v2sf);
	s0 =	smul.u32 $0x431BDE83, s0  }
0xde: {  	(v2sf) =	vpush v2, $0x1;
	s6 =	smulhi.u32 $0x431BDE83, s5;
	s5 =	sshra.s32 s5, $0x1F  }
0xdf: {  	(v2sf) =	vpush v2, $0x2;
	s8 =	spop (v2sf);
	s5 =	smul.u32 $0x431BDE83, s5  }
0xe0: {  	(v2sf) =	vpush v2, $0x3;
	s9 =	smulhi.u32 $0x431BDE83, s8;
	s8 =	sshra.s32 s8, $0x1F  }
0xe1: {  	(v2sf) =	vpush v2, $0x4;
	s10 =	spop (v2sf);
	s8 =	smul.u32 $0x431BDE83, s8  }
0xe2: {  	(v2sf) =	vpush v2, $0x5;
	s11 =	smulhi.u32 $0x431BDE83, s10;
	s10 =	sshra.s32 s10, $0x1F  }
0xe3: {  	s12 =	spop (v2sf);
	(v2sf) =	vpush v2, $0x6;
	s10 =	smul.u32 $0x431BDE83, s10  }
0xe4: {  	s13 =	spop (v2sf);
	s14 =	smulhi.u32 $0x431BDE83, s12;
	s12 =	sshra.s32 s12, $0x1F;
	(v2sf) =	vpush v2, $0x7  }
0xe5: {  	s12 =	smul.u32 $0x431BDE83, s12  }
0xe6: {  	s30 =	sadd.s32 s0, s1;
	s18 =	smulhi.u32 $0x431BDE83, s13;
	s13 =	sshra.s32 s13, $0x1F  }
0xe7: {  	s31 =	sadd.s32 s5, s6;
	s15 =	spop (v2sf);
	s13 =	smul.u32 $0x431BDE83, s13  }
0xe8: {  	s28 =	sadd.s32 s8, s9;
	s1 =	smulhi.u32 $0x431BDE83, s15;
	s4 =	sshra.s32 s15, $0x1F  }
0xe9: {  	s8 =	sshrl.u32 s31, $0x1F;
	s16 =	spop (v2sf);
	s7 =	smul.u32 $0x431BDE83, s4  }
0xea: {  	s15 =	sshrl.u32 s30, $0x1F;
	s6 =	smulhi.u32 $0x431BDE83, s16;
	s20 =	sshra.s32 s16, $0x1F  }
0xeb: {  	s29 =	sadd.s32 s10, s11;
	s17 =	spop (v2sf);
	s9 =	smul.u32 $0x431BDE83, s20  }
0xec: {  	s16 =	sshrl.u32 s28, $0x1F;
	s10 =	smulhi.u32 $0x431BDE83, s17;
	s23 =	sshra.s32 s17, $0x1F  }
0xed: {  	s0 =	sadd.s32 s12, s14;
	s19 =	spop (v2sf);
	s12 =	smul.u32 $0x431BDE83, s23  }
0xee: {  	s14 =	smulhi.u32 $0x431BDE83, s19;
	s19 =	sshra.s32 s19, $0x1F;
	s20 =	spop (v2sf)  }
0xef: {  	s11 =	sadd.s32 s13, s18;
	s13 =	smul.u32 $0x431BDE83, s19;
	s24 =	spop (v2sf)  }
0xf0: {  	s19 =	smulhi.u32 $0x431BDE83, s20;
	s20 =	sshra.s32 s20, $0x1F;
	s4 =	spop (v2sf)  }
0xf1: {  	s1 =	sadd.s32 s7, s1;
	s5 =	smul.u32 $0x431BDE83, s20;
	s20 =	spop (v2sf)  }
0xf2: {  	s7 =	smulhi.u32 $0x431BDE83, s24;
	s18 =	sshra.s32 s24, $0x1F;
	s24 =	spop (v2sf)  }
0xf3: {  	s9 =	sadd.s32 s9, s6;
	s6 =	smul.u32 $0x431BDE83, s18;
	s23 =	spop (v2sf)  }
0xf4: {  	s12 =	sadd.s32 s12, s10;
	s10 =	smulhi.u32 $0x431BDE83, s23;
	s18 =	sshra.s32 s23, $0x1F  }
0xf5: {  	s17 =	sshrl.u32 s29, $0x1F;
	s13 =	sadd.s32 s13, s14;
	s14 =	smul.u32 $0x431BDE83, s18  }
0xf6: {  	v4 =	vmov s8;
	s8 =	sshrl.u32 s12, $0x1F;
	s5 =	sadd.s32 s5, s19;
	s19 =	sshrl.u32 s11, $0x1F  }
0xf7: {  	v4 =	vsel vm0, s15, v4;
	v5 =	vmov s8;
	s8 =	smulhi.u32 $0x431BDE83, s20;
	s15 =	sshra.s32 s20, $0x1F;
	s10 =	sadd.s32 s14, s10  }
0xf8: {  	s20 =	sshra.s32 s13, $0x10;
	s6 =	sadd.s32 s6, s7;
	s7 =	sshra.s32 s10, $0x1F  }
0xf9: {  	v4 =	vsel vm1, s16, v4;
	s11 =	sshra.s32 s11, $0x10;
	s16 =	sshrl.u32 s5, $0x1F;
	v3 =	vmov s7;
	s7 =	sshra.s32 s12, $0x10  }
0xfa: {  	s15 =	smul.u32 $0x431BDE83, s15;
	s23 =	sshrl.u32 s0, $0x1F;
	s12 =	sshra.s32 s12, $0x1F;
	v3 =	vsel vm3, s7, v3  }
0xfb: {  	v4 =	vsel vm2, s17, v4;
	s17 =	sshrl.u32 s6, $0x1F;
	s18 =	smulhi.u32 $0x431BDE83, s4;
	s4 =	sshra.s32 s4, $0x1F;
	v3 =	vsel vm9, s12, v3  }
0xfc: {  	v5 =	vnsel vm3, $0x0, v5;
	s4 =	smul.u32 $0x431BDE83, s4;
	s7 =	sshrl.u32 s13, $0x1F;
	s13 =	sshra.s32 s13, $0x1F;
	v3 =	vsel vm0, s20, v3  }
0xfd: {  	v6 =	vmov s19;
	v5 =	vsel vm0, s7, v5;
	s7 =	smulhi.u32 $0x431BDE83, s24;
	s20 =	sshra.s32 s24, $0x1F;
	s24 =	sshra.s32 s5, $0x10;
	v3 =	vsel vm10, s13, v3  }
0xfe: {  	s0 =	sshra.s32 s0, $0x10;
	v6 =	vsel vm0, s23, v6;
	s14 =	sshrl.u32 s1, $0x1F;
	s5 =	sshra.s32 s5, $0x1F;
	v3 =	vsel vm1, s24, v3  }
0xff: {  	v7 =	vmov s11;
	s23 =	sshra.s32 s6, $0x10;
	s4 =	sadd.s32 s4, s18;
	s18 =	sshrl.u32 s9, $0x1F;
	v6 =	vsel vm1, s14, v6;
	v3 =	vsel vm11, s5, v3  }
0x100: {  	s8 =	sadd.s32 s15, s8;
	s14 =	sshra.s32 s6, $0x1F;
	v6 =	vsel vm2, s18, v6;
	s18 =	sshra.s32 s30, $0x10;
	v5 =	vsel vm1, s16, v5;
	v3 =	vsel vm2, s23, v3  }
0x101: {  	v7 =	vsel vm0, s0, v7;
	s16 =	sshra.s32 s4, $0x10;
	s19 =	smul.u32 $0x431BDE83, s20;
	v5 =	vsel vm2, s17, v5;
	s17 =	sshra.s32 s31, $0x10;
	v3 =	vsel vm12, s14, v3  }
0x102: {  	v4 =	vcombine.low v6, v4;
	s20 =	sshrl.u32 s4, $0x1F;
	s4 =	sshra.s32 s4, $0x1F;
	s24 =	sshrl.u32 s8, $0x1F;
	v63 =	vmov s17;
	v3 =	vsel vm4, s16, v3  }
0x103: {  	v5 =	vsel vm4, s20, v5;
	s20 =	sshra.s32 s28, $0x10;
	s7 =	sadd.s32 s19, s7;
	s19 =	sshra.s32 s8, $0x10;
	v6 =	vsel vm0, s18, v63;
	v3 =	vsel vm13, s4, v3  }
0x104: {  	v5 =	vsel vm5, s24, v5;
	s24 =	sshra.s32 s8, $0x1F;
	s15 =	sshrl.u32 s7, $0x1F;
	s23 =	sshra.s32 s1, $0x10;
	v6 =	vsel vm1, s20, v6;
	v3 =	vsel vm5, s19, v3  }
0x105: {  	s28 =	sshra.s32 s29, $0x10;
	s29 =	sshra.s32 s9, $0x10;
	s30 =	sshra.s32 s7, $0x10;
	v5 =	vsel vm6, s15, v5;
	v7 =	vsel vm1, s23, v7;
	v3 =	vsel vm14, s24, v3  }
0x106: {  	s31 =	sshrl.u32 s10, $0x1F;
	s1 =	sshra.s32 s7, $0x1F;
	v6 =	vsel vm2, s28, v6;
	v7 =	vsel vm2, s29, v7;
	v3 =	vsel vm6, s30, v3  }
0x107: {  	v5 =	vsel vm7, s31, v5;
	v6 =	vcombine.low v7, v6;
	s4 =	sshra.s32 s10, $0x10;
	v3 =	vsel vm15, s1, v3  }
0x108: {  	v4 =	vperm.xlane v4, v0;
	v5 =	vperm.xlane v5, v1;
	v3 =	vsel vm7, s4, v3  }
0x109: {  	v6 =	vperm.xlane v6, v0;
	v3 =	vperm.xlane v3, v1;
	_ =	sdelay $0x1  }
0x10a: {  	v4 =	vsel vm8, v5, v4;
	v3 =	vsel vm8, v3, v6  }
0x10b: {  	v3 =	vadd.s32 v4, v3  }
0x10c: {  	v4 =	vmul.u32 $0xFFFC2F70, v3;
	_ =	sdelay $0x1  }
0x10d: {  	v2 =	vadd.s32 v2, v4  }
0x10e: {  	v3 =	vmul.u32 $0x1E84800, v3;
	v2 =	vshll.u32 v2, $0x7  }
0x10f: {  	(v2sf) =	vpush v2, $0x0  }
0x110: {  	(v2sf) =	vpush v3, $0x0;
	_ =	sdelay $0x2  }
0x111: {  	(v2sf) =	vpush v2, $0x1  }
0x112: {  	(v2sf) =	vpush v3, $0x1;
	_ =	sdelay $0x1  }
0x113: {  	(v2sf) =	vpush v2, $0x2;
	_ =	sdelay $0x1  }
0x114: {  	(v2sf) =	vpush v3, $0x2;
	_ =	sdelay $0x5  }
0x115: {  	s5 =	spop (v2sf)  }
0x116: {  	s7 =	spop (v2sf);
	(v2sf) =	vpush v2, $0x3;
	_ =	sdelay $0x2  }
0x117: {  	s9 =	spop (v2sf);
	(v2sf) =	vpush v3, $0x3  }
0x118: {  	s6 =	sand.u32 $0xFFFFFC00, s5;
	s11 =	spop (v2sf);
	(v2sf) =	vpush v2, $0x4  }
0x119: {  	s0 =	sand.u32 $0x380, s5;
	s1 =	sadd.s32 s7, s6  }
0x11a: {  	s28 =	sshra.s32 s26, $0x2;
	s0 =	sor.u32 s0, s1;
	s13 =	spop (v2sf);
	(v2sf) =	vpush v3, $0x4  }
0x11b: {  	s8 =	sadd.s32 $0x5C00, s28;
	s0 =	sshrl.u32 s0, $0x3  }
0x11c: {  	s10 =	sand.u32 $0xFFFFFC00, s9;
	s0 =	sadd.s32 s3, s0;
	s15 =	spop (v2sf);
	(v2sf) =	vpush v2, $0x5  }
0x11d: {  	[tilespmem:s8], [sflag:$0x2] =	stream.linear.gather [hbm4b:s0+s2], $0x80, $0x38;
	[tilespmem:$0x9C00] =	vst v63  }
0x11e: {  	s1 =	sadd.s32 s11, s10;
	s0 =	sand.u32 $0x380, s9  }
0x11f: {  	s0 =	sor.u32 s0, s1  }
0x120: {  	s0 =	sshrl.u32 s0, $0x3  }
0x121: {  	s12 =	sadd.s32 $0x5C80, s28;
	s0 =	sadd.s32 s3, s0  }
0x122: {  	[tilespmem:s12], [sflag:$0x2] =	stream.linear.gather [hbm4b:s0+s2], $0x80, $0x38;
	[tilespmem:$0x9C00] =	vst v63  }
0x123: {  	s14 =	sand.u32 $0xFFFFFC00, s13;
	s17 =	spop (v2sf);
	(v2sf) =	vpush v3, $0x5  }
0x124: {  	s1 =	sadd.s32 s15, s14;
	s0 =	sand.u32 $0x380, s13  }
0x125: {  	s0 =	sor.u32 s0, s1  }
0x126: {  	s0 =	sshrl.u32 s0, $0x3;
	s19 =	spop (v2sf);
	(v2sf) =	vpush v2, $0x6  }
0x127: {  	s16 =	sadd.s32 $0x5D00, s28;
	s0 =	sadd.s32 s3, s0;
	s23 =	spop (v2sf);
	(v2sf) =	vpush v3, $0x6  }
0x128: {  	[tilespmem:s16], [sflag:$0x2] =	stream.linear.gather [hbm4b:s0+s2], $0x80, $0x38;
	[tilespmem:$0x9C00] =	vst v63  }
0x129: {  	s29 =	spop (v2sf);
	(v2sf) =	vpush v2, $0x7  }
0x12a: {  	s18 =	sand.u32 $0xFFFFFC00, s17  }
0x12b: {  	s0 =	sand.u32 $0x380, s17;
	s1 =	sadd.s32 s19, s18;
	s31 =	spop (v2sf);
	(v2sf) =	vpush v3, $0x7  }
0x12c: {  	s0 =	sor.u32 s0, s1  }
0x12d: {  	s0 =	sshrl.u32 s0, $0x3  }
0x12e: {  	s20 =	sadd.s32 $0x5D80, s28;
	s24 =	sand.u32 $0xFFFFFC00, s23;
	s0 =	sadd.s32 s3, s0  }
0x12f: {  	[tilespmem:s20], [sflag:$0x2] =	stream.linear.gather [hbm4b:s0+s2], $0x80, $0x38;
	[tilespmem:$0x9C00] =	vst v63  }
0x130: {  	s1 =	sadd.s32 s29, s24;
	s0 =	sand.u32 $0x380, s23  }
0x131: {  	s0 =	sor.u32 s0, s1  }
0x132: {  	s0 =	sshrl.u32 s0, $0x3;
	s5 =	spop (v2sf);
	(v2sf) =	vpush v2, $0x8  }
0x133: {  	s30 =	sadd.s32 $0x5E00, s28;
	s4 =	sand.u32 $0xFFFFFC00, s31;
	s0 =	sadd.s32 s3, s0  }
0x134: {  	[tilespmem:s30], [sflag:$0x2] =	stream.linear.gather [hbm4b:s0+s2], $0x80, $0x38;
	[tilespmem:$0x9C00] =	vst v63  }
0x135: {  	s0 =	sand.u32 $0x380, s31;
	s1 =	sadd.s32 s5, s4;
	s7 =	spop (v2sf);
	(v2sf) =	vpush v3, $0x8  }
0x136: {  	s0 =	sor.u32 s0, s1;
	s9 =	spop (v2sf);
	(v2sf) =	vpush v2, $0x9  }
0x137: {  	s6 =	sadd.s32 $0x5E80, s28;
	s0 =	sshrl.u32 s0, $0x3  }
0x138: {  	s8 =	sand.u32 $0xFFFFFC00, s7;
	s11 =	spop (v2sf);
	s0 =	sadd.s32 s3, s0  }
0x139: {  	(v2sf) =	vpush v3, $0x9;
	[tilespmem:s6], [sflag:$0x2] =	stream.linear.gather [hbm4b:s0+s2], $0x80, $0x38;
	[tilespmem:$0x9C00] =	vst v63  }
0x13a: {  	s1 =	sadd.s32 s9, s8;
	s13 =	spop (v2sf);
	(v2sf) =	vpush v2, $0xA;
	s0 =	sand.u32 $0x380, s7  }
0x13b: {  	s0 =	sor.u32 s0, s1  }
0x13c: {  	s0 =	sshrl.u32 s0, $0x3  }
0x13d: {  	s10 =	sadd.s32 $0x5F00, s28;
	s12 =	sand.u32 $0xFFFFFC00, s11;
	s0 =	sadd.s32 s3, s0  }
0x13e: {  	[tilespmem:s10], [sflag:$0x2] =	stream.linear.gather [hbm4b:s0+s2], $0x80, $0x38;
	[tilespmem:$0x9C00] =	vst v63  }
0x13f: {  	s1 =	sadd.s32 s13, s12;
	s0 =	sand.u32 $0x380, s11  }
0x140: {  	s0 =	sor.u32 s0, s1  }
0x141: {  	s0 =	sshrl.u32 s0, $0x3;
	s15 =	spop (v2sf);
	(v2sf) =	vpush v3, $0xA  }
0x142: {  	s14 =	sadd.s32 $0x5F80, s28;
	s0 =	sadd.s32 s3, s0  }
0x143: {  	[tilespmem:s14], [sflag:$0x2] =	stream.linear.gather [hbm4b:s0+s2], $0x80, $0x38;
	[tilespmem:$0x9C00] =	vst v63  }
0x144: {  	s17 =	spop (v2sf);
	(v2sf) =	vpush v2, $0xB  }
0x145: {  	s16 =	sand.u32 $0xFFFFFC00, s15;
	s19 =	spop (v2sf);
	(v2sf) =	vpush v3, $0xB  }
0x146: {  	s0 =	sand.u32 $0x380, s15;
	s1 =	sadd.s32 s17, s16  }
0x147: {  	s0 =	sor.u32 s0, s1  }
0x148: {  	s18 =	sadd.s32 $0x6000, s28;
	s23 =	spop (v2sf);
	(v2sf) =	vpush v2, $0xC;
	s0 =	sshrl.u32 s0, $0x3  }
0x149: {  	s20 =	sand.u32 $0xFFFFFC00, s19;
	s29 =	spop (v2sf);
	(v2sf) =	vpush v3, $0xC;
	s0 =	sadd.s32 s3, s0  }
0x14a: {  	[tilespmem:s18], [sflag:$0x2] =	stream.linear.gather [hbm4b:s0+s2], $0x80, $0x38;
	[tilespmem:$0x9C00] =	vst v63  }
0x14b: {  	s1 =	sadd.s32 s23, s20;
	s0 =	sand.u32 $0x380, s19  }
0x14c: {  	s0 =	sor.u32 s0, s1  }
0x14d: {  	s0 =	sshrl.u32 s0, $0x3  }
0x14e: {  	s24 =	sadd.s32 $0x6080, s28;
	s0 =	sadd.s32 s3, s0  }
0x14f: {  	(v2sf) =	vpush v2, $0xD;
	[tilespmem:s24], [sflag:$0x2] =	stream.linear.gather [hbm4b:s0+s2], $0x80, $0x38;
	[tilespmem:$0x9C00] =	vst v63  }
0x150: {  	s30 =	sand.u32 $0xFFFFFC00, s29;
	s31 =	spop (v2sf)  }
0x151: {  	s0 =	sand.u32 $0x380, s29;
	(v2sf) =	vpush v3, $0xD;
	s1 =	sadd.s32 s31, s30  }
0x152: {  	s0 =	sor.u32 s0, s1  }
0x153: {  	s5 =	sadd.s32 $0x6100, s28;
	s6 =	spop (v2sf);
	s0 =	sshrl.u32 s0, $0x3  }
0x154: {  	(v2sf) =	vpush v2, $0xE;
	s7 =	sand.u32 $0xFFFFFC00, s6;
	s8 =	spop (v2sf);
	s0 =	sadd.s32 s3, s0  }
0x155: {  	(v2sf) =	vpush v3, $0xE;
	[tilespmem:s5], [sflag:$0x2] =	stream.linear.gather [hbm4b:s0+s2], $0x80, $0x38;
	[tilespmem:$0x9C00] =	vst v63  }
0x156: {  	s1 =	sadd.s32 s8, s7;
	s0 =	sand.u32 $0x380, s6  }
0x157: {  	s10 =	spop (v2sf);
	s0 =	sor.u32 s0, s1  }
0x158: {  	s12 =	spop (v2sf);
	(v2sf) =	vpush v3, $0xF;
	s0 =	sshrl.u32 s0, $0x3  }
0x159: {  	s9 =	sadd.s32 $0x6180, s28;
	s11 =	sand.u32 $0xFFFFFC00, s10;
	(v2sf) =	vpush v2, $0xF;
	s0 =	sadd.s32 s3, s0  }
0x15a: {  	[tilespmem:s9], [sflag:$0x2] =	stream.linear.gather [hbm4b:s0+s2], $0x80, $0x38;
	[tilespmem:$0x9C00] =	vst v63  }
0x15b: {  	s1 =	sadd.s32 s12, s11;
	s0 =	sand.u32 $0x380, s10  }
0x15c: {  	s0 =	sor.u32 s0, s1  }
0x15d: {  	s0 =	sshrl.u32 s0, $0x3  }
0x15e: {  	s14 =	sadd.s32 $0x6200, s28;
	s13 =	spop (v2sf);
	s0 =	sadd.s32 s3, s0  }
0x15f: {  	[tilespmem:s14], [sflag:$0x2] =	stream.linear.gather [hbm4b:s0+s2], $0x80, $0x38;
	[tilespmem:$0x9C00] =	vst v63  }
0x160: {  	s16 =	sand.u32 $0xFFFFFC00, s13;
	s15 =	spop (v2sf)  }
0x161: {  	s1 =	sand.u32 $0x380, s13;
	s0 =	sadd.s32 s15, s16  }
0x162: {  	s0 =	sor.u32 s1, s0  }
0x163: {  	s18 =	sadd.s32 $0x6280, s28;
	s17 =	spop (v2sf);
	s0 =	sshrl.u32 s0, $0x3  }
0x164: {  	s19 =	spop (v2sf);
	s20 =	sand.u32 $0xFFFFFC00, s17;
	s0 =	sadd.s32 s3, s0  }
0x165: {  	[tilespmem:s18], [sflag:$0x2] =	stream.linear.gather [hbm4b:s0+s2], $0x80, $0x38;
	[tilespmem:$0x9C00] =	vst v63  }
0x166: {  	s1 =	sand.u32 $0x380, s17;
	s0 =	sadd.s32 s19, s20  }
0x167: {  	s23 =	spop (v2sf);
	s0 =	sor.u32 s1, s0  }
0x168: {  	p0 =	sne.s32 s26, $0xE000;
	s29 =	spop (v2sf);
	s0 =	sshrl.u32 s0, $0x3  }
0x169: {  	s24 =	sadd.s32 $0x6300, s28;
	s30 =	sand.u32 $0xFFFFFC00, s29;
	s0 =	sadd.s32 s3, s0  }
0x16a: {  	[tilespmem:s24], [sflag:$0x2] =	stream.linear.gather [hbm4b:s0+s2], $0x80, $0x38;
	[tilespmem:$0x9C00] =	vst v63  }
.Ltmp5:
0x16b: {  	s1 =	sadd.s32 s23, s30;
	s0 =	sand.u32 $0x380, s29;
	(pc) =	sbr.rel @p0 .LBB2_5-.Ltmp5, $4  }
0x16c: {  	s0 =	sor.u32 s0, s1  }
0x16d: {  	s25 =	sadd.s32 $0x10, s25;
	s0 =	sshrl.u32 s0, $0x3  }
0x16e: {  	s26 =	sadd.s32 $0x2000, s26;
	s31 =	sadd.s32 $0x6380, s28;
	s0 =	sadd.s32 s3, s0  }
0x16f: {  	[tilespmem:s31], [sflag:$0x2] =	stream.linear.gather [hbm4b:s0+s2], $0x80, $0x38;
	[tilespmem:$0x9C00] =	vst v63  }
0x170: {  	s1 =	simm.s32 $0x1  }
0x171: {  	p0 =	seq.s32 s21, $0x18;
	_ =	swait.ge [sflag:s1], $0x4000  }
.Ltmp6:
0x172: {  	s4 =	sshll.u32 s21, $0x8;
	s0 =	rddreg [dreg:$0x6];
	(pc) =	sbr.rel @p0 .LBB2_9-.Ltmp6, $4  }
0x173: {  	s30 =	simm.s32 $0x80;
	s31 =	simm.s32 $0x1C00;
	s0 =	sor.u32 s0, s4  }
0x174: {  	[sflag:s1] =	ssyncset.done $0x0;
	s29 =	rddreg [dreg:$0x3];
	s0 =	sshrl.u32 s0, $0x3  }
0x175: {  	[dreg:$0xb] =	wrdreg s4;
	[sflag:s1] =	ssyncadd.s32 $0xFFFFC000;
	s0 =	sadd.s32 s29, s0  }
0x176: {  	[hbm4b:s0+s30] =	stream.strided.scatter [tilespmem:s31], [sflag:$0x3], $0x4000, s31, s30, $0x38;
	[tilespmem:$0x9C00] =	vst v63  }
0x177: {  	s0 =	simm.s32 $0x3  }
0x178: {  	_ =	swait.ge [sflag:s0], $0x4000  }
0x179: {  	[sflag:s0] =	ssyncset.done $0x0  }
0x17a: {  	s26 =	simm.s32 $0x0;
	s28 =	rddreg [dreg:$0x9];
	[sflag:s0] =	ssyncadd.s32 $0xFFFFC000  }
.LBB2_8:
0x17b: {  	v2 =	vld [tilespmem:s28+$0x0];
	_ =	sdelay $0x4  }
0x17c: {  	(v2sf) =	vpush v2, $0xD;
	_ =	sdelay $0x1  }
0x17d: {  	(v2sf) =	vpush v2, $0xC;
	_ =	sdelay $0x1  }
0x17e: {  	(v2sf) =	vpush v2, $0xE;
	_ =	sdelay $0x1  }
0x17f: {  	(v2sf) =	vpush v2, $0xF;
	_ =	sdelay $0x1  }
0x180: {  	(v2sf) =	vpush v2, $0x9  }
0x181: {  	(v2sf) =	vpush v2, $0x8;
	_ =	sdelay $0x2  }
0x182: {  	(v2sf) =	vpush v2, $0xA;
	_ =	sdelay $0x1  }
0x183: {  	(v2sf) =	vpush v2, $0xB  }
0x184: {  	s0 =	spop (v2sf)  }
0x185: {  	(v2sf) =	vpush v2, $0x0;
	s1 =	smulhi.u32 $0x431BDE83, s0;
	s0 =	sshra.s32 s0, $0x1F  }
0x186: {  	s4 =	spop (v2sf);
	s0 =	smul.u32 $0x431BDE83, s0  }
0x187: {  	(v2sf) =	vpush v2, $0x1;
	s5 =	smulhi.u32 $0x431BDE83, s4;
	s4 =	sshra.s32 s4, $0x1F  }
0x188: {  	(v2sf) =	vpush v2, $0x2;
	s6 =	spop (v2sf);
	s4 =	smul.u32 $0x431BDE83, s4  }
0x189: {  	(v2sf) =	vpush v2, $0x3;
	s7 =	smulhi.u32 $0x431BDE83, s6;
	s6 =	sshra.s32 s6, $0x1F  }
0x18a: {  	(v2sf) =	vpush v2, $0x4;
	s8 =	spop (v2sf);
	s6 =	smul.u32 $0x431BDE83, s6  }
0x18b: {  	(v2sf) =	vpush v2, $0x5;
	s9 =	smulhi.u32 $0x431BDE83, s8;
	s8 =	sshra.s32 s8, $0x1F  }
0x18c: {  	s10 =	spop (v2sf);
	(v2sf) =	vpush v2, $0x6;
	s8 =	smul.u32 $0x431BDE83, s8  }
0x18d: {  	s11 =	spop (v2sf);
	s12 =	smulhi.u32 $0x431BDE83, s10;
	s10 =	sshra.s32 s10, $0x1F;
	(v2sf) =	vpush v2, $0x7  }
0x18e: {  	s10 =	smul.u32 $0x431BDE83, s10  }
0x18f: {  	s31 =	sadd.s32 s0, s1;
	s16 =	smulhi.u32 $0x431BDE83, s11;
	s11 =	sshra.s32 s11, $0x1F  }
0x190: {  	s0 =	sadd.s32 s4, s5;
	s13 =	spop (v2sf);
	s11 =	smul.u32 $0x431BDE83, s11  }
0x191: {  	s29 =	sadd.s32 s6, s7;
	s18 =	smulhi.u32 $0x431BDE83, s13;
	s30 =	sshra.s32 s13, $0x1F  }
0x192: {  	s7 =	sshrl.u32 s0, $0x1F;
	s14 =	spop (v2sf);
	s4 =	smul.u32 $0x431BDE83, s30  }
0x193: {  	s0 =	sshra.s32 s0, $0x10;
	s5 =	smulhi.u32 $0x431BDE83, s14;
	s19 =	sshra.s32 s14, $0x1F  }
0x194: {  	s13 =	sshrl.u32 s31, $0x1F;
	s15 =	spop (v2sf);
	s19 =	smul.u32 $0x431BDE83, s19  }
0x195: {  	s30 =	sadd.s32 s8, s9;
	s8 =	smulhi.u32 $0x431BDE83, s15;
	s20 =	sshra.s32 s15, $0x1F  }
0x196: {  	s1 =	sadd.s32 s10, s12;
	s17 =	spop (v2sf);
	s12 =	smul.u32 $0x431BDE83, s20  }
0x197: {  	s20 =	smulhi.u32 $0x431BDE83, s17;
	s23 =	sshra.s32 s17, $0x1F;
	s24 =	spop (v2sf)  }
0x198: {  	s6 =	sadd.s32 s11, s16;
	s11 =	smul.u32 $0x431BDE83, s23;
	s25 =	spop (v2sf)  }
0x199: {  	s17 =	smulhi.u32 $0x431BDE83, s24;
	s10 =	sshra.s32 s24, $0x1F;
	s23 =	spop (v2sf)  }
0x19a: {  	s9 =	sadd.s32 s4, s18;
	s4 =	smul.u32 $0x431BDE83, s10;
	s18 =	spop (v2sf)  }
0x19b: {  	s24 =	smulhi.u32 $0x431BDE83, s25;
	s16 =	sshra.s32 s25, $0x1F;
	s25 =	spop (v2sf)  }
0x19c: {  	s10 =	sadd.s32 s19, s5;
	s5 =	smul.u32 $0x431BDE83, s16;
	s19 =	spop (v2sf)  }
0x19d: {  	s8 =	sadd.s32 s12, s8;
	s12 =	smulhi.u32 $0x431BDE83, s19;
	s16 =	sshra.s32 s19, $0x1F  }
0x19e: {  	s14 =	sshrl.u32 s29, $0x1F;
	s20 =	sadd.s32 s11, s20;
	s11 =	smul.u32 $0x431BDE83, s16  }
0x19f: {  	v4 =	vmov s7;
	s7 =	sshrl.u32 s8, $0x1F;
	s4 =	sadd.s32 s4, s17;
	s17 =	sshra.s32 s23, $0x1F  }
0x1a0: {  	v4 =	vsel vm0, s13, v4;
	v5 =	vmov s7;
	s7 =	smulhi.u32 $0x431BDE83, s18;
	s13 =	sshra.s32 s18, $0x1F;
	s11 =	sadd.s32 s11, s12  }
0x1a1: {  	s17 =	smul.u32 $0x431BDE83, s17;
	s5 =	sadd.s32 s5, s24;
	s24 =	sshra.s32 s11, $0x1F  }
0x1a2: {  	s15 =	sshrl.u32 s30, $0x1F;
	v4 =	vsel vm1, s14, v4;
	s13 =	smul.u32 $0x431BDE83, s13;
	v3 =	vmov s24;
	s24 =	sshra.s32 s8, $0x10  }
0x1a3: {  	v4 =	vsel vm2, s15, v4;
	s18 =	sshra.s32 s20, $0x10;
	s15 =	smulhi.u32 $0x431BDE83, s25;
	s8 =	sshra.s32 s8, $0x1F;
	v3 =	vsel vm3, s24, v3  }
0x1a4: {  	s19 =	sshrl.u32 s1, $0x1F;
	s14 =	sshrl.u32 s5, $0x1F;
	s16 =	smulhi.u32 $0x431BDE83, s23;
	v3 =	vsel vm9, s8, v3  }
0x1a5: {  	v5 =	vnsel vm3, $0x0, v5;
	s23 =	sshrl.u32 s6, $0x1F;
	s24 =	sshrl.u32 s20, $0x1F;
	s20 =	sshra.s32 s20, $0x1F;
	v3 =	vsel vm0, s18, v3  }
0x1a6: {  	v6 =	vmov s23;
	s12 =	sshrl.u32 s9, $0x1F;
	v5 =	vsel vm0, s24, v5;
	s24 =	sshra.s32 s25, $0x1F;
	s25 =	sshra.s32 s4, $0x10;
	v3 =	vsel vm10, s20, v3  }
0x1a7: {  	s16 =	sadd.s32 s17, s16;
	v6 =	vsel vm0, s19, v6;
	s18 =	sshrl.u32 s4, $0x1F;
	s4 =	sshra.s32 s4, $0x1F;
	v3 =	vsel vm1, s25, v3  }
0x1a8: {  	v63 =	vmov s0;
	s17 =	sshrl.u32 s10, $0x1F;
	v6 =	vsel vm1, s12, v6;
	s20 =	smul.u32 $0x431BDE83, s24;
	s24 =	sshra.s32 s5, $0x10;
	v3 =	vsel vm11, s4, v3  }
0x1a9: {  	s7 =	sadd.s32 s13, s7;
	s23 =	sshrl.u32 s16, $0x1F;
	v6 =	vsel vm2, s17, v6;
	v5 =	vsel vm1, s18, v5;
	s5 =	sshra.s32 s5, $0x1F;
	v3 =	vsel vm2, s24, v3  }
0x1aa: {  	s17 =	sshra.s32 s31, $0x10;
	v4 =	vcombine.low v6, v4;
	v5 =	vsel vm2, s14, v5;
	s25 =	sshrl.u32 s7, $0x1F;
	s14 =	sshra.s32 s16, $0x10;
	v3 =	vsel vm12, s5, v3  }
0x1ab: {  	v6 =	vsel vm0, s17, v63;
	s16 =	sshra.s32 s16, $0x1F;
	v5 =	vsel vm4, s23, v5;
	s12 =	sadd.s32 s20, s15;
	s15 =	sshra.s32 s6, $0x10;
	v3 =	vsel vm4, s14, v3  }
0x1ac: {  	s19 =	sshra.s32 s7, $0x10;
	s18 =	sshra.s32 s1, $0x10;
	s20 =	sshra.s32 s29, $0x10;
	v5 =	vsel vm5, s25, v5;
	v7 =	vmov s15;
	v3 =	vsel vm13, s16, v3  }
0x1ad: {  	s23 =	sshra.s32 s9, $0x10;
	s13 =	sshrl.u32 s12, $0x1F;
	s24 =	sshra.s32 s7, $0x1F;
	v6 =	vsel vm1, s20, v6;
	v7 =	vsel vm0, s18, v7;
	v3 =	vsel vm5, s19, v3  }
0x1ae: {  	s29 =	sshra.s32 s10, $0x10;
	s25 =	sshra.s32 s30, $0x10;
	s30 =	sshra.s32 s12, $0x10;
	v5 =	vsel vm6, s13, v5;
	v7 =	vsel vm1, s23, v7;
	v3 =	vsel vm14, s24, v3  }
0x1af: {  	s31 =	sshrl.u32 s11, $0x1F;
	s1 =	sshra.s32 s12, $0x1F;
	v6 =	vsel vm2, s25, v6;
	v7 =	vsel vm2, s29, v7;
	v3 =	vsel vm6, s30, v3  }
0x1b0: {  	s4 =	sshra.s32 s11, $0x10;
	v5 =	vsel vm7, s31, v5;
	v6 =	vcombine.low v7, v6;
	v3 =	vsel vm15, s1, v3  }
0x1b1: {  	v4 =	vperm.xlane v4, v0;
	v5 =	vperm.xlane v5, v1;
	v3 =	vsel vm7, s4, v3  }
0x1b2: {  	v6 =	vperm.xlane v6, v0;
	v3 =	vperm.xlane v3, v1;
	_ =	sdelay $0x1  }
0x1b3: {  	v4 =	vsel vm8, v5, v4;
	v3 =	vsel vm8, v3, v6  }
0x1b4: {  	v3 =	vadd.s32 v4, v3  }
0x1b5: {  	v4 =	vmul.u32 $0xFFFC2F70, v3;
	_ =	sdelay $0x1  }
0x1b6: {  	v2 =	vadd.s32 v2, v4  }
0x1b7: {  	v3 =	vmul.u32 $0x1E84800, v3;
	v2 =	vshll.u32 v2, $0x7  }
0x1b8: {  	(v2sf) =	vpush v2, $0x0  }
0x1b9: {  	(v2sf) =	vpush v3, $0x0;
	_ =	sdelay $0x2  }
0x1ba: {  	(v2sf) =	vpush v2, $0x1  }
0x1bb: {  	(v2sf) =	vpush v3, $0x1;
	_ =	sdelay $0x1  }
0x1bc: {  	(v2sf) =	vpush v2, $0x2;
	_ =	sdelay $0x1  }
0x1bd: {  	(v2sf) =	vpush v3, $0x2;
	_ =	sdelay $0x5  }
0x1be: {  	s5 =	spop (v2sf)  }
0x1bf: {  	s7 =	spop (v2sf);
	(v2sf) =	vpush v2, $0x3;
	_ =	sdelay $0x2  }
0x1c0: {  	s9 =	spop (v2sf);
	(v2sf) =	vpush v3, $0x3  }
0x1c1: {  	s6 =	sand.u32 $0xFFFFFC00, s5;
	s11 =	spop (v2sf);
	(v2sf) =	vpush v2, $0x4  }
0x1c2: {  	s0 =	sand.u32 $0x380, s5;
	s1 =	sadd.s32 s7, s6  }
0x1c3: {  	s29 =	sshra.s32 s26, $0x2;
	s0 =	sor.u32 s0, s1;
	s13 =	spop (v2sf);
	(v2sf) =	vpush v3, $0x4  }
0x1c4: {  	s8 =	sadd.s32 $0x1C00, s29;
	s0 =	sshrl.u32 s0, $0x3  }
0x1c5: {  	s10 =	sand.u32 $0xFFFFFC00, s9;
	s0 =	sadd.s32 s3, s0;
	s15 =	spop (v2sf);
	(v2sf) =	vpush v2, $0x5  }
0x1c6: {  	[tilespmem:s8], [sflag:$0x1] =	stream.linear.gather [hbm4b:s0+s2], $0x80, $0x38;
	[tilespmem:$0x9C00] =	vst v63  }
0x1c7: {  	s1 =	sadd.s32 s11, s10;
	s0 =	sand.u32 $0x380, s9  }
0x1c8: {  	s0 =	sor.u32 s0, s1  }
0x1c9: {  	s0 =	sshrl.u32 s0, $0x3  }
0x1ca: {  	s12 =	sadd.s32 $0x1C80, s29;
	s0 =	sadd.s32 s3, s0  }
0x1cb: {  	[tilespmem:s12], [sflag:$0x1] =	stream.linear.gather [hbm4b:s0+s2], $0x80, $0x38;
	[tilespmem:$0x9C00] =	vst v63  }
0x1cc: {  	s14 =	sand.u32 $0xFFFFFC00, s13;
	s17 =	spop (v2sf);
	(v2sf) =	vpush v3, $0x5  }
0x1cd: {  	s1 =	sadd.s32 s15, s14;
	s0 =	sand.u32 $0x380, s13  }
0x1ce: {  	s0 =	sor.u32 s0, s1  }
0x1cf: {  	s0 =	sshrl.u32 s0, $0x3;
	s19 =	spop (v2sf);
	(v2sf) =	vpush v2, $0x6  }
0x1d0: {  	s16 =	sadd.s32 $0x1D00, s29;
	s0 =	sadd.s32 s3, s0;
	s23 =	spop (v2sf);
	(v2sf) =	vpush v3, $0x6  }
0x1d1: {  	[tilespmem:s16], [sflag:$0x1] =	stream.linear.gather [hbm4b:s0+s2], $0x80, $0x38;
	[tilespmem:$0x9C00] =	vst v63  }
0x1d2: {  	s25 =	spop (v2sf);
	(v2sf) =	vpush v2, $0x7  }
0x1d3: {  	s18 =	sand.u32 $0xFFFFFC00, s17  }
0x1d4: {  	s0 =	sand.u32 $0x380, s17;
	s1 =	sadd.s32 s19, s18;
	s31 =	spop (v2sf);
	(v2sf) =	vpush v3, $0x7  }
0x1d5: {  	s0 =	sor.u32 s0, s1  }
0x1d6: {  	s0 =	sshrl.u32 s0, $0x3  }
0x1d7: {  	s20 =	sadd.s32 $0x1D80, s29;
	s24 =	sand.u32 $0xFFFFFC00, s23;
	s0 =	sadd.s32 s3, s0  }
0x1d8: {  	[tilespmem:s20], [sflag:$0x1] =	stream.linear.gather [hbm4b:s0+s2], $0x80, $0x38;
	[tilespmem:$0x9C00] =	vst v63  }
0x1d9: {  	s1 =	sadd.s32 s25, s24;
	s0 =	sand.u32 $0x380, s23  }
0x1da: {  	s0 =	sor.u32 s0, s1  }
0x1db: {  	s0 =	sshrl.u32 s0, $0x3;
	s5 =	spop (v2sf);
	(v2sf) =	vpush v2, $0x8  }
0x1dc: {  	s30 =	sadd.s32 $0x1E00, s29;
	s4 =	sand.u32 $0xFFFFFC00, s31;
	s0 =	sadd.s32 s3, s0  }
0x1dd: {  	[tilespmem:s30], [sflag:$0x1] =	stream.linear.gather [hbm4b:s0+s2], $0x80, $0x38;
	[tilespmem:$0x9C00] =	vst v63  }
0x1de: {  	s0 =	sand.u32 $0x380, s31;
	s1 =	sadd.s32 s5, s4;
	s7 =	spop (v2sf);
	(v2sf) =	vpush v3, $0x8  }
0x1df: {  	s0 =	sor.u32 s0, s1;
	s9 =	spop (v2sf);
	(v2sf) =	vpush v2, $0x9  }
0x1e0: {  	s6 =	sadd.s32 $0x1E80, s29;
	s0 =	sshrl.u32 s0, $0x3  }
0x1e1: {  	s8 =	sand.u32 $0xFFFFFC00, s7;
	s11 =	spop (v2sf);
	s0 =	sadd.s32 s3, s0  }
0x1e2: {  	(v2sf) =	vpush v3, $0x9;
	[tilespmem:s6], [sflag:$0x1] =	stream.linear.gather [hbm4b:s0+s2], $0x80, $0x38;
	[tilespmem:$0x9C00] =	vst v63  }
0x1e3: {  	s1 =	sadd.s32 s9, s8;
	s13 =	spop (v2sf);
	(v2sf) =	vpush v2, $0xA;
	s0 =	sand.u32 $0x380, s7  }
0x1e4: {  	s0 =	sor.u32 s0, s1  }
0x1e5: {  	s0 =	sshrl.u32 s0, $0x3  }
0x1e6: {  	s10 =	sadd.s32 $0x1F00, s29;
	s12 =	sand.u32 $0xFFFFFC00, s11;
	s0 =	sadd.s32 s3, s0  }
0x1e7: {  	[tilespmem:s10], [sflag:$0x1] =	stream.linear.gather [hbm4b:s0+s2], $0x80, $0x38;
	[tilespmem:$0x9C00] =	vst v63  }
0x1e8: {  	s1 =	sadd.s32 s13, s12;
	s0 =	sand.u32 $0x380, s11  }
0x1e9: {  	s0 =	sor.u32 s0, s1  }
0x1ea: {  	s0 =	sshrl.u32 s0, $0x3;
	s15 =	spop (v2sf);
	(v2sf) =	vpush v3, $0xA  }
0x1eb: {  	s14 =	sadd.s32 $0x1F80, s29;
	s0 =	sadd.s32 s3, s0  }
0x1ec: {  	[tilespmem:s14], [sflag:$0x1] =	stream.linear.gather [hbm4b:s0+s2], $0x80, $0x38;
	[tilespmem:$0x9C00] =	vst v63  }
0x1ed: {  	s17 =	spop (v2sf);
	(v2sf) =	vpush v2, $0xB  }
0x1ee: {  	s16 =	sand.u32 $0xFFFFFC00, s15;
	s19 =	spop (v2sf);
	(v2sf) =	vpush v3, $0xB  }
0x1ef: {  	s0 =	sand.u32 $0x380, s15;
	s1 =	sadd.s32 s17, s16  }
0x1f0: {  	s0 =	sor.u32 s0, s1  }
0x1f1: {  	s18 =	sadd.s32 $0x2000, s29;
	s23 =	spop (v2sf);
	(v2sf) =	vpush v2, $0xC;
	s0 =	sshrl.u32 s0, $0x3  }
0x1f2: {  	s20 =	sand.u32 $0xFFFFFC00, s19;
	s25 =	spop (v2sf);
	(v2sf) =	vpush v3, $0xC;
	s0 =	sadd.s32 s3, s0  }
0x1f3: {  	[tilespmem:s18], [sflag:$0x1] =	stream.linear.gather [hbm4b:s0+s2], $0x80, $0x38;
	[tilespmem:$0x9C00] =	vst v63  }
0x1f4: {  	s1 =	sadd.s32 s23, s20;
	s0 =	sand.u32 $0x380, s19  }
0x1f5: {  	s0 =	sor.u32 s0, s1  }
0x1f6: {  	s0 =	sshrl.u32 s0, $0x3  }
0x1f7: {  	s24 =	sadd.s32 $0x2080, s29;
	s0 =	sadd.s32 s3, s0  }
0x1f8: {  	(v2sf) =	vpush v2, $0xD;
	[tilespmem:s24], [sflag:$0x1] =	stream.linear.gather [hbm4b:s0+s2], $0x80, $0x38;
	[tilespmem:$0x9C00] =	vst v63  }
0x1f9: {  	s30 =	sand.u32 $0xFFFFFC00, s25;
	s31 =	spop (v2sf)  }
0x1fa: {  	s0 =	sand.u32 $0x380, s25;
	(v2sf) =	vpush v3, $0xD;
	s1 =	sadd.s32 s31, s30  }
0x1fb: {  	s0 =	sor.u32 s0, s1  }
0x1fc: {  	s5 =	sadd.s32 $0x2100, s29;
	s6 =	spop (v2sf);
	s0 =	sshrl.u32 s0, $0x3  }
0x1fd: {  	(v2sf) =	vpush v2, $0xE;
	s7 =	sand.u32 $0xFFFFFC00, s6;
	s8 =	spop (v2sf);
	s0 =	sadd.s32 s3, s0  }
0x1fe: {  	(v2sf) =	vpush v3, $0xE;
	[tilespmem:s5], [sflag:$0x1] =	stream.linear.gather [hbm4b:s0+s2], $0x80, $0x38;
	[tilespmem:$0x9C00] =	vst v63  }
0x1ff: {  	s1 =	sadd.s32 s8, s7;
	s0 =	sand.u32 $0x380, s6  }
0x200: {  	s10 =	spop (v2sf);
	s0 =	sor.u32 s0, s1  }
0x201: {  	s12 =	spop (v2sf);
	(v2sf) =	vpush v3, $0xF;
	s0 =	sshrl.u32 s0, $0x3  }
0x202: {  	s9 =	sadd.s32 $0x2180, s29;
	s11 =	sand.u32 $0xFFFFFC00, s10;
	(v2sf) =	vpush v2, $0xF;
	s0 =	sadd.s32 s3, s0  }
0x203: {  	[tilespmem:s9], [sflag:$0x1] =	stream.linear.gather [hbm4b:s0+s2], $0x80, $0x38;
	[tilespmem:$0x9C00] =	vst v63  }
0x204: {  	s1 =	sadd.s32 s12, s11;
	s0 =	sand.u32 $0x380, s10  }
0x205: {  	s0 =	sor.u32 s0, s1  }
0x206: {  	s0 =	sshrl.u32 s0, $0x3  }
0x207: {  	s14 =	sadd.s32 $0x2200, s29;
	s13 =	spop (v2sf);
	s0 =	sadd.s32 s3, s0  }
0x208: {  	[tilespmem:s14], [sflag:$0x1] =	stream.linear.gather [hbm4b:s0+s2], $0x80, $0x38;
	[tilespmem:$0x9C00] =	vst v63  }
0x209: {  	s16 =	sand.u32 $0xFFFFFC00, s13;
	s15 =	spop (v2sf)  }
0x20a: {  	s1 =	sand.u32 $0x380, s13;
	s0 =	sadd.s32 s15, s16  }
0x20b: {  	s0 =	sor.u32 s1, s0  }
0x20c: {  	s18 =	sadd.s32 $0x2280, s29;
	s17 =	spop (v2sf);
	s0 =	sshrl.u32 s0, $0x3  }
0x20d: {  	s19 =	spop (v2sf);
	s20 =	sand.u32 $0xFFFFFC00, s17;
	s0 =	sadd.s32 s3, s0  }
0x20e: {  	[tilespmem:s18], [sflag:$0x1] =	stream.linear.gather [hbm4b:s0+s2], $0x80, $0x38;
	[tilespmem:$0x9C00] =	vst v63  }
0x20f: {  	s1 =	sand.u32 $0x380, s17;
	s0 =	sadd.s32 s19, s20  }
0x210: {  	s23 =	spop (v2sf);
	s0 =	sor.u32 s1, s0  }
0x211: {  	p0 =	sne.s32 s26, $0xE000;
	s25 =	spop (v2sf);
	s0 =	sshrl.u32 s0, $0x3  }
0x212: {  	s24 =	sadd.s32 $0x2300, s29;
	s30 =	sand.u32 $0xFFFFFC00, s25;
	s0 =	sadd.s32 s3, s0  }
0x213: {  	[tilespmem:s24], [sflag:$0x1] =	stream.linear.gather [hbm4b:s0+s2], $0x80, $0x38;
	[tilespmem:$0x9C00] =	vst v63  }
.Ltmp7:
0x214: {  	s1 =	sadd.s32 s23, s30;
	s0 =	sand.u32 $0x380, s25;
	(pc) =	sbr.rel @p0 .LBB2_8-.Ltmp7, $4  }
0x215: {  	s0 =	sor.u32 s0, s1  }
0x216: {  	s28 =	sadd.s32 $0x10, s28;
	s0 =	sshrl.u32 s0, $0x3  }
0x217: {  	s26 =	sadd.s32 $0x2000, s26;
	s31 =	sadd.s32 $0x2380, s29;
	s0 =	sadd.s32 s3, s0  }
0x218: {  	[tilespmem:s31], [sflag:$0x1] =	stream.linear.gather [hbm4b:s0+s2], $0x80, $0x38;
	[tilespmem:$0x9C00] =	vst v63  }
.Ltmp8:
0x219: {  	_ = 	snop;
	(pc) =	sbr.rel .LBB2_9-.Ltmp8, $1  }
0x21a: {  	_ =	sdelay $0x3  }
.LBB2_11:
0x21b: {  	_ =	sfence.sel $0x180000  }
0x21c: {  	[bflag:$0x0] =	sbarrier.arrive $0xFFFF  }
0x21d: {  	_ =	strace $0x90000047  }
0x21e: {  	s0 =	stileid.u32;
	[bflag:$0x2] =	sbarrier.arrive $0xFFFF  }
0x21f: {  	p0 =	sne.s32 s0, $0x0;
	s0 =	rddreg [dreg:$0x2]  }
0x220: {  	s0 =	sadd.s32 @!p0 $0x100000, s0  }
0x221: {  	[sflag:s0] =	ssyncadd.tile.s32 @!p0 $0x1;
	_ =	shalt  }
.Lfunc_end2:
_tile_overlayer_lowered:
.L_overlay_start_2:
0x222: {  	(tag) =	ssettag $0x2  }
0x223: {  	s0 =	rddreg [dreg:$0x0];
	s2 =	stileid.u32  }
0x224: {  	s1 =	rddreg [dreg:$0x1];
	p0 =	sne.s32 s2, $0x0  }
0x225: {  	s3 =	rddreg [dreg:$0x2];
	[bflag:$0x3] =	sbarrier.arrive $0xFFFF;
	s2 =	simm.s32 @!p0 $0x1C05  }
0x226: {  	[timem:s3], [sflag:s2] =	dma.local @!p0 [hbm:s0], s1  }
0x227: {  	s0 =	simm.s32 @!p0 $0x5  }
0x228: {  	_ =	swait.ge @!p0 [sflag:s0], s1  }
0x229: {  	s1 =	ssub.s32 @!p0 $0x0, s1;
	[sflag:s0] =	ssyncset.done @!p0 $0x0  }
0x22a: {  	[sflag:s0] =	ssyncadd.s32 @!p0 s1  }
0x22b: {  	[bflag:$0x3] =	sbarrier.arrive $0xFFFF  }
0x22c: {  	_ =	shalt  }

// kernel: sparse-core-data-format-call.cloned.1.call-start
scs
called_computation_lowered:
.L_overlay_start_0:
0x0: {  	s2 =	sld [smem:$0x3FD9]  }
0x1: {  	s3 =	sld [smem:$0x3FFE];
	_ =	sdelay $0x1  }
0x2: {  	s1 =	srdreg.scid  }
0x3: {  	s0 =	sand.u32 $0x1, s1  }
0x4: {  	s18 =	sshll.u32 s0, $0xA;
	s2 =	sadd.s32 s3, s2  }
0x5: {  	s2 =	sadd.s32 s2, s18  }
0x6: {  	[smem:$0x3FC6] =	sst s2  }
0x7: {  	_ = 	snop  }
0x8: {  	s2 =	sld [smem:$0x3FD0];
	(tm) =	ssettm $0x1  }
0x9: {  	s19 =	sld [smem:$0x3FFB];
	_ =	sdelay $0x3  }
0xa: {  	_ =	strace s19  }
0xb: {  	s3 =	sld [smem:$0x3FFC];
	_ =	sdelay $0x3  }
0xc: {  	_ =	strace s3  }
0xd: {  	s3 =	sld [smem:$0x3FFD];
	_ =	sdelay $0x3  }
0xe: {  	_ =	strace s3  }
0xf: {  	_ =	strace $0x8FFFFFFF  }
0x10: {  	s20 =	sld [smem:$0x3FDB];
	_ =	sdelay $0x1  }
0x11: {  	s4 =	simm.s32 $_scs_section_size  }
0x12: {  	s5 =	simm.s32 $_size__tile_overlayer_lowered;
	s6 =	simm.s32 $_tile_overlayer_lowered  }
0x13: {  	s23 =	simm.s32 $0x1BFF;
	s22 =	sshll.u32 s6, $0x1;
	s3 =	sadd.s32 s4, s20  }
0x14: {  	s7 =	simm.s32 $0x0;
	s21 =	sshll.u32 s5, $0x1;
	s5 =	sadd.s32 s22, s3  }
0x15: {  	[timem:s7], [sflag:s23] =	dma.local [hbm:s5], s21  }
0x16: {  	_ =	swait.ge [sflag:s23], s21  }
0x17: {  	s4 =	ssub.s32 $0x0, s21;
	[sflag:s23] =	ssyncset.done $0x0  }
0x18: {  	[sflag:s23] =	ssyncadd.s32 s4;
	_ =	sdelay $0x1  }
0x19: {  	s24 =	simm.s32 $0x1B8B  }
0x1a: {  	_ =	swait.ge [sflag:s24], $0x1  }
0x1b: {  	[sflag:s24] =	ssyncset.done $0x0  }
0x1c: {  	s26 =	simm.s32 $0x1B8E;
	s25 =	sld [smem:$0x3FFE];
	[sflag:s24] =	ssyncadd.s32 $0xFFFFFFFF  }
0x1d: {  	s27 =	simm.s32 $execute0_lowered;
	[smem:$0x3FD2] =	sst s26  }
0x1e: {  	s5 =	sshll.u32 s27, $0x1;
	_ =	strace $0x80000049;
	[dreg:$0x1] =	wrdreg $0xFFFFFFFF  }
0x1f: {  	s28 =	simm.s32 $_size_execute0_lowered;
	s3 =	sadd.s32 s3, s5;
	[dreg:$0x0] =	wrdreg $0x0  }
0x20: {  	s5 =	sshll.u32 s28, $0x1;
	[dreg:$0x2] =	wrdreg s3  }
0x21: {  	[dreg:$0x3] =	wrdreg s5  }
0x22: {  	[dreg:$0x4] =	wrdreg $0xC0  }
0x23: {  	_ =	task [dreg:s7], $0x5FFFF  }
0x24: {  	[dreg:$0x1] =	wrdreg $0xFFFFFFFF  }
0x25: {  	[dreg:$0x0] =	wrdreg $0x60  }
0x26: {  	[dreg:$0x2] =	wrdreg s25  }
0x27: {  	[dreg:$0x3] =	wrdreg s2  }
0x28: {  	[dreg:$0x4] =	wrdreg $0x9  }
0x29: {  	_ =	task.clear_ibuf [dreg:s7], $0x5FFFF;
	_ =	strace $0x90000049  }
0x2a: {  	s29 =	simm.s32 $0x9;
	_ =	strace $0x8000004B  }
0x2b: {  	_ =	swait.ge [sflag:s29], $0x1  }
0x2c: {  	[sflag:s29] =	ssyncadd.s32 $0xFFFFFFFF  }
0x2d: {  	_ =	strace $0x9000004B  }
0x2e: {  	_ =	sfence  }
0x2f: {  	s30 =	sld [smem:$0x0];
	_ =	sdelay $0x2  }
0x30: {  	s31 =	sshll.u32 s1, $0xD;
	s1 =	sshrl.u32 s1, $0x2  }
0x31: {  	s3 =	sand.u32 $0x4000, s31;
	s1 =	sadd.s32 s1, s30  }
0x32: {  	s0 =	sor.u32 s3, s0;
	s1 =	sshll.u32 s1, $0x11  }
0x33: {  	s0 =	sor.u32 s1, s0  }
0x34: {  	s0 =	sadd.s32 $0x8F2B, s0  }
0x35: {  	[sflag:s0] =	ssyncadd.remote.s32 $0x1  }
0x36: {  	_ =	sfence.sel $0xFFFF  }
0x37: {  	[dreg:$0x0] =	wrdreg $0xFFFFFFFF;
	(pc) =	sbr.abs _section_cstart, $3  }
0x38: {  	[dreg:$0x1] =	wrdreg $0xFFFFFFFF  }
0x39: {  	_ =	task.clear_ibuf [dreg:s7], $0x2FFFF;
	_ =	strace $0x9FFFFFFF  }
0x3a: {  	(tm) =	ssettm $0x7FFFFFFF  }
0x3b: {  	_ =	shalt  }
tec
execute0_lowered:
.L_overlay_start_1:
0x0: {  	(tag) =	ssettag $0x1  }
0x1: {  	s0 =	srdreg.scid  }
0x2: {  	s1 =	sshll.u32 s0, $0x4  }
0x3: {  	s0 =	stileid.u32;
	s1 =	sand.u32 $0x10, s1  }
0x4: {  	s1 =	sor.u32 s0, s1  }
0x5: {  	s6 =	rddreg [dreg:$0x0];
	s4 =	simm.s32 $0x1;
	s2 =	sshll.u32 s1, $0x7  }
0x6: {  	s7 =	simm.s32 $0x2;
	s12 =	simm.s32 $0x0;
	s1 =	ssub.s32 $0x1000, s2  }
0x7: {  	s8 =	simm.s32 $0x8000;
	s13 =	simm.s32 $0x0;
	s3 =	sand.u32 $0xF80, s1  }
0x8: {  	s9 =	simm.s32 $0x0;
	s5 =	sshrl.u32 s1, $0xC;
	p0 =	sne.s32 s3, $0x0  }
.Ltmp0:
0x9: {  	s1 =	rddreg [dreg:$0x2];
	s4 =	simm.s32 @!p0 $0x0;
	(pc) =	sbr.rel .LBB1_1-.Ltmp0, $4  }
0xa: {  	s11 =	simm.s32 $0x0;
	s3 =	rddreg [dreg:$0x1];
	s5 =	sadd.s32 s4, s5  }
0xb: {  	_ =	strace $0x8000004A;
	s4 =	simm.s32 $0x1;
	s5 =	smul.u32 $0x32, s5  }
0xc: {  	s6 =	sadd.s32 $0xF42C00, s6;
	s10 =	smov.u32 s2;
	[sflag:s4] =	ssyncpa.u1 $0x0  }
0xd: {  	p0 =	por $0x0, $0x0;
	[sflag:s7] =	ssyncpa.u1 $0x0;
	s7 =	sor.u32 $0x1, s5  }
.LBB1_4:
0xe: {  	s16 =	sshll.u32 s13, $0x3;
	s17 =	sand.u32 $0x78, s13  }
0xf: {  	s30 =	sand.u32 $0x7E00, s13;
	s12 =	sshll.u32 s12, $0xF;
	s16 =	sand.u32 $0xC00, s16  }
0x10: {  	[tilespmem:s15+$0x810 ss:$0x81] =	vst.msk $0xffff, v2;
	s31 =	sand.u32 $0x7, s13;
	s16 =	sor.u32 s17, s16;
	s17 =	sadd.s32 s3, s30  }
0x11: {  	[tilespmem:s15+$0x1020 ss:$0x81] =	vst.msk $0xffff, v0;
	s13 =	sshll.u32 s31, $0x12;
	s12 =	sadd.s32 s12, s17;
	s16 =	sshrl.u32 s16, $0x3  }
0x12: {  	[tilespmem:s15+$0x0 ss:$0x81] =	vst.msk $0xffff, v1;
	s13 =	sor.u32 $0x400, s13;
	s12 =	sadd.s32 s16, s12  }
0x13: {  	[hbm4b:s12+s13] =	stream.strided.scatter [tilespmem:s14], [sflag:$0x2], $0x2000, s8, s13, $0x20;
	[tilespmem:$0x8080] =	vst v63  }
.LBB1_5:
0x14: {  	s14 =	sadd.s32 $0x1, s9  }
0x15: {  	s12 =	sadd.s32 $0x1000, s10;
	s16 =	smov.u32 s10;
	p2 =	sgt.s32 s14, $0x31  }
0x16: {  	s16 =	smov.u32 @p2 s12  }
0x17: {  	s14 =	simm.s32 @p2 $0x0;
	p2 =	sgt.s32 s16, $0xFFF  }
0x18: {  	s16 =	smov.u32 @p2 s2;
	p2 =	sne.s32 s11, s7  }
.Ltmp1:
0x19: {  	p1 =	slt.u32 s11, $0x2;
	(pc) =	sbr.rel @!p2 .LBB1_6-.Ltmp1, $4  }
0x1a: {  	s15 =	simm.s32 @!p1 $0x2  }
0x1b: {  	s13 =	smov.u32 s10;
	p0 =	por !p0, !p0;
	_ =	swait.ge @!p1 [sflag:s15], $0x2000  }
0x1c: {  	s12 =	smov.u32 s9;
	[sflag:s15] =	ssyncset.done @!p1 $0x0;
	s9 =	smov.u32 s14  }
0x1d: {  	s11 =	sadd.s32 $0x1, s11;
	[sflag:s15] =	ssyncadd.s32 @!p1 $0xFFFFE000;
	s10 =	smov.u32 s16  }
.LBB1_1:
0x1e: {  	p1 =	sge.u32 s11, s5  }
0x1f: {  	s14 =	sand.u32 @!p1 $0x1FFFFFF, s9  }
0x20: {  	s15 =	smulhi.u32 @!p1 $0x4924925, s14;
	_ =	sdelay $0x1  }
0x21: {  	s15 =	smul.u32 @!p1 $0x38, s15  }
0x22: {  	s16 =	sxor.u32 @!p1 $0xFFFFFFFF, s11;
	s17 =	smul.u32 @!p1 $0x380, s10  }
0x23: {  	s31 =	sadd.s32 $0xFFFFFFFF, s11;
	s16 =	sshll.u32 @!p1 s16, $0xD;
	s14 =	ssub.s32 @!p1 s14, s15  }
0x24: {  	s15 =	sand.u32 @!p1 $0x2000, s16;
	s16 =	sadd.s32 @!p1 s6, s17;
	s14 =	sshll.u32 @!p1 s14, $0x4  }
0x25: {  	s17 =	simm.s32 @!p1 $0x1C00;
	s14 =	sadd.s32 @!p1 s14, s16;
	s16 =	simm.s32 @!p1 $0x40  }
0x26: {  	[tilespmem:s15], [sflag:$0x1] =	stream.strided.gather @!p1 [hbm4b:s14+s16], $0x2000, s17, s16, $0x38;
	[tilespmem:$0x8080] =	vst v63  }
0x27: {  	p1 =	sge.u32 s31, s5  }
.Ltmp2:
0x28: {  	_ = 	snop;
	(pc) =	sbr.rel @p1 .LBB1_5-.Ltmp2, $1  }
0x29: {  	_ =	sdelay $0x3  }
0x2a: {  	s14 =	simm.s32 $0x1  }
0x2b: {  	_ =	swait.ge [sflag:s4], $0x2000;
	s14 =	simm.s32 @!p0 $0x0  }
0x2c: {  	[sflag:s4] =	ssyncset.done $0x0;
	s15 =	sshll.u32 s14, $0xD  }
0x2d: {  	[sflag:s4] =	ssyncadd.s32 $0xFFFFE000;
	s18 =	sor.u32 $0x20, s15  }
0x2e: {  	s14 =	smul.u32 $0x8100, s14;
	v3 =	vld [tilespmem:s18+$0x10]  }
0x2f: {  	s30 =	sand.u32 $0x1, s11;
	v2 =	vld [tilespmem:s18+$0xFFFFFFF0]  }
0x30: {  	s15 =	smul.u32 $0x8100, s30;
	s14 =	sshrl.u32 s14, $0x2;
	v0 =	vld [tilespmem:s18+$0x0]  }
0x31: {  	v1 =	vld [tilespmem:s18+$0xFFFFFFE0];
	s16 =	sor.u32 $0x4000, s14  }
0x32: {  	s31 =	sshrl.u32 s15, $0x2;
	s15 =	sadd.s32 $0x0, s16  }
0x33: {  	s17 =	simm.s32 $0x4;
	s18 =	sadd.s32 $0x40, s18;
	s14 =	sor.u32 $0x4000, s31;
	[tilespmem:s15+$0x1830 ss:$0x81] =	vst.msk $0xffff, v3  }
.LBB1_3:
0x34: {  	v3 =	vld [tilespmem:s18+$0x10];
	p1 =	sne.s32 s17, $0x1FC;
	[tilespmem:s15+$0x810 ss:$0x81] =	vst.msk $0xffff, v2;
	s19 =	smov.u32 s17;
	s17 =	sadd.s32 $0x4, s17  }
.Ltmp3:
0x35: {  	v2 =	vld [tilespmem:s18+$0xFFFFFFF0];
	[tilespmem:s15+$0x1020 ss:$0x81] =	vst.msk $0xffff, v0;
	(pc) =	sbr.rel @p1 .LBB1_3-.Ltmp3, $4  }
0x36: {  	v0 =	vld [tilespmem:s18+$0x0];
	[tilespmem:s15+$0x0 ss:$0x81] =	vst.msk $0xffff, v1  }
0x37: {  	s15 =	sshra.s32 s19, $0x2;
	v1 =	vld [tilespmem:s18+$0xFFFFFFE0]  }
0x38: {  	s15 =	sadd.s32 s15, s16  }
0x39: {  	s18 =	sadd.s32 $0x40, s18;
	[tilespmem:s15+$0x1830 ss:$0x81] =	vst.msk $0xffff, v3  }
.Ltmp4:
0x3a: {  	_ = 	snop;
	(pc) =	sbr.rel .LBB1_4-.Ltmp4, $1  }
0x3b: {  	_ =	sdelay $0x3  }
.LBB1_6:
0x3c: {  	_ =	sfence.sel $0x180000  }
0x3d: {  	s2 =	simm.s32 $0x1;
	[bflag:$0x0] =	sbarrier.arrive $0xFFFF  }
0x3e: {  	s31 =	simm.s32 $0x2;
	[sflag:s2] =	ssyncpa.u1 $0x1  }
0x3f: {  	[sflag:s31] =	ssyncpa.u1 $0x1  }
0x40: {  	p0 =	sne.s32 s0, $0x0;
	_ =	strace $0x9000004A  }
0x41: {  	s0 =	sadd.s32 @!p0 $0x100000, s1;
	[bflag:$0x2] =	sbarrier.arrive $0xFFFF  }
0x42: {  	[sflag:s0] =	ssyncadd.tile.s32 @!p0 $0x1;
	_ =	shalt  }
.Lfunc_end1:
_tile_overlayer_lowered:
.L_overlay_start_2:
0x43: {  	(tag) =	ssettag $0x2  }
0x44: {  	s0 =	rddreg [dreg:$0x0];
	s2 =	stileid.u32  }
0x45: {  	s1 =	rddreg [dreg:$0x1];
	p0 =	sne.s32 s2, $0x0  }
0x46: {  	s3 =	rddreg [dreg:$0x2];
	[bflag:$0x3] =	sbarrier.arrive $0xFFFF;
	s2 =	simm.s32 @!p0 $0x1C01  }
0x47: {  	[timem:s3], [sflag:s2] =	dma.local @!p0 [hbm:s0], s1  }
0x48: {  	s0 =	simm.s32 @!p0 $0x1  }
0x49: {  	_ =	swait.ge @!p0 [sflag:s0], s1  }
0x4a: {  	s1 =	ssub.s32 @!p0 $0x0, s1;
	[sflag:s0] =	ssyncset.done @!p0 $0x0  }
0x4b: {  	[sflag:s0] =	ssyncadd.s32 @!p0 s1  }
0x4c: {  	[bflag:$0x3] =	sbarrier.arrive $0xFFFF  }
0x4d: {  	_ =	shalt  }

</sc_bundles>
